<compile_context>
chip_gen: v7x
topology: tpu7x:2x2x1
jax: 0.10.2.dev20260603
libtpu: 0.0.44.dev20260713+nightly
codegen_flags: <defaults>
</compile_context>

<pallas_src>
import functools

import jax
import jax.numpy as jnp
from jax import lax
from jax.experimental import pallas as pl
from jax.experimental.pallas import tpu as pltpu
from jax.experimental.pallas import tpu_sc as plsc

_L = 16


@functools.partial(jax.jit, static_argnums=(3, 4, 5))
def _sc_lookup(pos2d, lut, emb_flat, N, D, W):
    info = plsc.get_sparse_core_info()
    NW = info.num_cores * info.num_subcores
    Bo = pos2d.shape[0]
    B = Bo * N
    per_w = B // NW
    ro_w = Bo // NW
    CH = 256
    n_ch = per_w // CH
    mesh = plsc.VectorSubcoreMesh(core_axis_name="c", subcore_axis_name="s")

    @functools.partial(
        pl.kernel,
        mesh=mesh,
        compiler_params=pltpu.CompilerParams(needs_layout_passes=False),
        out_type=jax.ShapeDtypeStruct((B, D), jnp.float32),
        scratch_types=[
            pltpu.VMEM((ro_w, N), jnp.int32),
            pltpu.VMEM((W * W,), jnp.int32),
            pltpu.VMEM((D * D,), jnp.float32),
            pltpu.VMEM((CH, D), jnp.float32),
            pltpu.VMEM((CH, D), jnp.float32),
            pltpu.SemaphoreType.DMA,
        ],
    )
    def body(pos_hbm, lut_hbm, emb_hbm, out_hbm,
             pos_v, lut_v, emb_v, rows0, rows1, wsem):
        wid = lax.axis_index("s") * info.num_cores + lax.axis_index("c")
        base = wid * per_w
        pltpu.sync_copy(lut_hbm, lut_v)
        pltpu.sync_copy(emb_hbm, emb_v)
        pltpu.sync_copy(pos_hbm.at[pl.ds(wid * ro_w, ro_w)], pos_v)

        rows = (rows0, rows1)
        col = jnp.arange(_L, dtype=jnp.int32)

        def start_write(c, buf):
            pltpu.async_copy(
                buf, out_hbm.at[pl.ds(base + c * CH, CH)], wsem)

        def drain_write(buf):
            pltpu.make_async_copy(
                buf, out_hbm.at[pl.ds(base, CH)], wsem).wait()

        def expand_chunk(c, buf):
            r0 = c * CH

            def group(g, carry):
                q = r0 + g * _L + col
                pos = plsc.load_gather(pos_v, [q // N, q % N])
                off = plsc.load_gather(lut_v, [pos]) * D
                dst0 = g * _L
                pend = []
                for i in range(_L):
                    addrs = lax.gather(
                        off, jnp.full((_L, 1), i, jnp.int32),
                        lax.GatherDimensionNumbers(
                            offset_dims=(), collapsed_slice_dims=(0,),
                            start_index_map=(0,)),
                        slice_sizes=(1,),
                        mode=lax.GatherScatterMode.PROMISE_IN_BOUNDS) + col
                    vals = [plsc.load_gather(emb_v, [addrs + j * _L])
                            for j in range(D // _L)]
                    if len(pend) == 2:
                        pdst, pvals = pend.pop(0)
                        for j, v in enumerate(pvals):
                            buf[pdst, pl.ds(j * _L, _L)] = v
                    pend.append((dst0 + i, vals))
                for pdst, pvals in pend:
                    for j, v in enumerate(pvals):
                        buf[pdst, pl.ds(j * _L, _L)] = v
                return carry

            lax.fori_loop(0, CH // _L, group, 0, unroll=2)

        def g_body(g, carry):
            for sub in range(2):
                c = g * 2 + sub
                buf = rows[sub]

                @pl.when(c >= 2)
                def _():
                    drain_write(buf)

                expand_chunk(c, buf)
                start_write(c, buf)
            return carry

        lax.fori_loop(0, n_ch // 2, g_body, 0)
        drain_write(rows0)
        drain_write(rows1)

    return body(pos2d, lut, emb_flat)


def kernel(pair_tensor, lookup_table, embedding):
    Bo, N, _ = pair_tensor.shape
    D = embedding.shape[1]
    W = lookup_table.shape[1]
    pos2d = pair_tensor[..., 0] * W + pair_tensor[..., 1]
    lut = lookup_table.reshape(W * W)
    out = _sc_lookup(pos2d, lut, embedding.reshape(D * D), N, D, W)
    return out.reshape(Bo, N, D)

# --- scband reference (transcript-rebuilt; emitter-appended) ---
"""Pipeline reference for scband-pair-embedding-32985348833544 (READ-ONLY COPY).

The authoritative reference and input builder live on the scoring server;
editing this copy changes nothing except your own understanding.
"""

import jax, jax.numpy as jnp
import numpy as np


def setup_inputs(seed: int = 0) -> dict:
    key = jax.random.key(seed)
    k1, k2 = jax.random.split(key)
    # pair_tensor: [batch, n, 2] with values in [0, 8) -- all pairs valid since
    # pair_list covers the full 8x8 grid in row-major order.
    pair_tensor = jax.random.randint(k1, (4096, 200, 2), 0, 8, dtype=jnp.int32)
    # lookup_table: (max_val+1, max_val+1) = (8, 8); pair_list is the full grid in
    # row-major order, so lookup_table[x, y] = x * 8 + y, i.e. arange(64).reshape(8, 8)
    lookup_table = jnp.arange(64, dtype=jnp.int32).reshape(8, 8)
    # embedding weight: nn.Embedding(len(pair_list)=64, embedding_dim=64)
    embedding = jax.random.normal(k2, (64, 64), dtype=jnp.float32)
    return {"pair_tensor": pair_tensor, "lookup_table": lookup_table, "embedding": embedding}


def reference(pair_tensor, lookup_table, embedding):
    # indices = self.lookup_table[pair_tensor[..., 0], pair_tensor[..., 1]]
    indices = lookup_table[pair_tensor[..., 0], pair_tensor[..., 1]]
    # embedded = self.embedding(indices)
    embedded = jnp.take(embedding, indices, axis=0)
    return embedded

if __name__ == "__main__":
    import jax
    _d = setup_inputs()
    print(jax.jit(kernel)(*tuple(_d.values())))

</pallas_src>

<mosaic_0001>
#map = affine_map<(d0, d1) -> (0, 0)>
#map1 = affine_map<(d0, d1) -> (0)>
module attributes {stable_mosaic.version = 14 : i64} {
  func.func @body(%arg0: i32, %arg1: i32, %arg2: memref<4096x200xi32, #tpu.memory_space<hbm>>, %arg3: memref<64xi32, #tpu.memory_space<hbm>>, %arg4: memref<4096xf32, #tpu.memory_space<hbm>>, %arg5: memref<819200x64xf32, #tpu.memory_space<hbm>>, %arg6: memref<128x200xi32, #tpu.memory_space<vmem>>, %arg7: memref<64xi32, #tpu.memory_space<vmem>>, %arg8: memref<4096xf32, #tpu.memory_space<vmem>>, %arg9: memref<256x64xf32, #tpu.memory_space<vmem>>, %arg10: memref<256x64xf32, #tpu.memory_space<vmem>>, %arg11: memref<!tpu.dma_semaphore, #tpu.memory_space<semaphore_mem>>) attributes {dimension_semantics = [#tpu.dimension_semantics<core_parallel>, #tpu.dimension_semantics<subcore_parallel>], iteration_bounds = array<i64: 2, 16>, scalar_prefetch = 0 : i64, scratch_operands = 6 : i64, tpu.core_type = #tpu.core_type<sc_vector_subcore>, window_params = [{transform_indices = #map}, {transform_indices = #map1}, {transform_indices = #map1}, {transform_indices = #map}]} {
    %mul3A = arith.constant 2 : i32
    %mul3A_0 = arith.muli %arg1, %mul3A : i32
    %add3A = arith.addi %mul3A_0, %arg0 : i32
    %mul3A_1 = arith.constant 25600 : i32
    %mul3A_2 = arith.muli %add3A, %mul3A_1 : i32
    "tpu.region"() ({
      %run_scoped3A = tpu.sem_alloc : memref<!tpu.dma_semaphore, #tpu.memory_space<semaphore_mem>>
      tpu.enqueue_dma source(%arg3 : memref<64xi32, #tpu.memory_space<hbm>>) target(%arg7 : memref<64xi32, #tpu.memory_space<vmem>>) target_semaphore(%run_scoped3A : memref<!tpu.dma_semaphore, #tpu.memory_space<semaphore_mem>>)
      tpu.wait_dma2 semaphore(%run_scoped3A : memref<!tpu.dma_semaphore, #tpu.memory_space<semaphore_mem>>) src(%arg3 : memref<64xi32, #tpu.memory_space<hbm>>) dst(%arg7 : memref<64xi32, #tpu.memory_space<vmem>>)
      tpu.yield
    }) : () -> ()
    "tpu.region"() ({
      %run_scoped3A = tpu.sem_alloc : memref<!tpu.dma_semaphore, #tpu.memory_space<semaphore_mem>>
      tpu.enqueue_dma source(%arg4 : memref<4096xf32, #tpu.memory_space<hbm>>) target(%arg8 : memref<4096xf32, #tpu.memory_space<vmem>>) target_semaphore(%run_scoped3A : memref<!tpu.dma_semaphore, #tpu.memory_space<semaphore_mem>>)
      tpu.wait_dma2 semaphore(%run_scoped3A : memref<!tpu.dma_semaphore, #tpu.memory_space<semaphore_mem>>) src(%arg4 : memref<4096xf32, #tpu.memory_space<hbm>>) dst(%arg8 : memref<4096xf32, #tpu.memory_space<vmem>>)
      tpu.yield
    }) : () -> ()
    %mul3A_3 = arith.constant 128 : i32
    %mul3A_4 = arith.muli %add3A, %mul3A_3 : i32
    "tpu.region"() ({
      %run_scoped3A = tpu.sem_alloc : memref<!tpu.dma_semaphore, #tpu.memory_space<semaphore_mem>>
      %dma_start3A = arith.constant 0 : i32
      %dma_start3A_17 = tpu.memref_slice %arg2[%mul3A_4, %dma_start3A] : memref<4096x200xi32, #tpu.memory_space<hbm>> -> memref<128x200xi32, #tpu.memory_space<hbm>>
      %dma_start3A_18 = arith.constant 0 : i32
      %dma_start3A_19 = tpu.memref_slice %arg2[%mul3A_4, %dma_start3A_18] : memref<4096x200xi32, #tpu.memory_space<hbm>> -> memref<128x200xi32, #tpu.memory_space<hbm>>
      tpu.enqueue_dma source(%dma_start3A_19 : memref<128x200xi32, #tpu.memory_space<hbm>>) target(%arg6 : memref<128x200xi32, #tpu.memory_space<vmem>>) target_semaphore(%run_scoped3A : memref<!tpu.dma_semaphore, #tpu.memory_space<semaphore_mem>>)
      %dma_wait3A_20 = arith.constant 0 : i32
      %dma_wait3A_21 = tpu.memref_slice %arg2[%mul3A_4, %dma_wait3A_20] : memref<4096x200xi32, #tpu.memory_space<hbm>> -> memref<128x200xi32, #tpu.memory_space<hbm>>
      %dma_wait3A_22 = arith.constant 0 : i32
      %dma_wait3A_23 = tpu.memref_slice %arg2[%mul3A_4, %dma_wait3A_22] : memref<4096x200xi32, #tpu.memory_space<hbm>> -> memref<128x200xi32, #tpu.memory_space<hbm>>
      tpu.wait_dma2 semaphore(%run_scoped3A : memref<!tpu.dma_semaphore, #tpu.memory_space<semaphore_mem>>) src(%dma_wait3A_23 : memref<128x200xi32, #tpu.memory_space<hbm>>) dst(%arg6 : memref<128x200xi32, #tpu.memory_space<vmem>>)
      tpu.yield
    }) : () -> ()
    %iota3A = tpu.iota {dimensions = array<i32: 0>} : vector<16xi32>
    %scan3A = arith.constant 0 : i32
    %scan3A_5 = arith.constant 0 : i32
    %scan3A_6 = arith.constant 50 : i32
    %scan3A_7 = arith.addi %scan3A_5, %scan3A_6 : i32
    %scan3A_8 = arith.constant 1 : i32
    scf.for %scan3A_17 = %scan3A_5 to %scan3A_7 step %scan3A_8  : i32 {
      %mul3A_18 = arith.constant 2 : i32
      %mul3A_19 = arith.muli %scan3A_17, %mul3A_18 : i32
      %add3A_20 = arith.constant 0 : i32
      %add3A_21 = arith.addi %mul3A_19, %add3A_20 : i32
      %ge3A = arith.constant 2 : i32
      %ge3A_22 = arith.cmpi sge, %add3A_21, %ge3A : i32
      %convert_element_type3A = arith.extui %ge3A_22 : i1 to i32
      %cond3A = arith.constant 0 : i32
      %cond3A_23 = arith.cmpi ne, %convert_element_type3A, %cond3A : i32
      scf.if %cond3A_23 {
        %dma_wait3A_62 = arith.constant 0 : i32
        %dma_wait3A_63 = tpu.memref_slice %arg5[%mul3A_2, %dma_wait3A_62] : memref<819200x64xf32, #tpu.memory_space<hbm>> -> memref<256x64xf32, #tpu.memory_space<hbm>>
        %dma_wait3A_64 = arith.constant 0 : i32
        %dma_wait3A_65 = tpu.memref_slice %arg5[%mul3A_2, %dma_wait3A_64] : memref<819200x64xf32, #tpu.memory_space<hbm>> -> memref<256x64xf32, #tpu.memory_space<hbm>>
        tpu.wait_dma2 semaphore(%arg11 : memref<!tpu.dma_semaphore, #tpu.memory_space<semaphore_mem>>) src(%arg9 : memref<256x64xf32, #tpu.memory_space<vmem>>) dst(%dma_wait3A_65 : memref<256x64xf32, #tpu.memory_space<hbm>>)
      } else {
      }
      %mul3A_24 = arith.constant 256 : i32
      %mul3A_25 = arith.muli %add3A_21, %mul3A_24 : i32
      %scan3A_26 = arith.constant 0 : i32
      %scan3A_27 = arith.constant 0 : i32
      %scan3A_28 = arith.constant 16 : i32
      %scan3A_29 = arith.addi %scan3A_27, %scan3A_28 : i32
      %scan3A_30 = arith.constant 2 : i32
      scf.for %scan3A_62 = %scan3A_27 to %scan3A_29 step %scan3A_30  : i32 {
        %mul3A_63 = arith.constant 16 : i32
        %mul3A_64 = arith.muli %scan3A_62, %mul3A_63 : i32
        %add3A_65 = arith.addi %mul3A_25, %mul3A_64 : i32
        %add3A_66 = vector.broadcast %add3A_65 : i32 to vector<16xi32>
        %add3A_67 = arith.addi %add3A_66, %iota3A : vector<16xi32>
        %jit3A = arith.constant 200 : i32
        %div3A = vector.broadcast %jit3A : i32 to vector<16xi32>
        %div3A_68 = arith.divsi %add3A_67, %div3A : vector<16xi32>
        %sign3A = arith.constant 0 : i32
        %sign3A_69 = vector.broadcast %sign3A : i32 to vector<16xi32>
        %sign3A_70 = arith.cmpi sgt, %add3A_67, %sign3A_69 : vector<16xi32>
        %sign3A_71 = arith.extui %sign3A_70 : vector<16xi1> to vector<16xi32>
        %sign3A_72 = arith.constant 0 : i32
        %sign3A_73 = vector.broadcast %sign3A_72 : i32 to vector<16xi32>
        %sign3A_74 = arith.cmpi slt, %add3A_67, %sign3A_73 : vector<16xi32>
        %sign3A_75 = arith.extui %sign3A_74 : vector<16xi1> to vector<16xi32>
        %sign3A_76 = arith.subi %sign3A_71, %sign3A_75 : vector<16xi32>
        %sign3A_77 = arith.constant 0 : i32
        %sign3A_78 = arith.cmpi sgt, %jit3A, %sign3A_77 : i32
        %sign3A_79 = arith.extui %sign3A_78 : i1 to i32
        %sign3A_80 = arith.constant 0 : i32
        %sign3A_81 = arith.cmpi slt, %jit3A, %sign3A_80 : i32
        %sign3A_82 = arith.extui %sign3A_81 : i1 to i32
        %sign3A_83 = arith.subi %sign3A_79, %sign3A_82 : i32
        %ne3A = vector.broadcast %sign3A_83 : i32 to vector<16xi32>
        %ne3A_84 = arith.cmpi ne, %sign3A_76, %ne3A : vector<16xi32>
        %rem3A = vector.broadcast %jit3A : i32 to vector<16xi32>
        %rem3A_85 = arith.remsi %add3A_67, %rem3A : vector<16xi32>
        %ne3A_86 = arith.constant 0 : i32
        %ne3A_87 = vector.broadcast %ne3A_86 : i32 to vector<16xi32>
        %ne3A_88 = arith.cmpi ne, %rem3A_85, %ne3A_87 : vector<16xi32>
        %and3A = arith.andi %ne3A_84, %ne3A_88 : vector<16xi1>
        %sub3A = arith.constant 1 : i32
        %sub3A_89 = vector.broadcast %sub3A : i32 to vector<16xi32>
        %sub3A_90 = arith.subi %div3A_68, %sub3A_89 : vector<16xi32>
        %select_n3A = arith.select %and3A, %sub3A_90, %div3A_68 : vector<16xi1>, vector<16xi32>
        %jit3A_91 = arith.constant 200 : i32
        %eq3A = arith.constant 0 : i32
        %eq3A_92 = arith.cmpi eq, %jit3A_91, %eq3A : i32
        %jit3A_93 = arith.constant 1 : i32
        %select_n3A_94 = arith.select %eq3A_92, %jit3A_93, %jit3A_91 : i32
        %rem3A_95 = vector.broadcast %select_n3A_94 : i32 to vector<16xi32>
        %rem3A_96 = arith.remsi %add3A_67, %rem3A_95 : vector<16xi32>
        %ne3A_97 = arith.constant 0 : i32
        %ne3A_98 = vector.broadcast %ne3A_97 : i32 to vector<16xi32>
        %ne3A_99 = arith.cmpi ne, %rem3A_96, %ne3A_98 : vector<16xi32>
        %lt3A = arith.constant 0 : i32
        %lt3A_100 = vector.broadcast %lt3A : i32 to vector<16xi32>
        %lt3A_101 = arith.cmpi slt, %rem3A_96, %lt3A_100 : vector<16xi32>
        %lt3A_102 = arith.constant 0 : i32
        %lt3A_103 = arith.cmpi slt, %select_n3A_94, %lt3A_102 : i32
        %ne3A_104 = vector.broadcast %lt3A_103 : i1 to vector<16xi1>
        %ne3A_105 = vector.broadcast %ne3A_104 : vector<16xi1> to vector<16xi1>
        %ne3A_106 = arith.xori %lt3A_101, %ne3A_105 : vector<16xi1>
        %and3A_107 = arith.andi %ne3A_106, %ne3A_99 : vector<16xi1>
        %add3A_108 = vector.broadcast %select_n3A_94 : i32 to vector<16xi32>
        %add3A_109 = arith.addi %rem3A_96, %add3A_108 : vector<16xi32>
        %select_n3A_110 = arith.select %and3A_107, %add3A_109, %rem3A_96 : vector<16xi1>, vector<16xi32>
        %gather3A = tpu.vector_load_idx %arg6[%select_n3A, %select_n3A_110] : memref<128x200xi32, #tpu.memory_space<vmem>>[vector<16xi32>, vector<16xi32>], vector<16xi32>,
        %gather3A_111 = tpu.vector_load_idx %arg7[%gather3A] : memref<64xi32, #tpu.memory_space<vmem>>[vector<16xi32>], vector<16xi32>,
        %mul3A_112 = arith.constant 64 : i32
        %mul3A_113 = vector.broadcast %mul3A_112 : i32 to vector<16xi32>
        %mul3A_114 = arith.muli %gather3A_111, %mul3A_113 : vector<16xi32>
        %mul3A_115 = arith.constant 16 : i32
        %mul3A_116 = arith.muli %scan3A_62, %mul3A_115 : i32
        %broadcast_in_dim3A = arith.constant 0 : i32
        %broadcast_in_dim3A_117 = vector.broadcast %broadcast_in_dim3A : i32 to vector<16x1xi32>
        %gather3A_118 = vector.shape_cast %broadcast_in_dim3A_117 : vector<16x1xi32> to vector<16xi32>
        %gather3A_119 = tpu.dynamic_gather %mul3A_114[%gather3A_118] in [0] : vector<16xi32>, vector<16xi32> -> vector<16xi32>
        %add3A_120 = arith.addi %gather3A_119, %iota3A : vector<16xi32>
        %add3A_121 = arith.constant 0 : i32
        %add3A_122 = vector.broadcast %add3A_121 : i32 to vector<16xi32>
        %add3A_123 = arith.addi %add3A_120, %add3A_122 : vector<16xi32>
        %gather3A_124 = tpu.vector_load_idx %arg8[%add3A_123] : memref<4096xf32, #tpu.memory_space<vmem>>[vector<16xi32>], vector<16xf32>,
        %add3A_125 = arith.constant 16 : i32
        %add3A_126 = vector.broadcast %add3A_125 : i32 to vector<16xi32>
        %add3A_127 = arith.addi %add3A_120, %add3A_126 : vector<16xi32>
        %gather3A_128 = tpu.vector_load_idx %arg8[%add3A_127] : memref<4096xf32, #tpu.memory_space<vmem>>[vector<16xi32>], vector<16xf32>,
        %add3A_129 = arith.constant 32 : i32
        %add3A_130 = vector.broadcast %add3A_129 : i32 to vector<16xi32>
        %add3A_131 = arith.addi %add3A_120, %add3A_130 : vector<16xi32>
        %gather3A_132 = tpu.vector_load_idx %arg8[%add3A_131] : memref<4096xf32, #tpu.memory_space<vmem>>[vector<16xi32>], vector<16xf32>,
        %add3A_133 = arith.constant 48 : i32
        %add3A_134 = vector.broadcast %add3A_133 : i32 to vector<16xi32>
        %add3A_135 = arith.addi %add3A_120, %add3A_134 : vector<16xi32>
        %gather3A_136 = tpu.vector_load_idx %arg8[%add3A_135] : memref<4096xf32, #tpu.memory_space<vmem>>[vector<16xi32>], vector<16xf32>,
        %add3A_137 = arith.constant 0 : i32
        %add3A_138 = arith.addi %mul3A_116, %add3A_137 : i32
        %broadcast_in_dim3A_139 = arith.constant 1 : i32
        %broadcast_in_dim3A_140 = vector.broadcast %broadcast_in_dim3A_139 : i32 to vector<16x1xi32>
        %gather3A_141 = vector.shape_cast %broadcast_in_dim3A_140 : vector<16x1xi32> to vector<16xi32>
        %gather3A_142 = tpu.dynamic_gather %mul3A_114[%gather3A_141] in [0] : vector<16xi32>, vector<16xi32> -> vector<16xi32>
        %add3A_143 = arith.addi %gather3A_142, %iota3A : vector<16xi32>
        %add3A_144 = arith.constant 0 : i32
        %add3A_145 = vector.broadcast %add3A_144 : i32 to vector<16xi32>
        %add3A_146 = arith.addi %add3A_143, %add3A_145 : vector<16xi32>
        %gather3A_147 = tpu.vector_load_idx %arg8[%add3A_146] : memref<4096xf32, #tpu.memory_space<vmem>>[vector<16xi32>], vector<16xf32>,
        %add3A_148 = arith.constant 16 : i32
        %add3A_149 = vector.broadcast %add3A_148 : i32 to vector<16xi32>
        %add3A_150 = arith.addi %add3A_143, %add3A_149 : vector<16xi32>
        %gather3A_151 = tpu.vector_load_idx %arg8[%add3A_150] : memref<4096xf32, #tpu.memory_space<vmem>>[vector<16xi32>], vector<16xf32>,
        %add3A_152 = arith.constant 32 : i32
        %add3A_153 = vector.broadcast %add3A_152 : i32 to vector<16xi32>
        %add3A_154 = arith.addi %add3A_143, %add3A_153 : vector<16xi32>
        %gather3A_155 = tpu.vector_load_idx %arg8[%add3A_154] : memref<4096xf32, #tpu.memory_space<vmem>>[vector<16xi32>], vector<16xf32>,
        %add3A_156 = arith.constant 48 : i32
        %add3A_157 = vector.broadcast %add3A_156 : i32 to vector<16xi32>
        %add3A_158 = arith.addi %add3A_143, %add3A_157 : vector<16xi32>
        %gather3A_159 = tpu.vector_load_idx %arg8[%add3A_158] : memref<4096xf32, #tpu.memory_space<vmem>>[vector<16xi32>], vector<16xf32>,
        %add3A_160 = arith.constant 1 : i32
        %add3A_161 = arith.addi %mul3A_116, %add3A_160 : i32
        %broadcast_in_dim3A_162 = arith.constant 2 : i32
        %broadcast_in_dim3A_163 = vector.broadcast %broadcast_in_dim3A_162 : i32 to vector<16x1xi32>
        %gather3A_164 = vector.shape_cast %broadcast_in_dim3A_163 : vector<16x1xi32> to vector<16xi32>
        %gather3A_165 = tpu.dynamic_gather %mul3A_114[%gather3A_164] in [0] : vector<16xi32>, vector<16xi32> -> vector<16xi32>
        %add3A_166 = arith.addi %gather3A_165, %iota3A : vector<16xi32>
        %add3A_167 = arith.constant 0 : i32
        %add3A_168 = vector.broadcast %add3A_167 : i32 to vector<16xi32>
        %add3A_169 = arith.addi %add3A_166, %add3A_168 : vector<16xi32>
        %gather3A_170 = tpu.vector_load_idx %arg8[%add3A_169] : memref<4096xf32, #tpu.memory_space<vmem>>[vector<16xi32>], vector<16xf32>,
        %add3A_171 = arith.constant 16 : i32
        %add3A_172 = vector.broadcast %add3A_171 : i32 to vector<16xi32>
        %add3A_173 = arith.addi %add3A_166, %add3A_172 : vector<16xi32>
        %gather3A_174 = tpu.vector_load_idx %arg8[%add3A_173] : memref<4096xf32, #tpu.memory_space<vmem>>[vector<16xi32>], vector<16xf32>,
        %add3A_175 = arith.constant 32 : i32
        %add3A_176 = vector.broadcast %add3A_175 : i32 to vector<16xi32>
        %add3A_177 = arith.addi %add3A_166, %add3A_176 : vector<16xi32>
        %gather3A_178 = tpu.vector_load_idx %arg8[%add3A_177] : memref<4096xf32, #tpu.memory_space<vmem>>[vector<16xi32>], vector<16xf32>,
        %add3A_179 = arith.constant 48 : i32
        %add3A_180 = vector.broadcast %add3A_179 : i32 to vector<16xi32>
        %add3A_181 = arith.addi %add3A_166, %add3A_180 : vector<16xi32>
        %gather3A_182 = tpu.vector_load_idx %arg8[%add3A_181] : memref<4096xf32, #tpu.memory_space<vmem>>[vector<16xi32>], vector<16xf32>,
        %swap3A = arith.index_cast %add3A_138 : i32 to index
        %swap3A_183 = arith.constant 0 : index
        %swap3A_184 = tpu.vector_load %arg9[%swap3A, %swap3A_183] {strides = array<i32>} : memref<256x64xf32, #tpu.memory_space<vmem>>, vector<16xf32>,
        tpu.vector_store %arg9[%swap3A, %swap3A_183], %gather3A_124 {strides = array<i32>} : memref<256x64xf32, #tpu.memory_space<vmem>>, vector<16xf32>,
        %swap3A_185 = arith.index_cast %add3A_138 : i32 to index
        %swap3A_186 = arith.constant 16 : index
        %swap3A_187 = tpu.vector_load %arg9[%swap3A_185, %swap3A_186] {strides = array<i32>} : memref<256x64xf32, #tpu.memory_space<vmem>>, vector<16xf32>,
        tpu.vector_store %arg9[%swap3A_185, %swap3A_186], %gather3A_128 {strides = array<i32>} : memref<256x64xf32, #tpu.memory_space<vmem>>, vector<16xf32>,
        %swap3A_188 = arith.index_cast %add3A_138 : i32 to index
        %swap3A_189 = arith.constant 32 : index
        %swap3A_190 = tpu.vector_load %arg9[%swap3A_188, %swap3A_189] {strides = array<i32>} : memref<256x64xf32, #tpu.memory_space<vmem>>, vector<16xf32>,
        tpu.vector_store %arg9[%swap3A_188, %swap3A_189], %gather3A_132 {strides = array<i32>} : memref<256x64xf32, #tpu.memory_space<vmem>>, vector<16xf32>,
        %swap3A_191 = arith.index_cast %add3A_138 : i32 to index
        %swap3A_192 = arith.constant 48 : index
        %swap3A_193 = tpu.vector_load %arg9[%swap3A_191, %swap3A_192] {strides = array<i32>} : memref<256x64xf32, #tpu.memory_space<vmem>>, vector<16xf32>,
        tpu.vector_store %arg9[%swap3A_191, %swap3A_192], %gather3A_136 {strides = array<i32>} : memref<256x64xf32, #tpu.memory_space<vmem>>, vector<16xf32>,
        %add3A_194 = arith.constant 2 : i32
        %add3A_195 = arith.addi %mul3A_116, %add3A_194 : i32
        %broadcast_in_dim3A_196 = arith.constant 3 : i32
        %broadcast_in_dim3A_197 = vector.broadcast %broadcast_in_dim3A_196 : i32 to vector<16x1xi32>
        %gather3A_198 = vector.shape_cast %broadcast_in_dim3A_197 : vector<16x1xi32> to vector<16xi32>
        %gather3A_199 = tpu.dynamic_gather %mul3A_114[%gather3A_198] in [0] : vector<16xi32>, vector<16xi32> -> vector<16xi32>
        %add3A_200 = arith.addi %gather3A_199, %iota3A : vector<16xi32>
        %add3A_201 = arith.constant 0 : i32
        %add3A_202 = vector.broadcast %add3A_201 : i32 to vector<16xi32>
        %add3A_203 = arith.addi %add3A_200, %add3A_202 : vector<16xi32>
        %gather3A_204 = tpu.vector_load_idx %arg8[%add3A_203] : memref<4096xf32, #tpu.memory_space<vmem>>[vector<16xi32>], vector<16xf32>,
        %add3A_205 = arith.constant 16 : i32
        %add3A_206 = vector.broadcast %add3A_205 : i32 to vector<16xi32>
        %add3A_207 = arith.addi %add3A_200, %add3A_206 : vector<16xi32>
        %gather3A_208 = tpu.vector_load_idx %arg8[%add3A_207] : memref<4096xf32, #tpu.memory_space<vmem>>[vector<16xi32>], vector<16xf32>,
        %add3A_209 = arith.constant 32 : i32
        %add3A_210 = vector.broadcast %add3A_209 : i32 to vector<16xi32>
        %add3A_211 = arith.addi %add3A_200, %add3A_210 : vector<16xi32>
        %gather3A_212 = tpu.vector_load_idx %arg8[%add3A_211] : memref<4096xf32, #tpu.memory_space<vmem>>[vector<16xi32>], vector<16xf32>,
        %add3A_213 = arith.constant 48 : i32
        %add3A_214 = vector.broadcast %add3A_213 : i32 to vector<16xi32>
        %add3A_215 = arith.addi %add3A_200, %add3A_214 : vector<16xi32>
        %gather3A_216 = tpu.vector_load_idx %arg8[%add3A_215] : memref<4096xf32, #tpu.memory_space<vmem>>[vector<16xi32>], vector<16xf32>,
        %swap3A_217 = arith.index_cast %add3A_161 : i32 to index
        %swap3A_218 = arith.constant 0 : index
        %swap3A_219 = tpu.vector_load %arg9[%swap3A_217, %swap3A_218] {strides = array<i32>} : memref<256x64xf32, #tpu.memory_space<vmem>>, vector<16xf32>,
        tpu.vector_store %arg9[%swap3A_217, %swap3A_218], %gather3A_147 {strides = array<i32>} : memref<256x64xf32, #tpu.memory_space<vmem>>, vector<16xf32>,
        %swap3A_220 = arith.index_cast %add3A_161 : i32 to index
        %swap3A_221 = arith.constant 16 : index
        %swap3A_222 = tpu.vector_load %arg9[%swap3A_220, %swap3A_221] {strides = array<i32>} : memref<256x64xf32, #tpu.memory_space<vmem>>, vector<16xf32>,
        tpu.vector_store %arg9[%swap3A_220, %swap3A_221], %gather3A_151 {strides = array<i32>} : memref<256x64xf32, #tpu.memory_space<vmem>>, vector<16xf32>,
        %swap3A_223 = arith.index_cast %add3A_161 : i32 to index
        %swap3A_224 = arith.constant 32 : index
        %swap3A_225 = tpu.vector_load %arg9[%swap3A_223, %swap3A_224] {strides = array<i32>} : memref<256x64xf32, #tpu.memory_space<vmem>>, vector<16xf32>,
        tpu.vector_store %arg9[%swap3A_223, %swap3A_224], %gather3A_155 {strides = array<i32>} : memref<256x64xf32, #tpu.memory_space<vmem>>, vector<16xf32>,
        %swap3A_226 = arith.index_cast %add3A_161 : i32 to index
        %swap3A_227 = arith.constant 48 : index
        %swap3A_228 = tpu.vector_load %arg9[%swap3A_226, %swap3A_227] {strides = array<i32>} : memref<256x64xf32, #tpu.memory_space<vmem>>, vector<16xf32>,
        tpu.vector_store %arg9[%swap3A_226, %swap3A_227], %gather3A_159 {strides = array<i32>} : memref<256x64xf32, #tpu.memory_space<vmem>>, vector<16xf32>,
        %add3A_229 = arith.constant 3 : i32
        %add3A_230 = arith.addi %mul3A_116, %add3A_229 : i32
        %broadcast_in_dim3A_231 = arith.constant 4 : i32
        %broadcast_in_dim3A_232 = vector.broadcast %broadcast_in_dim3A_231 : i32 to vector<16x1xi32>
        %gather3A_233 = vector.shape_cast %broadcast_in_dim3A_232 : vector<16x1xi32> to vector<16xi32>
        %gather3A_234 = tpu.dynamic_gather %mul3A_114[%gather3A_233] in [0] : vector<16xi32>, vector<16xi32> -> vector<16xi32>
        %add3A_235 = arith.addi %gather3A_234, %iota3A : vector<16xi32>
        %add3A_236 = arith.constant 0 : i32
        %add3A_237 = vector.broadcast %add3A_236 : i32 to vector<16xi32>
        %add3A_238 = arith.addi %add3A_235, %add3A_237 : vector<16xi32>
        %gather3A_239 = tpu.vector_load_idx %arg8[%add3A_238] : memref<4096xf32, #tpu.memory_space<vmem>>[vector<16xi32>], vector<16xf32>,
        %add3A_240 = arith.constant 16 : i32
        %add3A_241 = vector.broadcast %add3A_240 : i32 to vector<16xi32>
        %add3A_242 = arith.addi %add3A_235, %add3A_241 : vector<16xi32>
        %gather3A_243 = tpu.vector_load_idx %arg8[%add3A_242] : memref<4096xf32, #tpu.memory_space<vmem>>[vector<16xi32>], vector<16xf32>,
        %add3A_244 = arith.constant 32 : i32
        %add3A_245 = vector.broadcast %add3A_244 : i32 to vector<16xi32>
        %add3A_246 = arith.addi %add3A_235, %add3A_245 : vector<16xi32>
        %gather3A_247 = tpu.vector_load_idx %arg8[%add3A_246] : memref<4096xf32, #tpu.memory_space<vmem>>[vector<16xi32>], vector<16xf32>,
        %add3A_248 = arith.constant 48 : i32
        %add3A_249 = vector.broadcast %add3A_248 : i32 to vector<16xi32>
        %add3A_250 = arith.addi %add3A_235, %add3A_249 : vector<16xi32>
        %gather3A_251 = tpu.vector_load_idx %arg8[%add3A_250] : memref<4096xf32, #tpu.memory_space<vmem>>[vector<16xi32>], vector<16xf32>,
        %swap3A_252 = arith.index_cast %add3A_195 : i32 to index
        %swap3A_253 = arith.constant 0 : index
        %swap3A_254 = tpu.vector_load %arg9[%swap3A_252, %swap3A_253] {strides = array<i32>} : memref<256x64xf32, #tpu.memory_space<vmem>>, vector<16xf32>,
        tpu.vector_store %arg9[%swap3A_252, %swap3A_253], %gather3A_170 {strides = array<i32>} : memref<256x64xf32, #tpu.memory_space<vmem>>, vector<16xf32>,
        %swap3A_255 = arith.index_cast %add3A_195 : i32 to index
        %swap3A_256 = arith.constant 16 : index
        %swap3A_257 = tpu.vector_load %arg9[%swap3A_255, %swap3A_256] {strides = array<i32>} : memref<256x64xf32, #tpu.memory_space<vmem>>, vector<16xf32>,
        tpu.vector_store %arg9[%swap3A_255, %swap3A_256], %gather3A_174 {strides = array<i32>} : memref<256x64xf32, #tpu.memory_space<vmem>>, vector<16xf32>,
        %swap3A_258 = arith.index_cast %add3A_195 : i32 to index
        %swap3A_259 = arith.constant 32 : index
        %swap3A_260 = tpu.vector_load %arg9[%swap3A_258, %swap3A_259] {strides = array<i32>} : memref<256x64xf32, #tpu.memory_space<vmem>>, vector<16xf32>,
        tpu.vector_store %arg9[%swap3A_258, %swap3A_259], %gather3A_178 {strides = array<i32>} : memref<256x64xf32, #tpu.memory_space<vmem>>, vector<16xf32>,
        %swap3A_261 = arith.index_cast %add3A_195 : i32 to index
        %swap3A_262 = arith.constant 48 : index
        %swap3A_263 = tpu.vector_load %arg9[%swap3A_261, %swap3A_262] {strides = array<i32>} : memref<256x64xf32, #tpu.memory_space<vmem>>, vector<16xf32>,
        tpu.vector_store %arg9[%swap3A_261, %swap3A_262], %gather3A_182 {strides = array<i32>} : memref<256x64xf32, #tpu.memory_space<vmem>>, vector<16xf32>,
        %add3A_264 = arith.constant 4 : i32
        %add3A_265 = arith.addi %mul3A_116, %add3A_264 : i32
        %broadcast_in_dim3A_266 = arith.constant 5 : i32
        %broadcast_in_dim3A_267 = vector.broadcast %broadcast_in_dim3A_266 : i32 to vector<16x1xi32>
        %gather3A_268 = vector.shape_cast %broadcast_in_dim3A_267 : vector<16x1xi32> to vector<16xi32>
        %gather3A_269 = tpu.dynamic_gather %mul3A_114[%gather3A_268] in [0] : vector<16xi32>, vector<16xi32> -> vector<16xi32>
        %add3A_270 = arith.addi %gather3A_269, %iota3A : vector<16xi32>
        %add3A_271 = arith.constant 0 : i32
        %add3A_272 = vector.broadcast %add3A_271 : i32 to vector<16xi32>
        %add3A_273 = arith.addi %add3A_270, %add3A_272 : vector<16xi32>
        %gather3A_274 = tpu.vector_load_idx %arg8[%add3A_273] : memref<4096xf32, #tpu.memory_space<vmem>>[vector<16xi32>], vector<16xf32>,
        %add3A_275 = arith.constant 16 : i32
        %add3A_276 = vector.broadcast %add3A_275 : i32 to vector<16xi32>
        %add3A_277 = arith.addi %add3A_270, %add3A_276 : vector<16xi32>
        %gather3A_278 = tpu.vector_load_idx %arg8[%add3A_277] : memref<4096xf32, #tpu.memory_space<vmem>>[vector<16xi32>], vector<16xf32>,
        %add3A_279 = arith.constant 32 : i32
        %add3A_280 = vector.broadcast %add3A_279 : i32 to vector<16xi32>
        %add3A_281 = arith.addi %add3A_270, %add3A_280 : vector<16xi32>
        %gather3A_282 = tpu.vector_load_idx %arg8[%add3A_281] : memref<4096xf32, #tpu.memory_space<vmem>>[vector<16xi32>], vector<16xf32>,
        %add3A_283 = arith.constant 48 : i32
        %add3A_284 = vector.broadcast %add3A_283 : i32 to vector<16xi32>
        %add3A_285 = arith.addi %add3A_270, %add3A_284 : vector<16xi32>
        %gather3A_286 = tpu.vector_load_idx %arg8[%add3A_285] : memref<4096xf32, #tpu.memory_space<vmem>>[vector<16xi32>], vector<16xf32>,
        %swap3A_287 = arith.index_cast %add3A_230 : i32 to index
        %swap3A_288 = arith.constant 0 : index
        %swap3A_289 = tpu.vector_load %arg9[%swap3A_287, %swap3A_288] {strides = array<i32>} : memref<256x64xf32, #tpu.memory_space<vmem>>, vector<16xf32>,
        tpu.vector_store %arg9[%swap3A_287, %swap3A_288], %gather3A_204 {strides = array<i32>} : memref<256x64xf32, #tpu.memory_space<vmem>>, vector<16xf32>,
        %swap3A_290 = arith.index_cast %add3A_230 : i32 to index
        %swap3A_291 = arith.constant 16 : index
        %swap3A_292 = tpu.vector_load %arg9[%swap3A_290, %swap3A_291] {strides = array<i32>} : memref<256x64xf32, #tpu.memory_space<vmem>>, vector<16xf32>,
        tpu.vector_store %arg9[%swap3A_290, %swap3A_291], %gather3A_208 {strides = array<i32>} : memref<256x64xf32, #tpu.memory_space<vmem>>, vector<16xf32>,
        %swap3A_293 = arith.index_cast %add3A_230 : i32 to index
        %swap3A_294 = arith.constant 32 : index
        %swap3A_295 = tpu.vector_load %arg9[%swap3A_293, %swap3A_294] {strides = array<i32>} : memref<256x64xf32, #tpu.memory_space<vmem>>, vector<16xf32>,
        tpu.vector_store %arg9[%swap3A_293, %swap3A_294], %gather3A_212 {strides = array<i32>} : memref<256x64xf32, #tpu.memory_space<vmem>>, vector<16xf32>,
        %swap3A_296 = arith.index_cast %add3A_230 : i32 to index
        %swap3A_297 = arith.constant 48 : index
        %swap3A_298 = tpu.vector_load %arg9[%swap3A_296, %swap3A_297] {strides = array<i32>} : memref<256x64xf32, #tpu.memory_space<vmem>>, vector<16xf32>,
        tpu.vector_store %arg9[%swap3A_296, %swap3A_297], %gather3A_216 {strides = array<i32>} : memref<256x64xf32, #tpu.memory_space<vmem>>, vector<16xf32>,
        %add3A_299 = arith.constant 5 : i32
        %add3A_300 = arith.addi %mul3A_116, %add3A_299 : i32
        %broadcast_in_dim3A_301 = arith.constant 6 : i32
        %broadcast_in_dim3A_302 = vector.broadcast %broadcast_in_dim3A_301 : i32 to vector<16x1xi32>
        %gather3A_303 = vector.shape_cast %broadcast_in_dim3A_302 : vector<16x1xi32> to vector<16xi32>
        %gather3A_304 = tpu.dynamic_gather %mul3A_114[%gather3A_303] in [0] : vector<16xi32>, vector<16xi32> -> vector<16xi32>
        %add3A_305 = arith.addi %gather3A_304, %iota3A : vector<16xi32>
        %add3A_306 = arith.constant 0 : i32
        %add3A_307 = vector.broadcast %add3A_306 : i32 to vector<16xi32>
        %add3A_308 = arith.addi %add3A_305, %add3A_307 : vector<16xi32>
        %gather3A_309 = tpu.vector_load_idx %arg8[%add3A_308] : memref<4096xf32, #tpu.memory_space<vmem>>[vector<16xi32>], vector<16xf32>,
        %add3A_310 = arith.constant 16 : i32
        %add3A_311 = vector.broadcast %add3A_310 : i32 to vector<16xi32>
        %add3A_312 = arith.addi %add3A_305, %add3A_311 : vector<16xi32>
        %gather3A_313 = tpu.vector_load_idx %arg8[%add3A_312] : memref<4096xf32, #tpu.memory_space<vmem>>[vector<16xi32>], vector<16xf32>,
        %add3A_314 = arith.constant 32 : i32
        %add3A_315 = vector.broadcast %add3A_314 : i32 to vector<16xi32>
        %add3A_316 = arith.addi %add3A_305, %add3A_315 : vector<16xi32>
        %gather3A_317 = tpu.vector_load_idx %arg8[%add3A_316] : memref<4096xf32, #tpu.memory_space<vmem>>[vector<16xi32>], vector<16xf32>,
        %add3A_318 = arith.constant 48 : i32
        %add3A_319 = vector.broadcast %add3A_318 : i32 to vector<16xi32>
        %add3A_320 = arith.addi %add3A_305, %add3A_319 : vector<16xi32>
        %gather3A_321 = tpu.vector_load_idx %arg8[%add3A_320] : memref<4096xf32, #tpu.memory_space<vmem>>[vector<16xi32>], vector<16xf32>,
        %swap3A_322 = arith.index_cast %add3A_265 : i32 to index
        %swap3A_323 = arith.constant 0 : index
        %swap3A_324 = tpu.vector_load %arg9[%swap3A_322, %swap3A_323] {strides = array<i32>} : memref<256x64xf32, #tpu.memory_space<vmem>>, vector<16xf32>,
        tpu.vector_store %arg9[%swap3A_322, %swap3A_323], %gather3A_239 {strides = array<i32>} : memref<256x64xf32, #tpu.memory_space<vmem>>, vector<16xf32>,
        %swap3A_325 = arith.index_cast %add3A_265 : i32 to index
        %swap3A_326 = arith.constant 16 : index
        %swap3A_327 = tpu.vector_load %arg9[%swap3A_325, %swap3A_326] {strides = array<i32>} : memref<256x64xf32, #tpu.memory_space<vmem>>, vector<16xf32>,
        tpu.vector_store %arg9[%swap3A_325, %swap3A_326], %gather3A_243 {strides = array<i32>} : memref<256x64xf32, #tpu.memory_space<vmem>>, vector<16xf32>,
        %swap3A_328 = arith.index_cast %add3A_265 : i32 to index
        %swap3A_329 = arith.constant 32 : index
        %swap3A_330 = tpu.vector_load %arg9[%swap3A_328, %swap3A_329] {strides = array<i32>} : memref<256x64xf32, #tpu.memory_space<vmem>>, vector<16xf32>,
        tpu.vector_store %arg9[%swap3A_328, %swap3A_329], %gather3A_247 {strides = array<i32>} : memref<256x64xf32, #tpu.memory_space<vmem>>, vector<16xf32>,
        %swap3A_331 = arith.index_cast %add3A_265 : i32 to index
        %swap3A_332 = arith.constant 48 : index
        %swap3A_333 = tpu.vector_load %arg9[%swap3A_331, %swap3A_332] {strides = array<i32>} : memref<256x64xf32, #tpu.memory_space<vmem>>, vector<16xf32>,
        tpu.vector_store %arg9[%swap3A_331, %swap3A_332], %gather3A_251 {strides = array<i32>} : memref<256x64xf32, #tpu.memory_space<vmem>>, vector<16xf32>,
        %add3A_334 = arith.constant 6 : i32
        %add3A_335 = arith.addi %mul3A_116, %add3A_334 : i32
        %broadcast_in_dim3A_336 = arith.constant 7 : i32
        %broadcast_in_dim3A_337 = vector.broadcast %broadcast_in_dim3A_336 : i32 to vector<16x1xi32>
        %gather3A_338 = vector.shape_cast %broadcast_in_dim3A_337 : vector<16x1xi32> to vector<16xi32>
        %gather3A_339 = tpu.dynamic_gather %mul3A_114[%gather3A_338] in [0] : vector<16xi32>, vector<16xi32> -> vector<16xi32>
        %add3A_340 = arith.addi %gather3A_339, %iota3A : vector<16xi32>
        %add3A_341 = arith.constant 0 : i32
        %add3A_342 = vector.broadcast %add3A_341 : i32 to vector<16xi32>
        %add3A_343 = arith.addi %add3A_340, %add3A_342 : vector<16xi32>
        %gather3A_344 = tpu.vector_load_idx %arg8[%add3A_343] : memref<4096xf32, #tpu.memory_space<vmem>>[vector<16xi32>], vector<16xf32>,
        %add3A_345 = arith.constant 16 : i32
        %add3A_346 = vector.broadcast %add3A_345 : i32 to vector<16xi32>
        %add3A_347 = arith.addi %add3A_340, %add3A_346 : vector<16xi32>
        %gather3A_348 = tpu.vector_load_idx %arg8[%add3A_347] : memref<4096xf32, #tpu.memory_space<vmem>>[vector<16xi32>], vector<16xf32>,
        %add3A_349 = arith.constant 32 : i32
        %add3A_350 = vector.broadcast %add3A_349 : i32 to vector<16xi32>
        %add3A_351 = arith.addi %add3A_340, %add3A_350 : vector<16xi32>
        %gather3A_352 = tpu.vector_load_idx %arg8[%add3A_351] : memref<4096xf32, #tpu.memory_space<vmem>>[vector<16xi32>], vector<16xf32>,
        %add3A_353 = arith.constant 48 : i32
        %add3A_354 = vector.broadcast %add3A_353 : i32 to vector<16xi32>
        %add3A_355 = arith.addi %add3A_340, %add3A_354 : vector<16xi32>
        %gather3A_356 = tpu.vector_load_idx %arg8[%add3A_355] : memref<4096xf32, #tpu.memory_space<vmem>>[vector<16xi32>], vector<16xf32>,
        %swap3A_357 = arith.index_cast %add3A_300 : i32 to index
        %swap3A_358 = arith.constant 0 : index
        %swap3A_359 = tpu.vector_load %arg9[%swap3A_357, %swap3A_358] {strides = array<i32>} : memref<256x64xf32, #tpu.memory_space<vmem>>, vector<16xf32>,
        tpu.vector_store %arg9[%swap3A_357, %swap3A_358], %gather3A_274 {strides = array<i32>} : memref<256x64xf32, #tpu.memory_space<vmem>>, vector<16xf32>,
        %swap3A_360 = arith.index_cast %add3A_300 : i32 to index
        %swap3A_361 = arith.constant 16 : index
        %swap3A_362 = tpu.vector_load %arg9[%swap3A_360, %swap3A_361] {strides = array<i32>} : memref<256x64xf32, #tpu.memory_space<vmem>>, vector<16xf32>,
        tpu.vector_store %arg9[%swap3A_360, %swap3A_361], %gather3A_278 {strides = array<i32>} : memref<256x64xf32, #tpu.memory_space<vmem>>, vector<16xf32>,
        %swap3A_363 = arith.index_cast %add3A_300 : i32 to index
        %swap3A_364 = arith.constant 32 : index
        %swap3A_365 = tpu.vector_load %arg9[%swap3A_363, %swap3A_364] {strides = array<i32>} : memref<256x64xf32, #tpu.memory_space<vmem>>, vector<16xf32>,
        tpu.vector_store %arg9[%swap3A_363, %swap3A_364], %gather3A_282 {strides = array<i32>} : memref<256x64xf32, #tpu.memory_space<vmem>>, vector<16xf32>,
        %swap3A_366 = arith.index_cast %add3A_300 : i32 to index
        %swap3A_367 = arith.constant 48 : index
        %swap3A_368 = tpu.vector_load %arg9[%swap3A_366, %swap3A_367] {strides = array<i32>} : memref<256x64xf32, #tpu.memory_space<vmem>>, vector<16xf32>,
        tpu.vector_store %arg9[%swap3A_366, %swap3A_367], %gather3A_286 {strides = array<i32>} : memref<256x64xf32, #tpu.memory_space<vmem>>, vector<16xf32>,
        %add3A_369 = arith.constant 7 : i32
        %add3A_370 = arith.addi %mul3A_116, %add3A_369 : i32
        %broadcast_in_dim3A_371 = arith.constant 8 : i32
        %broadcast_in_dim3A_372 = vector.broadcast %broadcast_in_dim3A_371 : i32 to vector<16x1xi32>
        %gather3A_373 = vector.shape_cast %broadcast_in_dim3A_372 : vector<16x1xi32> to vector<16xi32>
        %gather3A_374 = tpu.dynamic_gather %mul3A_114[%gather3A_373] in [0] : vector<16xi32>, vector<16xi32> -> vector<16xi32>
        %add3A_375 = arith.addi %gather3A_374, %iota3A : vector<16xi32>
        %add3A_376 = arith.constant 0 : i32
        %add3A_377 = vector.broadcast %add3A_376 : i32 to vector<16xi32>
        %add3A_378 = arith.addi %add3A_375, %add3A_377 : vector<16xi32>
        %gather3A_379 = tpu.vector_load_idx %arg8[%add3A_378] : memref<4096xf32, #tpu.memory_space<vmem>>[vector<16xi32>], vector<16xf32>,
        %add3A_380 = arith.constant 16 : i32
        %add3A_381 = vector.broadcast %add3A_380 : i32 to vector<16xi32>
        %add3A_382 = arith.addi %add3A_375, %add3A_381 : vector<16xi32>
        %gather3A_383 = tpu.vector_load_idx %arg8[%add3A_382] : memref<4096xf32, #tpu.memory_space<vmem>>[vector<16xi32>], vector<16xf32>,
        %add3A_384 = arith.constant 32 : i32
        %add3A_385 = vector.broadcast %add3A_384 : i32 to vector<16xi32>
        %add3A_386 = arith.addi %add3A_375, %add3A_385 : vector<16xi32>
        %gather3A_387 = tpu.vector_load_idx %arg8[%add3A_386] : memref<4096xf32, #tpu.memory_space<vmem>>[vector<16xi32>], vector<16xf32>,
        %add3A_388 = arith.constant 48 : i32
        %add3A_389 = vector.broadcast %add3A_388 : i32 to vector<16xi32>
        %add3A_390 = arith.addi %add3A_375, %add3A_389 : vector<16xi32>
        %gather3A_391 = tpu.vector_load_idx %arg8[%add3A_390] : memref<4096xf32, #tpu.memory_space<vmem>>[vector<16xi32>], vector<16xf32>,
        %swap3A_392 = arith.index_cast %add3A_335 : i32 to index
        %swap3A_393 = arith.constant 0 : index
        %swap3A_394 = tpu.vector_load %arg9[%swap3A_392, %swap3A_393] {strides = array<i32>} : memref<256x64xf32, #tpu.memory_space<vmem>>, vector<16xf32>,
        tpu.vector_store %arg9[%swap3A_392, %swap3A_393], %gather3A_309 {strides = array<i32>} : memref<256x64xf32, #tpu.memory_space<vmem>>, vector<16xf32>,
        %swap3A_395 = arith.index_cast %add3A_335 : i32 to index
        %swap3A_396 = arith.constant 16 : index
        %swap3A_397 = tpu.vector_load %arg9[%swap3A_395, %swap3A_396] {strides = array<i32>} : memref<256x64xf32, #tpu.memory_space<vmem>>, vector<16xf32>,
        tpu.vector_store %arg9[%swap3A_395, %swap3A_396], %gather3A_313 {strides = array<i32>} : memref<256x64xf32, #tpu.memory_space<vmem>>, vector<16xf32>,
        %swap3A_398 = arith.index_cast %add3A_335 : i32 to index
        %swap3A_399 = arith.constant 32 : index
        %swap3A_400 = tpu.vector_load %arg9[%swap3A_398, %swap3A_399] {strides = array<i32>} : memref<256x64xf32, #tpu.memory_space<vmem>>, vector<16xf32>,
        tpu.vector_store %arg9[%swap3A_398, %swap3A_399], %gather3A_317 {strides = array<i32>} : memref<256x64xf32, #tpu.memory_space<vmem>>, vector<16xf32>,
        %swap3A_401 = arith.index_cast %add3A_335 : i32 to index
        %swap3A_402 = arith.constant 48 : index
        %swap3A_403 = tpu.vector_load %arg9[%swap3A_401, %swap3A_402] {strides = array<i32>} : memref<256x64xf32, #tpu.memory_space<vmem>>, vector<16xf32>,
        tpu.vector_store %arg9[%swap3A_401, %swap3A_402], %gather3A_321 {strides = array<i32>} : memref<256x64xf32, #tpu.memory_space<vmem>>, vector<16xf32>,
        %add3A_404 = arith.constant 8 : i32
        %add3A_405 = arith.addi %mul3A_116, %add3A_404 : i32
        %broadcast_in_dim3A_406 = arith.constant 9 : i32
        %broadcast_in_dim3A_407 = vector.broadcast %broadcast_in_dim3A_406 : i32 to vector<16x1xi32>
        %gather3A_408 = vector.shape_cast %broadcast_in_dim3A_407 : vector<16x1xi32> to vector<16xi32>
        %gather3A_409 = tpu.dynamic_gather %mul3A_114[%gather3A_408] in [0] : vector<16xi32>, vector<16xi32> -> vector<16xi32>
        %add3A_410 = arith.addi %gather3A_409, %iota3A : vector<16xi32>
        %add3A_411 = arith.constant 0 : i32
        %add3A_412 = vector.broadcast %add3A_411 : i32 to vector<16xi32>
        %add3A_413 = arith.addi %add3A_410, %add3A_412 : vector<16xi32>
        %gather3A_414 = tpu.vector_load_idx %arg8[%add3A_413] : memref<4096xf32, #tpu.memory_space<vmem>>[vector<16xi32>], vector<16xf32>,
        %add3A_415 = arith.constant 16 : i32
        %add3A_416 = vector.broadcast %add3A_415 : i32 to vector<16xi32>
        %add3A_417 = arith.addi %add3A_410, %add3A_416 : vector<16xi32>
        %gather3A_418 = tpu.vector_load_idx %arg8[%add3A_417] : memref<4096xf32, #tpu.memory_space<vmem>>[vector<16xi32>], vector<16xf32>,
        %add3A_419 = arith.constant 32 : i32
        %add3A_420 = vector.broadcast %add3A_419 : i32 to vector<16xi32>
        %add3A_421 = arith.addi %add3A_410, %add3A_420 : vector<16xi32>
        %gather3A_422 = tpu.vector_load_idx %arg8[%add3A_421] : memref<4096xf32, #tpu.memory_space<vmem>>[vector<16xi32>], vector<16xf32>,
        %add3A_423 = arith.constant 48 : i32
        %add3A_424 = vector.broadcast %add3A_423 : i32 to vector<16xi32>
        %add3A_425 = arith.addi %add3A_410, %add3A_424 : vector<16xi32>
        %gather3A_426 = tpu.vector_load_idx %arg8[%add3A_425] : memref<4096xf32, #tpu.memory_space<vmem>>[vector<16xi32>], vector<16xf32>,
        %swap3A_427 = arith.index_cast %add3A_370 : i32 to index
        %swap3A_428 = arith.constant 0 : index
        %swap3A_429 = tpu.vector_load %arg9[%swap3A_427, %swap3A_428] {strides = array<i32>} : memref<256x64xf32, #tpu.memory_space<vmem>>, vector<16xf32>,
        tpu.vector_store %arg9[%swap3A_427, %swap3A_428], %gather3A_344 {strides = array<i32>} : memref<256x64xf32, #tpu.memory_space<vmem>>, vector<16xf32>,
        %swap3A_430 = arith.index_cast %add3A_370 : i32 to index
        %swap3A_431 = arith.constant 16 : index
        %swap3A_432 = tpu.vector_load %arg9[%swap3A_430, %swap3A_431] {strides = array<i32>} : memref<256x64xf32, #tpu.memory_space<vmem>>, vector<16xf32>,
        tpu.vector_store %arg9[%swap3A_430, %swap3A_431], %gather3A_348 {strides = array<i32>} : memref<256x64xf32, #tpu.memory_space<vmem>>, vector<16xf32>,
        %swap3A_433 = arith.index_cast %add3A_370 : i32 to index
        %swap3A_434 = arith.constant 32 : index
        %swap3A_435 = tpu.vector_load %arg9[%swap3A_433, %swap3A_434] {strides = array<i32>} : memref<256x64xf32, #tpu.memory_space<vmem>>, vector<16xf32>,
        tpu.vector_store %arg9[%swap3A_433, %swap3A_434], %gather3A_352 {strides = array<i32>} : memref<256x64xf32, #tpu.memory_space<vmem>>, vector<16xf32>,
        %swap3A_436 = arith.index_cast %add3A_370 : i32 to index
        %swap3A_437 = arith.constant 48 : index
        %swap3A_438 = tpu.vector_load %arg9[%swap3A_436, %swap3A_437] {strides = array<i32>} : memref<256x64xf32, #tpu.memory_space<vmem>>, vector<16xf32>,
        tpu.vector_store %arg9[%swap3A_436, %swap3A_437], %gather3A_356 {strides = array<i32>} : memref<256x64xf32, #tpu.memory_space<vmem>>, vector<16xf32>,
        %add3A_439 = arith.constant 9 : i32
        %add3A_440 = arith.addi %mul3A_116, %add3A_439 : i32
        %broadcast_in_dim3A_441 = arith.constant 10 : i32
        %broadcast_in_dim3A_442 = vector.broadcast %broadcast_in_dim3A_441 : i32 to vector<16x1xi32>
        %gather3A_443 = vector.shape_cast %broadcast_in_dim3A_442 : vector<16x1xi32> to vector<16xi32>
        %gather3A_444 = tpu.dynamic_gather %mul3A_114[%gather3A_443] in [0] : vector<16xi32>, vector<16xi32> -> vector<16xi32>
        %add3A_445 = arith.addi %gather3A_444, %iota3A : vector<16xi32>
        %add3A_446 = arith.constant 0 : i32
        %add3A_447 = vector.broadcast %add3A_446 : i32 to vector<16xi32>
        %add3A_448 = arith.addi %add3A_445, %add3A_447 : vector<16xi32>
        %gather3A_449 = tpu.vector_load_idx %arg8[%add3A_448] : memref<4096xf32, #tpu.memory_space<vmem>>[vector<16xi32>], vector<16xf32>,
        %add3A_450 = arith.constant 16 : i32
        %add3A_451 = vector.broadcast %add3A_450 : i32 to vector<16xi32>
        %add3A_452 = arith.addi %add3A_445, %add3A_451 : vector<16xi32>
        %gather3A_453 = tpu.vector_load_idx %arg8[%add3A_452] : memref<4096xf32, #tpu.memory_space<vmem>>[vector<16xi32>], vector<16xf32>,
        %add3A_454 = arith.constant 32 : i32
        %add3A_455 = vector.broadcast %add3A_454 : i32 to vector<16xi32>
        %add3A_456 = arith.addi %add3A_445, %add3A_455 : vector<16xi32>
        %gather3A_457 = tpu.vector_load_idx %arg8[%add3A_456] : memref<4096xf32, #tpu.memory_space<vmem>>[vector<16xi32>], vector<16xf32>,
        %add3A_458 = arith.constant 48 : i32
        %add3A_459 = vector.broadcast %add3A_458 : i32 to vector<16xi32>
        %add3A_460 = arith.addi %add3A_445, %add3A_459 : vector<16xi32>
        %gather3A_461 = tpu.vector_load_idx %arg8[%add3A_460] : memref<4096xf32, #tpu.memory_space<vmem>>[vector<16xi32>], vector<16xf32>,
        %swap3A_462 = arith.index_cast %add3A_405 : i32 to index
        %swap3A_463 = arith.constant 0 : index
        %swap3A_464 = tpu.vector_load %arg9[%swap3A_462, %swap3A_463] {strides = array<i32>} : memref<256x64xf32, #tpu.memory_space<vmem>>, vector<16xf32>,
        tpu.vector_store %arg9[%swap3A_462, %swap3A_463], %gather3A_379 {strides = array<i32>} : memref<256x64xf32, #tpu.memory_space<vmem>>, vector<16xf32>,
        %swap3A_465 = arith.index_cast %add3A_405 : i32 to index
        %swap3A_466 = arith.constant 16 : index
        %swap3A_467 = tpu.vector_load %arg9[%swap3A_465, %swap3A_466] {strides = array<i32>} : memref<256x64xf32, #tpu.memory_space<vmem>>, vector<16xf32>,
        tpu.vector_store %arg9[%swap3A_465, %swap3A_466], %gather3A_383 {strides = array<i32>} : memref<256x64xf32, #tpu.memory_space<vmem>>, vector<16xf32>,
        %swap3A_468 = arith.index_cast %add3A_405 : i32 to index
        %swap3A_469 = arith.constant 32 : index
        %swap3A_470 = tpu.vector_load %arg9[%swap3A_468, %swap3A_469] {strides = array<i32>} : memref<256x64xf32, #tpu.memory_space<vmem>>, vector<16xf32>,
        tpu.vector_store %arg9[%swap3A_468, %swap3A_469], %gather3A_387 {strides = array<i32>} : memref<256x64xf32, #tpu.memory_space<vmem>>, vector<16xf32>,
        %swap3A_471 = arith.index_cast %add3A_405 : i32 to index
        %swap3A_472 = arith.constant 48 : index
        %swap3A_473 = tpu.vector_load %arg9[%swap3A_471, %swap3A_472] {strides = array<i32>} : memref<256x64xf32, #tpu.memory_space<vmem>>, vector<16xf32>,
        tpu.vector_store %arg9[%swap3A_471, %swap3A_472], %gather3A_391 {strides = array<i32>} : memref<256x64xf32, #tpu.memory_space<vmem>>, vector<16xf32>,
        %add3A_474 = arith.constant 10 : i32
        %add3A_475 = arith.addi %mul3A_116, %add3A_474 : i32
        %broadcast_in_dim3A_476 = arith.constant 11 : i32
        %broadcast_in_dim3A_477 = vector.broadcast %broadcast_in_dim3A_476 : i32 to vector<16x1xi32>
        %gather3A_478 = vector.shape_cast %broadcast_in_dim3A_477 : vector<16x1xi32> to vector<16xi32>
        %gather3A_479 = tpu.dynamic_gather %mul3A_114[%gather3A_478] in [0] : vector<16xi32>, vector<16xi32> -> vector<16xi32>
        %add3A_480 = arith.addi %gather3A_479, %iota3A : vector<16xi32>
        %add3A_481 = arith.constant 0 : i32
        %add3A_482 = vector.broadcast %add3A_481 : i32 to vector<16xi32>
        %add3A_483 = arith.addi %add3A_480, %add3A_482 : vector<16xi32>
        %gather3A_484 = tpu.vector_load_idx %arg8[%add3A_483] : memref<4096xf32, #tpu.memory_space<vmem>>[vector<16xi32>], vector<16xf32>,
        %add3A_485 = arith.constant 16 : i32
        %add3A_486 = vector.broadcast %add3A_485 : i32 to vector<16xi32>
        %add3A_487 = arith.addi %add3A_480, %add3A_486 : vector<16xi32>
        %gather3A_488 = tpu.vector_load_idx %arg8[%add3A_487] : memref<4096xf32, #tpu.memory_space<vmem>>[vector<16xi32>], vector<16xf32>,
        %add3A_489 = arith.constant 32 : i32
        %add3A_490 = vector.broadcast %add3A_489 : i32 to vector<16xi32>
        %add3A_491 = arith.addi %add3A_480, %add3A_490 : vector<16xi32>
        %gather3A_492 = tpu.vector_load_idx %arg8[%add3A_491] : memref<4096xf32, #tpu.memory_space<vmem>>[vector<16xi32>], vector<16xf32>,
        %add3A_493 = arith.constant 48 : i32
        %add3A_494 = vector.broadcast %add3A_493 : i32 to vector<16xi32>
        %add3A_495 = arith.addi %add3A_480, %add3A_494 : vector<16xi32>
        %gather3A_496 = tpu.vector_load_idx %arg8[%add3A_495] : memref<4096xf32, #tpu.memory_space<vmem>>[vector<16xi32>], vector<16xf32>,
        %swap3A_497 = arith.index_cast %add3A_440 : i32 to index
        %swap3A_498 = arith.constant 0 : index
        %swap3A_499 = tpu.vector_load %arg9[%swap3A_497, %swap3A_498] {strides = array<i32>} : memref<256x64xf32, #tpu.memory_space<vmem>>, vector<16xf32>,
        tpu.vector_store %arg9[%swap3A_497, %swap3A_498], %gather3A_414 {strides = array<i32>} : memref<256x64xf32, #tpu.memory_space<vmem>>, vector<16xf32>,
        %swap3A_500 = arith.index_cast %add3A_440 : i32 to index
        %swap3A_501 = arith.constant 16 : index
        %swap3A_502 = tpu.vector_load %arg9[%swap3A_500, %swap3A_501] {strides = array<i32>} : memref<256x64xf32, #tpu.memory_space<vmem>>, vector<16xf32>,
        tpu.vector_store %arg9[%swap3A_500, %swap3A_501], %gather3A_418 {strides = array<i32>} : memref<256x64xf32, #tpu.memory_space<vmem>>, vector<16xf32>,
        %swap3A_503 = arith.index_cast %add3A_440 : i32 to index
        %swap3A_504 = arith.constant 32 : index
        %swap3A_505 = tpu.vector_load %arg9[%swap3A_503, %swap3A_504] {strides = array<i32>} : memref<256x64xf32, #tpu.memory_space<vmem>>, vector<16xf32>,
        tpu.vector_store %arg9[%swap3A_503, %swap3A_504], %gather3A_422 {strides = array<i32>} : memref<256x64xf32, #tpu.memory_space<vmem>>, vector<16xf32>,
        %swap3A_506 = arith.index_cast %add3A_440 : i32 to index
        %swap3A_507 = arith.constant 48 : index
        %swap3A_508 = tpu.vector_load %arg9[%swap3A_506, %swap3A_507] {strides = array<i32>} : memref<256x64xf32, #tpu.memory_space<vmem>>, vector<16xf32>,
        tpu.vector_store %arg9[%swap3A_506, %swap3A_507], %gather3A_426 {strides = array<i32>} : memref<256x64xf32, #tpu.memory_space<vmem>>, vector<16xf32>,
        %add3A_509 = arith.constant 11 : i32
        %add3A_510 = arith.addi %mul3A_116, %add3A_509 : i32
        %broadcast_in_dim3A_511 = arith.constant 12 : i32
        %broadcast_in_dim3A_512 = vector.broadcast %broadcast_in_dim3A_511 : i32 to vector<16x1xi32>
        %gather3A_513 = vector.shape_cast %broadcast_in_dim3A_512 : vector<16x1xi32> to vector<16xi32>
        %gather3A_514 = tpu.dynamic_gather %mul3A_114[%gather3A_513] in [0] : vector<16xi32>, vector<16xi32> -> vector<16xi32>
        %add3A_515 = arith.addi %gather3A_514, %iota3A : vector<16xi32>
        %add3A_516 = arith.constant 0 : i32
        %add3A_517 = vector.broadcast %add3A_516 : i32 to vector<16xi32>
        %add3A_518 = arith.addi %add3A_515, %add3A_517 : vector<16xi32>
        %gather3A_519 = tpu.vector_load_idx %arg8[%add3A_518] : memref<4096xf32, #tpu.memory_space<vmem>>[vector<16xi32>], vector<16xf32>,
        %add3A_520 = arith.constant 16 : i32
        %add3A_521 = vector.broadcast %add3A_520 : i32 to vector<16xi32>
        %add3A_522 = arith.addi %add3A_515, %add3A_521 : vector<16xi32>
        %gather3A_523 = tpu.vector_load_idx %arg8[%add3A_522] : memref<4096xf32, #tpu.memory_space<vmem>>[vector<16xi32>], vector<16xf32>,
        %add3A_524 = arith.constant 32 : i32
        %add3A_525 = vector.broadcast %add3A_524 : i32 to vector<16xi32>
        %add3A_526 = arith.addi %add3A_515, %add3A_525 : vector<16xi32>
        %gather3A_527 = tpu.vector_load_idx %arg8[%add3A_526] : memref<4096xf32, #tpu.memory_space<vmem>>[vector<16xi32>], vector<16xf32>,
        %add3A_528 = arith.constant 48 : i32
        %add3A_529 = vector.broadcast %add3A_528 : i32 to vector<16xi32>
        %add3A_530 = arith.addi %add3A_515, %add3A_529 : vector<16xi32>
        %gather3A_531 = tpu.vector_load_idx %arg8[%add3A_530] : memref<4096xf32, #tpu.memory_space<vmem>>[vector<16xi32>], vector<16xf32>,
        %swap3A_532 = arith.index_cast %add3A_475 : i32 to index
        %swap3A_533 = arith.constant 0 : index
        %swap3A_534 = tpu.vector_load %arg9[%swap3A_532, %swap3A_533] {strides = array<i32>} : memref<256x64xf32, #tpu.memory_space<vmem>>, vector<16xf32>,
        tpu.vector_store %arg9[%swap3A_532, %swap3A_533], %gather3A_449 {strides = array<i32>} : memref<256x64xf32, #tpu.memory_space<vmem>>, vector<16xf32>,
        %swap3A_535 = arith.index_cast %add3A_475 : i32 to index
        %swap3A_536 = arith.constant 16 : index
        %swap3A_537 = tpu.vector_load %arg9[%swap3A_535, %swap3A_536] {strides = array<i32>} : memref<256x64xf32, #tpu.memory_space<vmem>>, vector<16xf32>,
        tpu.vector_store %arg9[%swap3A_535, %swap3A_536], %gather3A_453 {strides = array<i32>} : memref<256x64xf32, #tpu.memory_space<vmem>>, vector<16xf32>,
        %swap3A_538 = arith.index_cast %add3A_475 : i32 to index
        %swap3A_539 = arith.constant 32 : index
        %swap3A_540 = tpu.vector_load %arg9[%swap3A_538, %swap3A_539] {strides = array<i32>} : memref<256x64xf32, #tpu.memory_space<vmem>>, vector<16xf32>,
        tpu.vector_store %arg9[%swap3A_538, %swap3A_539], %gather3A_457 {strides = array<i32>} : memref<256x64xf32, #tpu.memory_space<vmem>>, vector<16xf32>,
        %swap3A_541 = arith.index_cast %add3A_475 : i32 to index
        %swap3A_542 = arith.constant 48 : index
        %swap3A_543 = tpu.vector_load %arg9[%swap3A_541, %swap3A_542] {strides = array<i32>} : memref<256x64xf32, #tpu.memory_space<vmem>>, vector<16xf32>,
        tpu.vector_store %arg9[%swap3A_541, %swap3A_542], %gather3A_461 {strides = array<i32>} : memref<256x64xf32, #tpu.memory_space<vmem>>, vector<16xf32>,
        %add3A_544 = arith.constant 12 : i32
        %add3A_545 = arith.addi %mul3A_116, %add3A_544 : i32
        %broadcast_in_dim3A_546 = arith.constant 13 : i32
        %broadcast_in_dim3A_547 = vector.broadcast %broadcast_in_dim3A_546 : i32 to vector<16x1xi32>
        %gather3A_548 = vector.shape_cast %broadcast_in_dim3A_547 : vector<16x1xi32> to vector<16xi32>
        %gather3A_549 = tpu.dynamic_gather %mul3A_114[%gather3A_548] in [0] : vector<16xi32>, vector<16xi32> -> vector<16xi32>
        %add3A_550 = arith.addi %gather3A_549, %iota3A : vector<16xi32>
        %add3A_551 = arith.constant 0 : i32
        %add3A_552 = vector.broadcast %add3A_551 : i32 to vector<16xi32>
        %add3A_553 = arith.addi %add3A_550, %add3A_552 : vector<16xi32>
        %gather3A_554 = tpu.vector_load_idx %arg8[%add3A_553] : memref<4096xf32, #tpu.memory_space<vmem>>[vector<16xi32>], vector<16xf32>,
        %add3A_555 = arith.constant 16 : i32
        %add3A_556 = vector.broadcast %add3A_555 : i32 to vector<16xi32>
        %add3A_557 = arith.addi %add3A_550, %add3A_556 : vector<16xi32>
        %gather3A_558 = tpu.vector_load_idx %arg8[%add3A_557] : memref<4096xf32, #tpu.memory_space<vmem>>[vector<16xi32>], vector<16xf32>,
        %add3A_559 = arith.constant 32 : i32
        %add3A_560 = vector.broadcast %add3A_559 : i32 to vector<16xi32>
        %add3A_561 = arith.addi %add3A_550, %add3A_560 : vector<16xi32>
        %gather3A_562 = tpu.vector_load_idx %arg8[%add3A_561] : memref<4096xf32, #tpu.memory_space<vmem>>[vector<16xi32>], vector<16xf32>,
        %add3A_563 = arith.constant 48 : i32
        %add3A_564 = vector.broadcast %add3A_563 : i32 to vector<16xi32>
        %add3A_565 = arith.addi %add3A_550, %add3A_564 : vector<16xi32>
        %gather3A_566 = tpu.vector_load_idx %arg8[%add3A_565] : memref<4096xf32, #tpu.memory_space<vmem>>[vector<16xi32>], vector<16xf32>,
        %swap3A_567 = arith.index_cast %add3A_510 : i32 to index
        %swap3A_568 = arith.constant 0 : index
        %swap3A_569 = tpu.vector_load %arg9[%swap3A_567, %swap3A_568] {strides = array<i32>} : memref<256x64xf32, #tpu.memory_space<vmem>>, vector<16xf32>,
        tpu.vector_store %arg9[%swap3A_567, %swap3A_568], %gather3A_484 {strides = array<i32>} : memref<256x64xf32, #tpu.memory_space<vmem>>, vector<16xf32>,
        %swap3A_570 = arith.index_cast %add3A_510 : i32 to index
        %swap3A_571 = arith.constant 16 : index
        %swap3A_572 = tpu.vector_load %arg9[%swap3A_570, %swap3A_571] {strides = array<i32>} : memref<256x64xf32, #tpu.memory_space<vmem>>, vector<16xf32>,
        tpu.vector_store %arg9[%swap3A_570, %swap3A_571], %gather3A_488 {strides = array<i32>} : memref<256x64xf32, #tpu.memory_space<vmem>>, vector<16xf32>,
        %swap3A_573 = arith.index_cast %add3A_510 : i32 to index
        %swap3A_574 = arith.constant 32 : index
        %swap3A_575 = tpu.vector_load %arg9[%swap3A_573, %swap3A_574] {strides = array<i32>} : memref<256x64xf32, #tpu.memory_space<vmem>>, vector<16xf32>,
        tpu.vector_store %arg9[%swap3A_573, %swap3A_574], %gather3A_492 {strides = array<i32>} : memref<256x64xf32, #tpu.memory_space<vmem>>, vector<16xf32>,
        %swap3A_576 = arith.index_cast %add3A_510 : i32 to index
        %swap3A_577 = arith.constant 48 : index
        %swap3A_578 = tpu.vector_load %arg9[%swap3A_576, %swap3A_577] {strides = array<i32>} : memref<256x64xf32, #tpu.memory_space<vmem>>, vector<16xf32>,
        tpu.vector_store %arg9[%swap3A_576, %swap3A_577], %gather3A_496 {strides = array<i32>} : memref<256x64xf32, #tpu.memory_space<vmem>>, vector<16xf32>,
        %add3A_579 = arith.constant 13 : i32
        %add3A_580 = arith.addi %mul3A_116, %add3A_579 : i32
        %broadcast_in_dim3A_581 = arith.constant 14 : i32
        %broadcast_in_dim3A_582 = vector.broadcast %broadcast_in_dim3A_581 : i32 to vector<16x1xi32>
        %gather3A_583 = vector.shape_cast %broadcast_in_dim3A_582 : vector<16x1xi32> to vector<16xi32>
        %gather3A_584 = tpu.dynamic_gather %mul3A_114[%gather3A_583] in [0] : vector<16xi32>, vector<16xi32> -> vector<16xi32>
        %add3A_585 = arith.addi %gather3A_584, %iota3A : vector<16xi32>
        %add3A_586 = arith.constant 0 : i32
        %add3A_587 = vector.broadcast %add3A_586 : i32 to vector<16xi32>
        %add3A_588 = arith.addi %add3A_585, %add3A_587 : vector<16xi32>
        %gather3A_589 = tpu.vector_load_idx %arg8[%add3A_588] : memref<4096xf32, #tpu.memory_space<vmem>>[vector<16xi32>], vector<16xf32>,
        %add3A_590 = arith.constant 16 : i32
        %add3A_591 = vector.broadcast %add3A_590 : i32 to vector<16xi32>
        %add3A_592 = arith.addi %add3A_585, %add3A_591 : vector<16xi32>
        %gather3A_593 = tpu.vector_load_idx %arg8[%add3A_592] : memref<4096xf32, #tpu.memory_space<vmem>>[vector<16xi32>], vector<16xf32>,
        %add3A_594 = arith.constant 32 : i32
        %add3A_595 = vector.broadcast %add3A_594 : i32 to vector<16xi32>
        %add3A_596 = arith.addi %add3A_585, %add3A_595 : vector<16xi32>
        %gather3A_597 = tpu.vector_load_idx %arg8[%add3A_596] : memref<4096xf32, #tpu.memory_space<vmem>>[vector<16xi32>], vector<16xf32>,
        %add3A_598 = arith.constant 48 : i32
        %add3A_599 = vector.broadcast %add3A_598 : i32 to vector<16xi32>
        %add3A_600 = arith.addi %add3A_585, %add3A_599 : vector<16xi32>
        %gather3A_601 = tpu.vector_load_idx %arg8[%add3A_600] : memref<4096xf32, #tpu.memory_space<vmem>>[vector<16xi32>], vector<16xf32>,
        %swap3A_602 = arith.index_cast %add3A_545 : i32 to index
        %swap3A_603 = arith.constant 0 : index
        %swap3A_604 = tpu.vector_load %arg9[%swap3A_602, %swap3A_603] {strides = array<i32>} : memref<256x64xf32, #tpu.memory_space<vmem>>, vector<16xf32>,
        tpu.vector_store %arg9[%swap3A_602, %swap3A_603], %gather3A_519 {strides = array<i32>} : memref<256x64xf32, #tpu.memory_space<vmem>>, vector<16xf32>,
        %swap3A_605 = arith.index_cast %add3A_545 : i32 to index
        %swap3A_606 = arith.constant 16 : index
        %swap3A_607 = tpu.vector_load %arg9[%swap3A_605, %swap3A_606] {strides = array<i32>} : memref<256x64xf32, #tpu.memory_space<vmem>>, vector<16xf32>,
        tpu.vector_store %arg9[%swap3A_605, %swap3A_606], %gather3A_523 {strides = array<i32>} : memref<256x64xf32, #tpu.memory_space<vmem>>, vector<16xf32>,
        %swap3A_608 = arith.index_cast %add3A_545 : i32 to index
        %swap3A_609 = arith.constant 32 : index
        %swap3A_610 = tpu.vector_load %arg9[%swap3A_608, %swap3A_609] {strides = array<i32>} : memref<256x64xf32, #tpu.memory_space<vmem>>, vector<16xf32>,
        tpu.vector_store %arg9[%swap3A_608, %swap3A_609], %gather3A_527 {strides = array<i32>} : memref<256x64xf32, #tpu.memory_space<vmem>>, vector<16xf32>,
        %swap3A_611 = arith.index_cast %add3A_545 : i32 to index
        %swap3A_612 = arith.constant 48 : index
        %swap3A_613 = tpu.vector_load %arg9[%swap3A_611, %swap3A_612] {strides = array<i32>} : memref<256x64xf32, #tpu.memory_space<vmem>>, vector<16xf32>,
        tpu.vector_store %arg9[%swap3A_611, %swap3A_612], %gather3A_531 {strides = array<i32>} : memref<256x64xf32, #tpu.memory_space<vmem>>, vector<16xf32>,
        %add3A_614 = arith.constant 14 : i32
        %add3A_615 = arith.addi %mul3A_116, %add3A_614 : i32
        %broadcast_in_dim3A_616 = arith.constant 15 : i32
        %broadcast_in_dim3A_617 = vector.broadcast %broadcast_in_dim3A_616 : i32 to vector<16x1xi32>
        %gather3A_618 = vector.shape_cast %broadcast_in_dim3A_617 : vector<16x1xi32> to vector<16xi32>
        %gather3A_619 = tpu.dynamic_gather %mul3A_114[%gather3A_618] in [0] : vector<16xi32>, vector<16xi32> -> vector<16xi32>
        %add3A_620 = arith.addi %gather3A_619, %iota3A : vector<16xi32>
        %add3A_621 = arith.constant 0 : i32
        %add3A_622 = vector.broadcast %add3A_621 : i32 to vector<16xi32>
        %add3A_623 = arith.addi %add3A_620, %add3A_622 : vector<16xi32>
        %gather3A_624 = tpu.vector_load_idx %arg8[%add3A_623] : memref<4096xf32, #tpu.memory_space<vmem>>[vector<16xi32>], vector<16xf32>,
        %add3A_625 = arith.constant 16 : i32
        %add3A_626 = vector.broadcast %add3A_625 : i32 to vector<16xi32>
        %add3A_627 = arith.addi %add3A_620, %add3A_626 : vector<16xi32>
        %gather3A_628 = tpu.vector_load_idx %arg8[%add3A_627] : memref<4096xf32, #tpu.memory_space<vmem>>[vector<16xi32>], vector<16xf32>,
        %add3A_629 = arith.constant 32 : i32
        %add3A_630 = vector.broadcast %add3A_629 : i32 to vector<16xi32>
        %add3A_631 = arith.addi %add3A_620, %add3A_630 : vector<16xi32>
        %gather3A_632 = tpu.vector_load_idx %arg8[%add3A_631] : memref<4096xf32, #tpu.memory_space<vmem>>[vector<16xi32>], vector<16xf32>,
        %add3A_633 = arith.constant 48 : i32
        %add3A_634 = vector.broadcast %add3A_633 : i32 to vector<16xi32>
        %add3A_635 = arith.addi %add3A_620, %add3A_634 : vector<16xi32>
        %gather3A_636 = tpu.vector_load_idx %arg8[%add3A_635] : memref<4096xf32, #tpu.memory_space<vmem>>[vector<16xi32>], vector<16xf32>,
        %swap3A_637 = arith.index_cast %add3A_580 : i32 to index
        %swap3A_638 = arith.constant 0 : index
        %swap3A_639 = tpu.vector_load %arg9[%swap3A_637, %swap3A_638] {strides = array<i32>} : memref<256x64xf32, #tpu.memory_space<vmem>>, vector<16xf32>,
        tpu.vector_store %arg9[%swap3A_637, %swap3A_638], %gather3A_554 {strides = array<i32>} : memref<256x64xf32, #tpu.memory_space<vmem>>, vector<16xf32>,
        %swap3A_640 = arith.index_cast %add3A_580 : i32 to index
        %swap3A_641 = arith.constant 16 : index
        %swap3A_642 = tpu.vector_load %arg9[%swap3A_640, %swap3A_641] {strides = array<i32>} : memref<256x64xf32, #tpu.memory_space<vmem>>, vector<16xf32>,
        tpu.vector_store %arg9[%swap3A_640, %swap3A_641], %gather3A_558 {strides = array<i32>} : memref<256x64xf32, #tpu.memory_space<vmem>>, vector<16xf32>,
        %swap3A_643 = arith.index_cast %add3A_580 : i32 to index
        %swap3A_644 = arith.constant 32 : index
        %swap3A_645 = tpu.vector_load %arg9[%swap3A_643, %swap3A_644] {strides = array<i32>} : memref<256x64xf32, #tpu.memory_space<vmem>>, vector<16xf32>,
        tpu.vector_store %arg9[%swap3A_643, %swap3A_644], %gather3A_562 {strides = array<i32>} : memref<256x64xf32, #tpu.memory_space<vmem>>, vector<16xf32>,
        %swap3A_646 = arith.index_cast %add3A_580 : i32 to index
        %swap3A_647 = arith.constant 48 : index
        %swap3A_648 = tpu.vector_load %arg9[%swap3A_646, %swap3A_647] {strides = array<i32>} : memref<256x64xf32, #tpu.memory_space<vmem>>, vector<16xf32>,
        tpu.vector_store %arg9[%swap3A_646, %swap3A_647], %gather3A_566 {strides = array<i32>} : memref<256x64xf32, #tpu.memory_space<vmem>>, vector<16xf32>,
        %add3A_649 = arith.constant 15 : i32
        %add3A_650 = arith.addi %mul3A_116, %add3A_649 : i32
        %swap3A_651 = arith.index_cast %add3A_615 : i32 to index
        %swap3A_652 = arith.constant 0 : index
        %swap3A_653 = tpu.vector_load %arg9[%swap3A_651, %swap3A_652] {strides = array<i32>} : memref<256x64xf32, #tpu.memory_space<vmem>>, vector<16xf32>,
        tpu.vector_store %arg9[%swap3A_651, %swap3A_652], %gather3A_589 {strides = array<i32>} : memref<256x64xf32, #tpu.memory_space<vmem>>, vector<16xf32>,
        %swap3A_654 = arith.index_cast %add3A_615 : i32 to index
        %swap3A_655 = arith.constant 16 : index
        %swap3A_656 = tpu.vector_load %arg9[%swap3A_654, %swap3A_655] {strides = array<i32>} : memref<256x64xf32, #tpu.memory_space<vmem>>, vector<16xf32>,
        tpu.vector_store %arg9[%swap3A_654, %swap3A_655], %gather3A_593 {strides = array<i32>} : memref<256x64xf32, #tpu.memory_space<vmem>>, vector<16xf32>,
        %swap3A_657 = arith.index_cast %add3A_615 : i32 to index
        %swap3A_658 = arith.constant 32 : index
        %swap3A_659 = tpu.vector_load %arg9[%swap3A_657, %swap3A_658] {strides = array<i32>} : memref<256x64xf32, #tpu.memory_space<vmem>>, vector<16xf32>,
        tpu.vector_store %arg9[%swap3A_657, %swap3A_658], %gather3A_597 {strides = array<i32>} : memref<256x64xf32, #tpu.memory_space<vmem>>, vector<16xf32>,
        %swap3A_660 = arith.index_cast %add3A_615 : i32 to index
        %swap3A_661 = arith.constant 48 : index
        %swap3A_662 = tpu.vector_load %arg9[%swap3A_660, %swap3A_661] {strides = array<i32>} : memref<256x64xf32, #tpu.memory_space<vmem>>, vector<16xf32>,
        tpu.vector_store %arg9[%swap3A_660, %swap3A_661], %gather3A_601 {strides = array<i32>} : memref<256x64xf32, #tpu.memory_space<vmem>>, vector<16xf32>,
        %swap3A_663 = arith.index_cast %add3A_650 : i32 to index
        %swap3A_664 = arith.constant 0 : index
        %swap3A_665 = tpu.vector_load %arg9[%swap3A_663, %swap3A_664] {strides = array<i32>} : memref<256x64xf32, #tpu.memory_space<vmem>>, vector<16xf32>,
        tpu.vector_store %arg9[%swap3A_663, %swap3A_664], %gather3A_624 {strides = array<i32>} : memref<256x64xf32, #tpu.memory_space<vmem>>, vector<16xf32>,
        %swap3A_666 = arith.index_cast %add3A_650 : i32 to index
        %swap3A_667 = arith.constant 16 : index
        %swap3A_668 = tpu.vector_load %arg9[%swap3A_666, %swap3A_667] {strides = array<i32>} : memref<256x64xf32, #tpu.memory_space<vmem>>, vector<16xf32>,
        tpu.vector_store %arg9[%swap3A_666, %swap3A_667], %gather3A_628 {strides = array<i32>} : memref<256x64xf32, #tpu.memory_space<vmem>>, vector<16xf32>,
        %swap3A_669 = arith.index_cast %add3A_650 : i32 to index
        %swap3A_670 = arith.constant 32 : index
        %swap3A_671 = tpu.vector_load %arg9[%swap3A_669, %swap3A_670] {strides = array<i32>} : memref<256x64xf32, #tpu.memory_space<vmem>>, vector<16xf32>,
        tpu.vector_store %arg9[%swap3A_669, %swap3A_670], %gather3A_632 {strides = array<i32>} : memref<256x64xf32, #tpu.memory_space<vmem>>, vector<16xf32>,
        %swap3A_672 = arith.index_cast %add3A_650 : i32 to index
        %swap3A_673 = arith.constant 48 : index
        %swap3A_674 = tpu.vector_load %arg9[%swap3A_672, %swap3A_673] {strides = array<i32>} : memref<256x64xf32, #tpu.memory_space<vmem>>, vector<16xf32>,
        tpu.vector_store %arg9[%swap3A_672, %swap3A_673], %gather3A_636 {strides = array<i32>} : memref<256x64xf32, #tpu.memory_space<vmem>>, vector<16xf32>,
        %scan3A_675 = arith.constant 1 : i32
        %scan3A_676 = arith.addi %scan3A_62, %scan3A_675 : i32
        %mul3A_677 = arith.constant 16 : i32
        %mul3A_678 = arith.muli %scan3A_676, %mul3A_677 : i32
        %add3A_679 = arith.addi %mul3A_25, %mul3A_678 : i32
        %add3A_680 = vector.broadcast %add3A_679 : i32 to vector<16xi32>
        %add3A_681 = arith.addi %add3A_680, %iota3A : vector<16xi32>
        %jit3A_682 = arith.constant 200 : i32
        %div3A_683 = vector.broadcast %jit3A_682 : i32 to vector<16xi32>
        %div3A_684 = arith.divsi %add3A_681, %div3A_683 : vector<16xi32>
        %sign3A_685 = arith.constant 0 : i32
        %sign3A_686 = vector.broadcast %sign3A_685 : i32 to vector<16xi32>
        %sign3A_687 = arith.cmpi sgt, %add3A_681, %sign3A_686 : vector<16xi32>
        %sign3A_688 = arith.extui %sign3A_687 : vector<16xi1> to vector<16xi32>
        %sign3A_689 = arith.constant 0 : i32
        %sign3A_690 = vector.broadcast %sign3A_689 : i32 to vector<16xi32>
        %sign3A_691 = arith.cmpi slt, %add3A_681, %sign3A_690 : vector<16xi32>
        %sign3A_692 = arith.extui %sign3A_691 : vector<16xi1> to vector<16xi32>
        %sign3A_693 = arith.subi %sign3A_688, %sign3A_692 : vector<16xi32>
        %sign3A_694 = arith.constant 0 : i32
        %sign3A_695 = arith.cmpi sgt, %jit3A_682, %sign3A_694 : i32
        %sign3A_696 = arith.extui %sign3A_695 : i1 to i32
        %sign3A_697 = arith.constant 0 : i32
        %sign3A_698 = arith.cmpi slt, %jit3A_682, %sign3A_697 : i32
        %sign3A_699 = arith.extui %sign3A_698 : i1 to i32
        %sign3A_700 = arith.subi %sign3A_696, %sign3A_699 : i32
        %ne3A_701 = vector.broadcast %sign3A_700 : i32 to vector<16xi32>
        %ne3A_702 = arith.cmpi ne, %sign3A_693, %ne3A_701 : vector<16xi32>
        %rem3A_703 = vector.broadcast %jit3A_682 : i32 to vector<16xi32>
        %rem3A_704 = arith.remsi %add3A_681, %rem3A_703 : vector<16xi32>
        %ne3A_705 = arith.constant 0 : i32
        %ne3A_706 = vector.broadcast %ne3A_705 : i32 to vector<16xi32>
        %ne3A_707 = arith.cmpi ne, %rem3A_704, %ne3A_706 : vector<16xi32>
        %and3A_708 = arith.andi %ne3A_702, %ne3A_707 : vector<16xi1>
        %sub3A_709 = arith.constant 1 : i32
        %sub3A_710 = vector.broadcast %sub3A_709 : i32 to vector<16xi32>
        %sub3A_711 = arith.subi %div3A_684, %sub3A_710 : vector<16xi32>
        %select_n3A_712 = arith.select %and3A_708, %sub3A_711, %div3A_684 : vector<16xi1>, vector<16xi32>
        %jit3A_713 = arith.constant 200 : i32
        %eq3A_714 = arith.constant 0 : i32
        %eq3A_715 = arith.cmpi eq, %jit3A_713, %eq3A_714 : i32
        %jit3A_716 = arith.constant 1 : i32
        %select_n3A_717 = arith.select %eq3A_715, %jit3A_716, %jit3A_713 : i32
        %rem3A_718 = vector.broadcast %select_n3A_717 : i32 to vector<16xi32>
        %rem3A_719 = arith.remsi %add3A_681, %rem3A_718 : vector<16xi32>
        %ne3A_720 = arith.constant 0 : i32
        %ne3A_721 = vector.broadcast %ne3A_720 : i32 to vector<16xi32>
        %ne3A_722 = arith.cmpi ne, %rem3A_719, %ne3A_721 : vector<16xi32>
        %lt3A_723 = arith.constant 0 : i32
        %lt3A_724 = vector.broadcast %lt3A_723 : i32 to vector<16xi32>
        %lt3A_725 = arith.cmpi slt, %rem3A_719, %lt3A_724 : vector<16xi32>
        %lt3A_726 = arith.constant 0 : i32
        %lt3A_727 = arith.cmpi slt, %select_n3A_717, %lt3A_726 : i32
        %ne3A_728 = vector.broadcast %lt3A_727 : i1 to vector<16xi1>
        %ne3A_729 = vector.broadcast %ne3A_728 : vector<16xi1> to vector<16xi1>
        %ne3A_730 = arith.xori %lt3A_725, %ne3A_729 : vector<16xi1>
        %and3A_731 = arith.andi %ne3A_730, %ne3A_722 : vector<16xi1>
        %add3A_732 = vector.broadcast %select_n3A_717 : i32 to vector<16xi32>
        %add3A_733 = arith.addi %rem3A_719, %add3A_732 : vector<16xi32>
        %select_n3A_734 = arith.select %and3A_731, %add3A_733, %rem3A_719 : vector<16xi1>, vector<16xi32>
        %gather3A_735 = tpu.vector_load_idx %arg6[%select_n3A_712, %select_n3A_734] : memref<128x200xi32, #tpu.memory_space<vmem>>[vector<16xi32>, vector<16xi32>], vector<16xi32>,
        %gather3A_736 = tpu.vector_load_idx %arg7[%gather3A_735] : memref<64xi32, #tpu.memory_space<vmem>>[vector<16xi32>], vector<16xi32>,
        %mul3A_737 = arith.constant 64 : i32
        %mul3A_738 = vector.broadcast %mul3A_737 : i32 to vector<16xi32>
        %mul3A_739 = arith.muli %gather3A_736, %mul3A_738 : vector<16xi32>
        %mul3A_740 = arith.constant 16 : i32
        %mul3A_741 = arith.muli %scan3A_676, %mul3A_740 : i32
        %broadcast_in_dim3A_742 = arith.constant 0 : i32
        %broadcast_in_dim3A_743 = vector.broadcast %broadcast_in_dim3A_742 : i32 to vector<16x1xi32>
        %gather3A_744 = vector.shape_cast %broadcast_in_dim3A_743 : vector<16x1xi32> to vector<16xi32>
        %gather3A_745 = tpu.dynamic_gather %mul3A_739[%gather3A_744] in [0] : vector<16xi32>, vector<16xi32> -> vector<16xi32>
        %add3A_746 = arith.addi %gather3A_745, %iota3A : vector<16xi32>
        %add3A_747 = arith.constant 0 : i32
        %add3A_748 = vector.broadcast %add3A_747 : i32 to vector<16xi32>
        %add3A_749 = arith.addi %add3A_746, %add3A_748 : vector<16xi32>
        %gather3A_750 = tpu.vector_load_idx %arg8[%add3A_749] : memref<4096xf32, #tpu.memory_space<vmem>>[vector<16xi32>], vector<16xf32>,
        %add3A_751 = arith.constant 16 : i32
        %add3A_752 = vector.broadcast %add3A_751 : i32 to vector<16xi32>
        %add3A_753 = arith.addi %add3A_746, %add3A_752 : vector<16xi32>
        %gather3A_754 = tpu.vector_load_idx %arg8[%add3A_753] : memref<4096xf32, #tpu.memory_space<vmem>>[vector<16xi32>], vector<16xf32>,
        %add3A_755 = arith.constant 32 : i32
        %add3A_756 = vector.broadcast %add3A_755 : i32 to vector<16xi32>
        %add3A_757 = arith.addi %add3A_746, %add3A_756 : vector<16xi32>
        %gather3A_758 = tpu.vector_load_idx %arg8[%add3A_757] : memref<4096xf32, #tpu.memory_space<vmem>>[vector<16xi32>], vector<16xf32>,
        %add3A_759 = arith.constant 48 : i32
        %add3A_760 = vector.broadcast %add3A_759 : i32 to vector<16xi32>
        %add3A_761 = arith.addi %add3A_746, %add3A_760 : vector<16xi32>
        %gather3A_762 = tpu.vector_load_idx %arg8[%add3A_761] : memref<4096xf32, #tpu.memory_space<vmem>>[vector<16xi32>], vector<16xf32>,
        %add3A_763 = arith.constant 0 : i32
        %add3A_764 = arith.addi %mul3A_741, %add3A_763 : i32
        %broadcast_in_dim3A_765 = arith.constant 1 : i32
        %broadcast_in_dim3A_766 = vector.broadcast %broadcast_in_dim3A_765 : i32 to vector<16x1xi32>
        %gather3A_767 = vector.shape_cast %broadcast_in_dim3A_766 : vector<16x1xi32> to vector<16xi32>
        %gather3A_768 = tpu.dynamic_gather %mul3A_739[%gather3A_767] in [0] : vector<16xi32>, vector<16xi32> -> vector<16xi32>
        %add3A_769 = arith.addi %gather3A_768, %iota3A : vector<16xi32>
        %add3A_770 = arith.constant 0 : i32
        %add3A_771 = vector.broadcast %add3A_770 : i32 to vector<16xi32>
        %add3A_772 = arith.addi %add3A_769, %add3A_771 : vector<16xi32>
        %gather3A_773 = tpu.vector_load_idx %arg8[%add3A_772] : memref<4096xf32, #tpu.memory_space<vmem>>[vector<16xi32>], vector<16xf32>,
        %add3A_774 = arith.constant 16 : i32
        %add3A_775 = vector.broadcast %add3A_774 : i32 to vector<16xi32>
        %add3A_776 = arith.addi %add3A_769, %add3A_775 : vector<16xi32>
        %gather3A_777 = tpu.vector_load_idx %arg8[%add3A_776] : memref<4096xf32, #tpu.memory_space<vmem>>[vector<16xi32>], vector<16xf32>,
        %add3A_778 = arith.constant 32 : i32
        %add3A_779 = vector.broadcast %add3A_778 : i32 to vector<16xi32>
        %add3A_780 = arith.addi %add3A_769, %add3A_779 : vector<16xi32>
        %gather3A_781 = tpu.vector_load_idx %arg8[%add3A_780] : memref<4096xf32, #tpu.memory_space<vmem>>[vector<16xi32>], vector<16xf32>,
        %add3A_782 = arith.constant 48 : i32
        %add3A_783 = vector.broadcast %add3A_782 : i32 to vector<16xi32>
        %add3A_784 = arith.addi %add3A_769, %add3A_783 : vector<16xi32>
        %gather3A_785 = tpu.vector_load_idx %arg8[%add3A_784] : memref<4096xf32, #tpu.memory_space<vmem>>[vector<16xi32>], vector<16xf32>,
        %add3A_786 = arith.constant 1 : i32
        %add3A_787 = arith.addi %mul3A_741, %add3A_786 : i32
        %broadcast_in_dim3A_788 = arith.constant 2 : i32
        %broadcast_in_dim3A_789 = vector.broadcast %broadcast_in_dim3A_788 : i32 to vector<16x1xi32>
        %gather3A_790 = vector.shape_cast %broadcast_in_dim3A_789 : vector<16x1xi32> to vector<16xi32>
        %gather3A_791 = tpu.dynamic_gather %mul3A_739[%gather3A_790] in [0] : vector<16xi32>, vector<16xi32> -> vector<16xi32>
        %add3A_792 = arith.addi %gather3A_791, %iota3A : vector<16xi32>
        %add3A_793 = arith.constant 0 : i32
        %add3A_794 = vector.broadcast %add3A_793 : i32 to vector<16xi32>
        %add3A_795 = arith.addi %add3A_792, %add3A_794 : vector<16xi32>
        %gather3A_796 = tpu.vector_load_idx %arg8[%add3A_795] : memref<4096xf32, #tpu.memory_space<vmem>>[vector<16xi32>], vector<16xf32>,
        %add3A_797 = arith.constant 16 : i32
        %add3A_798 = vector.broadcast %add3A_797 : i32 to vector<16xi32>
        %add3A_799 = arith.addi %add3A_792, %add3A_798 : vector<16xi32>
        %gather3A_800 = tpu.vector_load_idx %arg8[%add3A_799] : memref<4096xf32, #tpu.memory_space<vmem>>[vector<16xi32>], vector<16xf32>,
        %add3A_801 = arith.constant 32 : i32
        %add3A_802 = vector.broadcast %add3A_801 : i32 to vector<16xi32>
        %add3A_803 = arith.addi %add3A_792, %add3A_802 : vector<16xi32>
        %gather3A_804 = tpu.vector_load_idx %arg8[%add3A_803] : memref<4096xf32, #tpu.memory_space<vmem>>[vector<16xi32>], vector<16xf32>,
        %add3A_805 = arith.constant 48 : i32
        %add3A_806 = vector.broadcast %add3A_805 : i32 to vector<16xi32>
        %add3A_807 = arith.addi %add3A_792, %add3A_806 : vector<16xi32>
        %gather3A_808 = tpu.vector_load_idx %arg8[%add3A_807] : memref<4096xf32, #tpu.memory_space<vmem>>[vector<16xi32>], vector<16xf32>,
        %swap3A_809 = arith.index_cast %add3A_764 : i32 to index
        %swap3A_810 = arith.constant 0 : index
        %swap3A_811 = tpu.vector_load %arg9[%swap3A_809, %swap3A_810] {strides = array<i32>} : memref<256x64xf32, #tpu.memory_space<vmem>>, vector<16xf32>,
        tpu.vector_store %arg9[%swap3A_809, %swap3A_810], %gather3A_750 {strides = array<i32>} : memref<256x64xf32, #tpu.memory_space<vmem>>, vector<16xf32>,
        %swap3A_812 = arith.index_cast %add3A_764 : i32 to index
        %swap3A_813 = arith.constant 16 : index
        %swap3A_814 = tpu.vector_load %arg9[%swap3A_812, %swap3A_813] {strides = array<i32>} : memref<256x64xf32, #tpu.memory_space<vmem>>, vector<16xf32>,
        tpu.vector_store %arg9[%swap3A_812, %swap3A_813], %gather3A_754 {strides = array<i32>} : memref<256x64xf32, #tpu.memory_space<vmem>>, vector<16xf32>,
        %swap3A_815 = arith.index_cast %add3A_764 : i32 to index
        %swap3A_816 = arith.constant 32 : index
        %swap3A_817 = tpu.vector_load %arg9[%swap3A_815, %swap3A_816] {strides = array<i32>} : memref<256x64xf32, #tpu.memory_space<vmem>>, vector<16xf32>,
        tpu.vector_store %arg9[%swap3A_815, %swap3A_816], %gather3A_758 {strides = array<i32>} : memref<256x64xf32, #tpu.memory_space<vmem>>, vector<16xf32>,
        %swap3A_818 = arith.index_cast %add3A_764 : i32 to index
        %swap3A_819 = arith.constant 48 : index
        %swap3A_820 = tpu.vector_load %arg9[%swap3A_818, %swap3A_819] {strides = array<i32>} : memref<256x64xf32, #tpu.memory_space<vmem>>, vector<16xf32>,
        tpu.vector_store %arg9[%swap3A_818, %swap3A_819], %gather3A_762 {strides = array<i32>} : memref<256x64xf32, #tpu.memory_space<vmem>>, vector<16xf32>,
        %add3A_821 = arith.constant 2 : i32
        %add3A_822 = arith.addi %mul3A_741, %add3A_821 : i32
        %broadcast_in_dim3A_823 = arith.constant 3 : i32
        %broadcast_in_dim3A_824 = vector.broadcast %broadcast_in_dim3A_823 : i32 to vector<16x1xi32>
        %gather3A_825 = vector.shape_cast %broadcast_in_dim3A_824 : vector<16x1xi32> to vector<16xi32>
        %gather3A_826 = tpu.dynamic_gather %mul3A_739[%gather3A_825] in [0] : vector<16xi32>, vector<16xi32> -> vector<16xi32>
        %add3A_827 = arith.addi %gather3A_826, %iota3A : vector<16xi32>
        %add3A_828 = arith.constant 0 : i32
        %add3A_829 = vector.broadcast %add3A_828 : i32 to vector<16xi32>
        %add3A_830 = arith.addi %add3A_827, %add3A_829 : vector<16xi32>
        %gather3A_831 = tpu.vector_load_idx %arg8[%add3A_830] : memref<4096xf32, #tpu.memory_space<vmem>>[vector<16xi32>], vector<16xf32>,
        %add3A_832 = arith.constant 16 : i32
        %add3A_833 = vector.broadcast %add3A_832 : i32 to vector<16xi32>
        %add3A_834 = arith.addi %add3A_827, %add3A_833 : vector<16xi32>
        %gather3A_835 = tpu.vector_load_idx %arg8[%add3A_834] : memref<4096xf32, #tpu.memory_space<vmem>>[vector<16xi32>], vector<16xf32>,
        %add3A_836 = arith.constant 32 : i32
        %add3A_837 = vector.broadcast %add3A_836 : i32 to vector<16xi32>
        %add3A_838 = arith.addi %add3A_827, %add3A_837 : vector<16xi32>
        %gather3A_839 = tpu.vector_load_idx %arg8[%add3A_838] : memref<4096xf32, #tpu.memory_space<vmem>>[vector<16xi32>], vector<16xf32>,
        %add3A_840 = arith.constant 48 : i32
        %add3A_841 = vector.broadcast %add3A_840 : i32 to vector<16xi32>
        %add3A_842 = arith.addi %add3A_827, %add3A_841 : vector<16xi32>
        %gather3A_843 = tpu.vector_load_idx %arg8[%add3A_842] : memref<4096xf32, #tpu.memory_space<vmem>>[vector<16xi32>], vector<16xf32>,
        %swap3A_844 = arith.index_cast %add3A_787 : i32 to index
        %swap3A_845 = arith.constant 0 : index
        %swap3A_846 = tpu.vector_load %arg9[%swap3A_844, %swap3A_845] {strides = array<i32>} : memref<256x64xf32, #tpu.memory_space<vmem>>, vector<16xf32>,
        tpu.vector_store %arg9[%swap3A_844, %swap3A_845], %gather3A_773 {strides = array<i32>} : memref<256x64xf32, #tpu.memory_space<vmem>>, vector<16xf32>,
        %swap3A_847 = arith.index_cast %add3A_787 : i32 to index
        %swap3A_848 = arith.constant 16 : index
        %swap3A_849 = tpu.vector_load %arg9[%swap3A_847, %swap3A_848] {strides = array<i32>} : memref<256x64xf32, #tpu.memory_space<vmem>>, vector<16xf32>,
        tpu.vector_store %arg9[%swap3A_847, %swap3A_848], %gather3A_777 {strides = array<i32>} : memref<256x64xf32, #tpu.memory_space<vmem>>, vector<16xf32>,
        %swap3A_850 = arith.index_cast %add3A_787 : i32 to index
        %swap3A_851 = arith.constant 32 : index
        %swap3A_852 = tpu.vector_load %arg9[%swap3A_850, %swap3A_851] {strides = array<i32>} : memref<256x64xf32, #tpu.memory_space<vmem>>, vector<16xf32>,
        tpu.vector_store %arg9[%swap3A_850, %swap3A_851], %gather3A_781 {strides = array<i32>} : memref<256x64xf32, #tpu.memory_space<vmem>>, vector<16xf32>,
        %swap3A_853 = arith.index_cast %add3A_787 : i32 to index
        %swap3A_854 = arith.constant 48 : index
        %swap3A_855 = tpu.vector_load %arg9[%swap3A_853, %swap3A_854] {strides = array<i32>} : memref<256x64xf32, #tpu.memory_space<vmem>>, vector<16xf32>,
        tpu.vector_store %arg9[%swap3A_853, %swap3A_854], %gather3A_785 {strides = array<i32>} : memref<256x64xf32, #tpu.memory_space<vmem>>, vector<16xf32>,
        %add3A_856 = arith.constant 3 : i32
        %add3A_857 = arith.addi %mul3A_741, %add3A_856 : i32
        %broadcast_in_dim3A_858 = arith.constant 4 : i32
        %broadcast_in_dim3A_859 = vector.broadcast %broadcast_in_dim3A_858 : i32 to vector<16x1xi32>
        %gather3A_860 = vector.shape_cast %broadcast_in_dim3A_859 : vector<16x1xi32> to vector<16xi32>
        %gather3A_861 = tpu.dynamic_gather %mul3A_739[%gather3A_860] in [0] : vector<16xi32>, vector<16xi32> -> vector<16xi32>
        %add3A_862 = arith.addi %gather3A_861, %iota3A : vector<16xi32>
        %add3A_863 = arith.constant 0 : i32
        %add3A_864 = vector.broadcast %add3A_863 : i32 to vector<16xi32>
        %add3A_865 = arith.addi %add3A_862, %add3A_864 : vector<16xi32>
        %gather3A_866 = tpu.vector_load_idx %arg8[%add3A_865] : memref<4096xf32, #tpu.memory_space<vmem>>[vector<16xi32>], vector<16xf32>,
        %add3A_867 = arith.constant 16 : i32
        %add3A_868 = vector.broadcast %add3A_867 : i32 to vector<16xi32>
        %add3A_869 = arith.addi %add3A_862, %add3A_868 : vector<16xi32>
        %gather3A_870 = tpu.vector_load_idx %arg8[%add3A_869] : memref<4096xf32, #tpu.memory_space<vmem>>[vector<16xi32>], vector<16xf32>,
        %add3A_871 = arith.constant 32 : i32
        %add3A_872 = vector.broadcast %add3A_871 : i32 to vector<16xi32>
        %add3A_873 = arith.addi %add3A_862, %add3A_872 : vector<16xi32>
        %gather3A_874 = tpu.vector_load_idx %arg8[%add3A_873] : memref<4096xf32, #tpu.memory_space<vmem>>[vector<16xi32>], vector<16xf32>,
        %add3A_875 = arith.constant 48 : i32
        %add3A_876 = vector.broadcast %add3A_875 : i32 to vector<16xi32>
        %add3A_877 = arith.addi %add3A_862, %add3A_876 : vector<16xi32>
        %gather3A_878 = tpu.vector_load_idx %arg8[%add3A_877] : memref<4096xf32, #tpu.memory_space<vmem>>[vector<16xi32>], vector<16xf32>,
        %swap3A_879 = arith.index_cast %add3A_822 : i32 to index
        %swap3A_880 = arith.constant 0 : index
        %swap3A_881 = tpu.vector_load %arg9[%swap3A_879, %swap3A_880] {strides = array<i32>} : memref<256x64xf32, #tpu.memory_space<vmem>>, vector<16xf32>,
        tpu.vector_store %arg9[%swap3A_879, %swap3A_880], %gather3A_796 {strides = array<i32>} : memref<256x64xf32, #tpu.memory_space<vmem>>, vector<16xf32>,
        %swap3A_882 = arith.index_cast %add3A_822 : i32 to index
        %swap3A_883 = arith.constant 16 : index
        %swap3A_884 = tpu.vector_load %arg9[%swap3A_882, %swap3A_883] {strides = array<i32>} : memref<256x64xf32, #tpu.memory_space<vmem>>, vector<16xf32>,
        tpu.vector_store %arg9[%swap3A_882, %swap3A_883], %gather3A_800 {strides = array<i32>} : memref<256x64xf32, #tpu.memory_space<vmem>>, vector<16xf32>,
        %swap3A_885 = arith.index_cast %add3A_822 : i32 to index
        %swap3A_886 = arith.constant 32 : index
        %swap3A_887 = tpu.vector_load %arg9[%swap3A_885, %swap3A_886] {strides = array<i32>} : memref<256x64xf32, #tpu.memory_space<vmem>>, vector<16xf32>,
        tpu.vector_store %arg9[%swap3A_885, %swap3A_886], %gather3A_804 {strides = array<i32>} : memref<256x64xf32, #tpu.memory_space<vmem>>, vector<16xf32>,
        %swap3A_888 = arith.index_cast %add3A_822 : i32 to index
        %swap3A_889 = arith.constant 48 : index
        %swap3A_890 = tpu.vector_load %arg9[%swap3A_888, %swap3A_889] {strides = array<i32>} : memref<256x64xf32, #tpu.memory_space<vmem>>, vector<16xf32>,
        tpu.vector_store %arg9[%swap3A_888, %swap3A_889], %gather3A_808 {strides = array<i32>} : memref<256x64xf32, #tpu.memory_space<vmem>>, vector<16xf32>,
        %add3A_891 = arith.constant 4 : i32
        %add3A_892 = arith.addi %mul3A_741, %add3A_891 : i32
        %broadcast_in_dim3A_893 = arith.constant 5 : i32
        %broadcast_in_dim3A_894 = vector.broadcast %broadcast_in_dim3A_893 : i32 to vector<16x1xi32>
        %gather3A_895 = vector.shape_cast %broadcast_in_dim3A_894 : vector<16x1xi32> to vector<16xi32>
        %gather3A_896 = tpu.dynamic_gather %mul3A_739[%gather3A_895] in [0] : vector<16xi32>, vector<16xi32> -> vector<16xi32>
        %add3A_897 = arith.addi %gather3A_896, %iota3A : vector<16xi32>
        %add3A_898 = arith.constant 0 : i32
        %add3A_899 = vector.broadcast %add3A_898 : i32 to vector<16xi32>
        %add3A_900 = arith.addi %add3A_897, %add3A_899 : vector<16xi32>
        %gather3A_901 = tpu.vector_load_idx %arg8[%add3A_900] : memref<4096xf32, #tpu.memory_space<vmem>>[vector<16xi32>], vector<16xf32>,
        %add3A_902 = arith.constant 16 : i32
        %add3A_903 = vector.broadcast %add3A_902 : i32 to vector<16xi32>
        %add3A_904 = arith.addi %add3A_897, %add3A_903 : vector<16xi32>
        %gather3A_905 = tpu.vector_load_idx %arg8[%add3A_904] : memref<4096xf32, #tpu.memory_space<vmem>>[vector<16xi32>], vector<16xf32>,
        %add3A_906 = arith.constant 32 : i32
        %add3A_907 = vector.broadcast %add3A_906 : i32 to vector<16xi32>
        %add3A_908 = arith.addi %add3A_897, %add3A_907 : vector<16xi32>
        %gather3A_909 = tpu.vector_load_idx %arg8[%add3A_908] : memref<4096xf32, #tpu.memory_space<vmem>>[vector<16xi32>], vector<16xf32>,
        %add3A_910 = arith.constant 48 : i32
        %add3A_911 = vector.broadcast %add3A_910 : i32 to vector<16xi32>
        %add3A_912 = arith.addi %add3A_897, %add3A_911 : vector<16xi32>
        %gather3A_913 = tpu.vector_load_idx %arg8[%add3A_912] : memref<4096xf32, #tpu.memory_space<vmem>>[vector<16xi32>], vector<16xf32>,
        %swap3A_914 = arith.index_cast %add3A_857 : i32 to index
        %swap3A_915 = arith.constant 0 : index
        %swap3A_916 = tpu.vector_load %arg9[%swap3A_914, %swap3A_915] {strides = array<i32>} : memref<256x64xf32, #tpu.memory_space<vmem>>, vector<16xf32>,
        tpu.vector_store %arg9[%swap3A_914, %swap3A_915], %gather3A_831 {strides = array<i32>} : memref<256x64xf32, #tpu.memory_space<vmem>>, vector<16xf32>,
        %swap3A_917 = arith.index_cast %add3A_857 : i32 to index
        %swap3A_918 = arith.constant 16 : index
        %swap3A_919 = tpu.vector_load %arg9[%swap3A_917, %swap3A_918] {strides = array<i32>} : memref<256x64xf32, #tpu.memory_space<vmem>>, vector<16xf32>,
        tpu.vector_store %arg9[%swap3A_917, %swap3A_918], %gather3A_835 {strides = array<i32>} : memref<256x64xf32, #tpu.memory_space<vmem>>, vector<16xf32>,
        %swap3A_920 = arith.index_cast %add3A_857 : i32 to index
        %swap3A_921 = arith.constant 32 : index
        %swap3A_922 = tpu.vector_load %arg9[%swap3A_920, %swap3A_921] {strides = array<i32>} : memref<256x64xf32, #tpu.memory_space<vmem>>, vector<16xf32>,
        tpu.vector_store %arg9[%swap3A_920, %swap3A_921], %gather3A_839 {strides = array<i32>} : memref<256x64xf32, #tpu.memory_space<vmem>>, vector<16xf32>,
        %swap3A_923 = arith.index_cast %add3A_857 : i32 to index
        %swap3A_924 = arith.constant 48 : index
        %swap3A_925 = tpu.vector_load %arg9[%swap3A_923, %swap3A_924] {strides = array<i32>} : memref<256x64xf32, #tpu.memory_space<vmem>>, vector<16xf32>,
        tpu.vector_store %arg9[%swap3A_923, %swap3A_924], %gather3A_843 {strides = array<i32>} : memref<256x64xf32, #tpu.memory_space<vmem>>, vector<16xf32>,
        %add3A_926 = arith.constant 5 : i32
        %add3A_927 = arith.addi %mul3A_741, %add3A_926 : i32
        %broadcast_in_dim3A_928 = arith.constant 6 : i32
        %broadcast_in_dim3A_929 = vector.broadcast %broadcast_in_dim3A_928 : i32 to vector<16x1xi32>
        %gather3A_930 = vector.shape_cast %broadcast_in_dim3A_929 : vector<16x1xi32> to vector<16xi32>
        %gather3A_931 = tpu.dynamic_gather %mul3A_739[%gather3A_930] in [0] : vector<16xi32>, vector<16xi32> -> vector<16xi32>
        %add3A_932 = arith.addi %gather3A_931, %iota3A : vector<16xi32>
        %add3A_933 = arith.constant 0 : i32
        %add3A_934 = vector.broadcast %add3A_933 : i32 to vector<16xi32>
        %add3A_935 = arith.addi %add3A_932, %add3A_934 : vector<16xi32>
        %gather3A_936 = tpu.vector_load_idx %arg8[%add3A_935] : memref<4096xf32, #tpu.memory_space<vmem>>[vector<16xi32>], vector<16xf32>,
        %add3A_937 = arith.constant 16 : i32
        %add3A_938 = vector.broadcast %add3A_937 : i32 to vector<16xi32>
        %add3A_939 = arith.addi %add3A_932, %add3A_938 : vector<16xi32>
        %gather3A_940 = tpu.vector_load_idx %arg8[%add3A_939] : memref<4096xf32, #tpu.memory_space<vmem>>[vector<16xi32>], vector<16xf32>,
        %add3A_941 = arith.constant 32 : i32
        %add3A_942 = vector.broadcast %add3A_941 : i32 to vector<16xi32>
        %add3A_943 = arith.addi %add3A_932, %add3A_942 : vector<16xi32>
        %gather3A_944 = tpu.vector_load_idx %arg8[%add3A_943] : memref<4096xf32, #tpu.memory_space<vmem>>[vector<16xi32>], vector<16xf32>,
        %add3A_945 = arith.constant 48 : i32
        %add3A_946 = vector.broadcast %add3A_945 : i32 to vector<16xi32>
        %add3A_947 = arith.addi %add3A_932, %add3A_946 : vector<16xi32>
        %gather3A_948 = tpu.vector_load_idx %arg8[%add3A_947] : memref<4096xf32, #tpu.memory_space<vmem>>[vector<16xi32>], vector<16xf32>,
        %swap3A_949 = arith.index_cast %add3A_892 : i32 to index
        %swap3A_950 = arith.constant 0 : index
        %swap3A_951 = tpu.vector_load %arg9[%swap3A_949, %swap3A_950] {strides = array<i32>} : memref<256x64xf32, #tpu.memory_space<vmem>>, vector<16xf32>,
        tpu.vector_store %arg9[%swap3A_949, %swap3A_950], %gather3A_866 {strides = array<i32>} : memref<256x64xf32, #tpu.memory_space<vmem>>, vector<16xf32>,
        %swap3A_952 = arith.index_cast %add3A_892 : i32 to index
        %swap3A_953 = arith.constant 16 : index
        %swap3A_954 = tpu.vector_load %arg9[%swap3A_952, %swap3A_953] {strides = array<i32>} : memref<256x64xf32, #tpu.memory_space<vmem>>, vector<16xf32>,
        tpu.vector_store %arg9[%swap3A_952, %swap3A_953], %gather3A_870 {strides = array<i32>} : memref<256x64xf32, #tpu.memory_space<vmem>>, vector<16xf32>,
        %swap3A_955 = arith.index_cast %add3A_892 : i32 to index
        %swap3A_956 = arith.constant 32 : index
        %swap3A_957 = tpu.vector_load %arg9[%swap3A_955, %swap3A_956] {strides = array<i32>} : memref<256x64xf32, #tpu.memory_space<vmem>>, vector<16xf32>,
        tpu.vector_store %arg9[%swap3A_955, %swap3A_956], %gather3A_874 {strides = array<i32>} : memref<256x64xf32, #tpu.memory_space<vmem>>, vector<16xf32>,
        %swap3A_958 = arith.index_cast %add3A_892 : i32 to index
        %swap3A_959 = arith.constant 48 : index
        %swap3A_960 = tpu.vector_load %arg9[%swap3A_958, %swap3A_959] {strides = array<i32>} : memref<256x64xf32, #tpu.memory_space<vmem>>, vector<16xf32>,
        tpu.vector_store %arg9[%swap3A_958, %swap3A_959], %gather3A_878 {strides = array<i32>} : memref<256x64xf32, #tpu.memory_space<vmem>>, vector<16xf32>,
        %add3A_961 = arith.constant 6 : i32
        %add3A_962 = arith.addi %mul3A_741, %add3A_961 : i32
        %broadcast_in_dim3A_963 = arith.constant 7 : i32
        %broadcast_in_dim3A_964 = vector.broadcast %broadcast_in_dim3A_963 : i32 to vector<16x1xi32>
        %gather3A_965 = vector.shape_cast %broadcast_in_dim3A_964 : vector<16x1xi32> to vector<16xi32>
        %gather3A_966 = tpu.dynamic_gather %mul3A_739[%gather3A_965] in [0] : vector<16xi32>, vector<16xi32> -> vector<16xi32>
        %add3A_967 = arith.addi %gather3A_966, %iota3A : vector<16xi32>
        %add3A_968 = arith.constant 0 : i32
        %add3A_969 = vector.broadcast %add3A_968 : i32 to vector<16xi32>
        %add3A_970 = arith.addi %add3A_967, %add3A_969 : vector<16xi32>
        %gather3A_971 = tpu.vector_load_idx %arg8[%add3A_970] : memref<4096xf32, #tpu.memory_space<vmem>>[vector<16xi32>], vector<16xf32>,
        %add3A_972 = arith.constant 16 : i32
        %add3A_973 = vector.broadcast %add3A_972 : i32 to vector<16xi32>
        %add3A_974 = arith.addi %add3A_967, %add3A_973 : vector<16xi32>
        %gather3A_975 = tpu.vector_load_idx %arg8[%add3A_974] : memref<4096xf32, #tpu.memory_space<vmem>>[vector<16xi32>], vector<16xf32>,
        %add3A_976 = arith.constant 32 : i32
        %add3A_977 = vector.broadcast %add3A_976 : i32 to vector<16xi32>
        %add3A_978 = arith.addi %add3A_967, %add3A_977 : vector<16xi32>
        %gather3A_979 = tpu.vector_load_idx %arg8[%add3A_978] : memref<4096xf32, #tpu.memory_space<vmem>>[vector<16xi32>], vector<16xf32>,
        %add3A_980 = arith.constant 48 : i32
        %add3A_981 = vector.broadcast %add3A_980 : i32 to vector<16xi32>
        %add3A_982 = arith.addi %add3A_967, %add3A_981 : vector<16xi32>
        %gather3A_983 = tpu.vector_load_idx %arg8[%add3A_982] : memref<4096xf32, #tpu.memory_space<vmem>>[vector<16xi32>], vector<16xf32>,
        %swap3A_984 = arith.index_cast %add3A_927 : i32 to index
        %swap3A_985 = arith.constant 0 : index
        %swap3A_986 = tpu.vector_load %arg9[%swap3A_984, %swap3A_985] {strides = array<i32>} : memref<256x64xf32, #tpu.memory_space<vmem>>, vector<16xf32>,
        tpu.vector_store %arg9[%swap3A_984, %swap3A_985], %gather3A_901 {strides = array<i32>} : memref<256x64xf32, #tpu.memory_space<vmem>>, vector<16xf32>,
        %swap3A_987 = arith.index_cast %add3A_927 : i32 to index
        %swap3A_988 = arith.constant 16 : index
        %swap3A_989 = tpu.vector_load %arg9[%swap3A_987, %swap3A_988] {strides = array<i32>} : memref<256x64xf32, #tpu.memory_space<vmem>>, vector<16xf32>,
        tpu.vector_store %arg9[%swap3A_987, %swap3A_988], %gather3A_905 {strides = array<i32>} : memref<256x64xf32, #tpu.memory_space<vmem>>, vector<16xf32>,
        %swap3A_990 = arith.index_cast %add3A_927 : i32 to index
        %swap3A_991 = arith.constant 32 : index
        %swap3A_992 = tpu.vector_load %arg9[%swap3A_990, %swap3A_991] {strides = array<i32>} : memref<256x64xf32, #tpu.memory_space<vmem>>, vector<16xf32>,
        tpu.vector_store %arg9[%swap3A_990, %swap3A_991], %gather3A_909 {strides = array<i32>} : memref<256x64xf32, #tpu.memory_space<vmem>>, vector<16xf32>,
        %swap3A_993 = arith.index_cast %add3A_927 : i32 to index
        %swap3A_994 = arith.constant 48 : index
        %swap3A_995 = tpu.vector_load %arg9[%swap3A_993, %swap3A_994] {strides = array<i32>} : memref<256x64xf32, #tpu.memory_space<vmem>>, vector<16xf32>,
        tpu.vector_store %arg9[%swap3A_993, %swap3A_994], %gather3A_913 {strides = array<i32>} : memref<256x64xf32, #tpu.memory_space<vmem>>, vector<16xf32>,
        %add3A_996 = arith.constant 7 : i32
        %add3A_997 = arith.addi %mul3A_741, %add3A_996 : i32
        %broadcast_in_dim3A_998 = arith.constant 8 : i32
        %broadcast_in_dim3A_999 = vector.broadcast %broadcast_in_dim3A_998 : i32 to vector<16x1xi32>
        %gather3A_1000 = vector.shape_cast %broadcast_in_dim3A_999 : vector<16x1xi32> to vector<16xi32>
        %gather3A_1001 = tpu.dynamic_gather %mul3A_739[%gather3A_1000] in [0] : vector<16xi32>, vector<16xi32> -> vector<16xi32>
        %add3A_1002 = arith.addi %gather3A_1001, %iota3A : vector<16xi32>
        %add3A_1003 = arith.constant 0 : i32
        %add3A_1004 = vector.broadcast %add3A_1003 : i32 to vector<16xi32>
        %add3A_1005 = arith.addi %add3A_1002, %add3A_1004 : vector<16xi32>
        %gather3A_1006 = tpu.vector_load_idx %arg8[%add3A_1005] : memref<4096xf32, #tpu.memory_space<vmem>>[vector<16xi32>], vector<16xf32>,
        %add3A_1007 = arith.constant 16 : i32
        %add3A_1008 = vector.broadcast %add3A_1007 : i32 to vector<16xi32>
        %add3A_1009 = arith.addi %add3A_1002, %add3A_1008 : vector<16xi32>
        %gather3A_1010 = tpu.vector_load_idx %arg8[%add3A_1009] : memref<4096xf32, #tpu.memory_space<vmem>>[vector<16xi32>], vector<16xf32>,
        %add3A_1011 = arith.constant 32 : i32
        %add3A_1012 = vector.broadcast %add3A_1011 : i32 to vector<16xi32>
        %add3A_1013 = arith.addi %add3A_1002, %add3A_1012 : vector<16xi32>
        %gather3A_1014 = tpu.vector_load_idx %arg8[%add3A_1013] : memref<4096xf32, #tpu.memory_space<vmem>>[vector<16xi32>], vector<16xf32>,
        %add3A_1015 = arith.constant 48 : i32
        %add3A_1016 = vector.broadcast %add3A_1015 : i32 to vector<16xi32>
        %add3A_1017 = arith.addi %add3A_1002, %add3A_1016 : vector<16xi32>
        %gather3A_1018 = tpu.vector_load_idx %arg8[%add3A_1017] : memref<4096xf32, #tpu.memory_space<vmem>>[vector<16xi32>], vector<16xf32>,
        %swap3A_1019 = arith.index_cast %add3A_962 : i32 to index
        %swap3A_1020 = arith.constant 0 : index
        %swap3A_1021 = tpu.vector_load %arg9[%swap3A_1019, %swap3A_1020] {strides = array<i32>} : memref<256x64xf32, #tpu.memory_space<vmem>>, vector<16xf32>,
        tpu.vector_store %arg9[%swap3A_1019, %swap3A_1020], %gather3A_936 {strides = array<i32>} : memref<256x64xf32, #tpu.memory_space<vmem>>, vector<16xf32>,
        %swap3A_1022 = arith.index_cast %add3A_962 : i32 to index
        %swap3A_1023 = arith.constant 16 : index
        %swap3A_1024 = tpu.vector_load %arg9[%swap3A_1022, %swap3A_1023] {strides = array<i32>} : memref<256x64xf32, #tpu.memory_space<vmem>>, vector<16xf32>,
        tpu.vector_store %arg9[%swap3A_1022, %swap3A_1023], %gather3A_940 {strides = array<i32>} : memref<256x64xf32, #tpu.memory_space<vmem>>, vector<16xf32>,
        %swap3A_1025 = arith.index_cast %add3A_962 : i32 to index
        %swap3A_1026 = arith.constant 32 : index
        %swap3A_1027 = tpu.vector_load %arg9[%swap3A_1025, %swap3A_1026] {strides = array<i32>} : memref<256x64xf32, #tpu.memory_space<vmem>>, vector<16xf32>,
        tpu.vector_store %arg9[%swap3A_1025, %swap3A_1026], %gather3A_944 {strides = array<i32>} : memref<256x64xf32, #tpu.memory_space<vmem>>, vector<16xf32>,
        %swap3A_1028 = arith.index_cast %add3A_962 : i32 to index
        %swap3A_1029 = arith.constant 48 : index
        %swap3A_1030 = tpu.vector_load %arg9[%swap3A_1028, %swap3A_1029] {strides = array<i32>} : memref<256x64xf32, #tpu.memory_space<vmem>>, vector<16xf32>,
        tpu.vector_store %arg9[%swap3A_1028, %swap3A_1029], %gather3A_948 {strides = array<i32>} : memref<256x64xf32, #tpu.memory_space<vmem>>, vector<16xf32>,
        %add3A_1031 = arith.constant 8 : i32
        %add3A_1032 = arith.addi %mul3A_741, %add3A_1031 : i32
        %broadcast_in_dim3A_1033 = arith.constant 9 : i32
        %broadcast_in_dim3A_1034 = vector.broadcast %broadcast_in_dim3A_1033 : i32 to vector<16x1xi32>
        %gather3A_1035 = vector.shape_cast %broadcast_in_dim3A_1034 : vector<16x1xi32> to vector<16xi32>
        %gather3A_1036 = tpu.dynamic_gather %mul3A_739[%gather3A_1035] in [0] : vector<16xi32>, vector<16xi32> -> vector<16xi32>
        %add3A_1037 = arith.addi %gather3A_1036, %iota3A : vector<16xi32>
        %add3A_1038 = arith.constant 0 : i32
        %add3A_1039 = vector.broadcast %add3A_1038 : i32 to vector<16xi32>
        %add3A_1040 = arith.addi %add3A_1037, %add3A_1039 : vector<16xi32>
        %gather3A_1041 = tpu.vector_load_idx %arg8[%add3A_1040] : memref<4096xf32, #tpu.memory_space<vmem>>[vector<16xi32>], vector<16xf32>,
        %add3A_1042 = arith.constant 16 : i32
        %add3A_1043 = vector.broadcast %add3A_1042 : i32 to vector<16xi32>
        %add3A_1044 = arith.addi %add3A_1037, %add3A_1043 : vector<16xi32>
        %gather3A_1045 = tpu.vector_load_idx %arg8[%add3A_1044] : memref<4096xf32, #tpu.memory_space<vmem>>[vector<16xi32>], vector<16xf32>,
        %add3A_1046 = arith.constant 32 : i32
        %add3A_1047 = vector.broadcast %add3A_1046 : i32 to vector<16xi32>
        %add3A_1048 = arith.addi %add3A_1037, %add3A_1047 : vector<16xi32>
        %gather3A_1049 = tpu.vector_load_idx %arg8[%add3A_1048] : memref<4096xf32, #tpu.memory_space<vmem>>[vector<16xi32>], vector<16xf32>,
        %add3A_1050 = arith.constant 48 : i32
        %add3A_1051 = vector.broadcast %add3A_1050 : i32 to vector<16xi32>
        %add3A_1052 = arith.addi %add3A_1037, %add3A_1051 : vector<16xi32>
        %gather3A_1053 = tpu.vector_load_idx %arg8[%add3A_1052] : memref<4096xf32, #tpu.memory_space<vmem>>[vector<16xi32>], vector<16xf32>,
        %swap3A_1054 = arith.index_cast %add3A_997 : i32 to index
        %swap3A_1055 = arith.constant 0 : index
        %swap3A_1056 = tpu.vector_load %arg9[%swap3A_1054, %swap3A_1055] {strides = array<i32>} : memref<256x64xf32, #tpu.memory_space<vmem>>, vector<16xf32>,
        tpu.vector_store %arg9[%swap3A_1054, %swap3A_1055], %gather3A_971 {strides = array<i32>} : memref<256x64xf32, #tpu.memory_space<vmem>>, vector<16xf32>,
        %swap3A_1057 = arith.index_cast %add3A_997 : i32 to index
        %swap3A_1058 = arith.constant 16 : index
        %swap3A_1059 = tpu.vector_load %arg9[%swap3A_1057, %swap3A_1058] {strides = array<i32>} : memref<256x64xf32, #tpu.memory_space<vmem>>, vector<16xf32>,
        tpu.vector_store %arg9[%swap3A_1057, %swap3A_1058], %gather3A_975 {strides = array<i32>} : memref<256x64xf32, #tpu.memory_space<vmem>>, vector<16xf32>,
        %swap3A_1060 = arith.index_cast %add3A_997 : i32 to index
        %swap3A_1061 = arith.constant 32 : index
        %swap3A_1062 = tpu.vector_load %arg9[%swap3A_1060, %swap3A_1061] {strides = array<i32>} : memref<256x64xf32, #tpu.memory_space<vmem>>, vector<16xf32>,
        tpu.vector_store %arg9[%swap3A_1060, %swap3A_1061], %gather3A_979 {strides = array<i32>} : memref<256x64xf32, #tpu.memory_space<vmem>>, vector<16xf32>,
        %swap3A_1063 = arith.index_cast %add3A_997 : i32 to index
        %swap3A_1064 = arith.constant 48 : index
        %swap3A_1065 = tpu.vector_load %arg9[%swap3A_1063, %swap3A_1064] {strides = array<i32>} : memref<256x64xf32, #tpu.memory_space<vmem>>, vector<16xf32>,
        tpu.vector_store %arg9[%swap3A_1063, %swap3A_1064], %gather3A_983 {strides = array<i32>} : memref<256x64xf32, #tpu.memory_space<vmem>>, vector<16xf32>,
        %add3A_1066 = arith.constant 9 : i32
        %add3A_1067 = arith.addi %mul3A_741, %add3A_1066 : i32
        %broadcast_in_dim3A_1068 = arith.constant 10 : i32
        %broadcast_in_dim3A_1069 = vector.broadcast %broadcast_in_dim3A_1068 : i32 to vector<16x1xi32>
        %gather3A_1070 = vector.shape_cast %broadcast_in_dim3A_1069 : vector<16x1xi32> to vector<16xi32>
        %gather3A_1071 = tpu.dynamic_gather %mul3A_739[%gather3A_1070] in [0] : vector<16xi32>, vector<16xi32> -> vector<16xi32>
        %add3A_1072 = arith.addi %gather3A_1071, %iota3A : vector<16xi32>
        %add3A_1073 = arith.constant 0 : i32
        %add3A_1074 = vector.broadcast %add3A_1073 : i32 to vector<16xi32>
        %add3A_1075 = arith.addi %add3A_1072, %add3A_1074 : vector<16xi32>
        %gather3A_1076 = tpu.vector_load_idx %arg8[%add3A_1075] : memref<4096xf32, #tpu.memory_space<vmem>>[vector<16xi32>], vector<16xf32>,
        %add3A_1077 = arith.constant 16 : i32
        %add3A_1078 = vector.broadcast %add3A_1077 : i32 to vector<16xi32>
        %add3A_1079 = arith.addi %add3A_1072, %add3A_1078 : vector<16xi32>
        %gather3A_1080 = tpu.vector_load_idx %arg8[%add3A_1079] : memref<4096xf32, #tpu.memory_space<vmem>>[vector<16xi32>], vector<16xf32>,
        %add3A_1081 = arith.constant 32 : i32
        %add3A_1082 = vector.broadcast %add3A_1081 : i32 to vector<16xi32>
        %add3A_1083 = arith.addi %add3A_1072, %add3A_1082 : vector<16xi32>
        %gather3A_1084 = tpu.vector_load_idx %arg8[%add3A_1083] : memref<4096xf32, #tpu.memory_space<vmem>>[vector<16xi32>], vector<16xf32>,
        %add3A_1085 = arith.constant 48 : i32
        %add3A_1086 = vector.broadcast %add3A_1085 : i32 to vector<16xi32>
        %add3A_1087 = arith.addi %add3A_1072, %add3A_1086 : vector<16xi32>
        %gather3A_1088 = tpu.vector_load_idx %arg8[%add3A_1087] : memref<4096xf32, #tpu.memory_space<vmem>>[vector<16xi32>], vector<16xf32>,
        %swap3A_1089 = arith.index_cast %add3A_1032 : i32 to index
        %swap3A_1090 = arith.constant 0 : index
        %swap3A_1091 = tpu.vector_load %arg9[%swap3A_1089, %swap3A_1090] {strides = array<i32>} : memref<256x64xf32, #tpu.memory_space<vmem>>, vector<16xf32>,
        tpu.vector_store %arg9[%swap3A_1089, %swap3A_1090], %gather3A_1006 {strides = array<i32>} : memref<256x64xf32, #tpu.memory_space<vmem>>, vector<16xf32>,
        %swap3A_1092 = arith.index_cast %add3A_1032 : i32 to index
        %swap3A_1093 = arith.constant 16 : index
        %swap3A_1094 = tpu.vector_load %arg9[%swap3A_1092, %swap3A_1093] {strides = array<i32>} : memref<256x64xf32, #tpu.memory_space<vmem>>, vector<16xf32>,
        tpu.vector_store %arg9[%swap3A_1092, %swap3A_1093], %gather3A_1010 {strides = array<i32>} : memref<256x64xf32, #tpu.memory_space<vmem>>, vector<16xf32>,
        %swap3A_1095 = arith.index_cast %add3A_1032 : i32 to index
        %swap3A_1096 = arith.constant 32 : index
        %swap3A_1097 = tpu.vector_load %arg9[%swap3A_1095, %swap3A_1096] {strides = array<i32>} : memref<256x64xf32, #tpu.memory_space<vmem>>, vector<16xf32>,
        tpu.vector_store %arg9[%swap3A_1095, %swap3A_1096], %gather3A_1014 {strides = array<i32>} : memref<256x64xf32, #tpu.memory_space<vmem>>, vector<16xf32>,
        %swap3A_1098 = arith.index_cast %add3A_1032 : i32 to index
        %swap3A_1099 = arith.constant 48 : index
        %swap3A_1100 = tpu.vector_load %arg9[%swap3A_1098, %swap3A_1099] {strides = array<i32>} : memref<256x64xf32, #tpu.memory_space<vmem>>, vector<16xf32>,
        tpu.vector_store %arg9[%swap3A_1098, %swap3A_1099], %gather3A_1018 {strides = array<i32>} : memref<256x64xf32, #tpu.memory_space<vmem>>, vector<16xf32>,
        %add3A_1101 = arith.constant 10 : i32
        %add3A_1102 = arith.addi %mul3A_741, %add3A_1101 : i32
        %broadcast_in_dim3A_1103 = arith.constant 11 : i32
        %broadcast_in_dim3A_1104 = vector.broadcast %broadcast_in_dim3A_1103 : i32 to vector<16x1xi32>
        %gather3A_1105 = vector.shape_cast %broadcast_in_dim3A_1104 : vector<16x1xi32> to vector<16xi32>
        %gather3A_1106 = tpu.dynamic_gather %mul3A_739[%gather3A_1105] in [0] : vector<16xi32>, vector<16xi32> -> vector<16xi32>
        %add3A_1107 = arith.addi %gather3A_1106, %iota3A : vector<16xi32>
        %add3A_1108 = arith.constant 0 : i32
        %add3A_1109 = vector.broadcast %add3A_1108 : i32 to vector<16xi32>
        %add3A_1110 = arith.addi %add3A_1107, %add3A_1109 : vector<16xi32>
        %gather3A_1111 = tpu.vector_load_idx %arg8[%add3A_1110] : memref<4096xf32, #tpu.memory_space<vmem>>[vector<16xi32>], vector<16xf32>,
        %add3A_1112 = arith.constant 16 : i32
        %add3A_1113 = vector.broadcast %add3A_1112 : i32 to vector<16xi32>
        %add3A_1114 = arith.addi %add3A_1107, %add3A_1113 : vector<16xi32>
        %gather3A_1115 = tpu.vector_load_idx %arg8[%add3A_1114] : memref<4096xf32, #tpu.memory_space<vmem>>[vector<16xi32>], vector<16xf32>,
        %add3A_1116 = arith.constant 32 : i32
        %add3A_1117 = vector.broadcast %add3A_1116 : i32 to vector<16xi32>
        %add3A_1118 = arith.addi %add3A_1107, %add3A_1117 : vector<16xi32>
        %gather3A_1119 = tpu.vector_load_idx %arg8[%add3A_1118] : memref<4096xf32, #tpu.memory_space<vmem>>[vector<16xi32>], vector<16xf32>,
        %add3A_1120 = arith.constant 48 : i32
        %add3A_1121 = vector.broadcast %add3A_1120 : i32 to vector<16xi32>
        %add3A_1122 = arith.addi %add3A_1107, %add3A_1121 : vector<16xi32>
        %gather3A_1123 = tpu.vector_load_idx %arg8[%add3A_1122] : memref<4096xf32, #tpu.memory_space<vmem>>[vector<16xi32>], vector<16xf32>,
        %swap3A_1124 = arith.index_cast %add3A_1067 : i32 to index
        %swap3A_1125 = arith.constant 0 : index
        %swap3A_1126 = tpu.vector_load %arg9[%swap3A_1124, %swap3A_1125] {strides = array<i32>} : memref<256x64xf32, #tpu.memory_space<vmem>>, vector<16xf32>,
        tpu.vector_store %arg9[%swap3A_1124, %swap3A_1125], %gather3A_1041 {strides = array<i32>} : memref<256x64xf32, #tpu.memory_space<vmem>>, vector<16xf32>,
        %swap3A_1127 = arith.index_cast %add3A_1067 : i32 to index
        %swap3A_1128 = arith.constant 16 : index
        %swap3A_1129 = tpu.vector_load %arg9[%swap3A_1127, %swap3A_1128] {strides = array<i32>} : memref<256x64xf32, #tpu.memory_space<vmem>>, vector<16xf32>,
        tpu.vector_store %arg9[%swap3A_1127, %swap3A_1128], %gather3A_1045 {strides = array<i32>} : memref<256x64xf32, #tpu.memory_space<vmem>>, vector<16xf32>,
        %swap3A_1130 = arith.index_cast %add3A_1067 : i32 to index
        %swap3A_1131 = arith.constant 32 : index
        %swap3A_1132 = tpu.vector_load %arg9[%swap3A_1130, %swap3A_1131] {strides = array<i32>} : memref<256x64xf32, #tpu.memory_space<vmem>>, vector<16xf32>,
        tpu.vector_store %arg9[%swap3A_1130, %swap3A_1131], %gather3A_1049 {strides = array<i32>} : memref<256x64xf32, #tpu.memory_space<vmem>>, vector<16xf32>,
        %swap3A_1133 = arith.index_cast %add3A_1067 : i32 to index
        %swap3A_1134 = arith.constant 48 : index
        %swap3A_1135 = tpu.vector_load %arg9[%swap3A_1133, %swap3A_1134] {strides = array<i32>} : memref<256x64xf32, #tpu.memory_space<vmem>>, vector<16xf32>,
        tpu.vector_store %arg9[%swap3A_1133, %swap3A_1134], %gather3A_1053 {strides = array<i32>} : memref<256x64xf32, #tpu.memory_space<vmem>>, vector<16xf32>,
        %add3A_1136 = arith.constant 11 : i32
        %add3A_1137 = arith.addi %mul3A_741, %add3A_1136 : i32
        %broadcast_in_dim3A_1138 = arith.constant 12 : i32
        %broadcast_in_dim3A_1139 = vector.broadcast %broadcast_in_dim3A_1138 : i32 to vector<16x1xi32>
        %gather3A_1140 = vector.shape_cast %broadcast_in_dim3A_1139 : vector<16x1xi32> to vector<16xi32>
        %gather3A_1141 = tpu.dynamic_gather %mul3A_739[%gather3A_1140] in [0] : vector<16xi32>, vector<16xi32> -> vector<16xi32>
        %add3A_1142 = arith.addi %gather3A_1141, %iota3A : vector<16xi32>
        %add3A_1143 = arith.constant 0 : i32
        %add3A_1144 = vector.broadcast %add3A_1143 : i32 to vector<16xi32>
        %add3A_1145 = arith.addi %add3A_1142, %add3A_1144 : vector<16xi32>
        %gather3A_1146 = tpu.vector_load_idx %arg8[%add3A_1145] : memref<4096xf32, #tpu.memory_space<vmem>>[vector<16xi32>], vector<16xf32>,
        %add3A_1147 = arith.constant 16 : i32
        %add3A_1148 = vector.broadcast %add3A_1147 : i32 to vector<16xi32>
        %add3A_1149 = arith.addi %add3A_1142, %add3A_1148 : vector<16xi32>
        %gather3A_1150 = tpu.vector_load_idx %arg8[%add3A_1149] : memref<4096xf32, #tpu.memory_space<vmem>>[vector<16xi32>], vector<16xf32>,
        %add3A_1151 = arith.constant 32 : i32
        %add3A_1152 = vector.broadcast %add3A_1151 : i32 to vector<16xi32>
        %add3A_1153 = arith.addi %add3A_1142, %add3A_1152 : vector<16xi32>
        %gather3A_1154 = tpu.vector_load_idx %arg8[%add3A_1153] : memref<4096xf32, #tpu.memory_space<vmem>>[vector<16xi32>], vector<16xf32>,
        %add3A_1155 = arith.constant 48 : i32
        %add3A_1156 = vector.broadcast %add3A_1155 : i32 to vector<16xi32>
        %add3A_1157 = arith.addi %add3A_1142, %add3A_1156 : vector<16xi32>
        %gather3A_1158 = tpu.vector_load_idx %arg8[%add3A_1157] : memref<4096xf32, #tpu.memory_space<vmem>>[vector<16xi32>], vector<16xf32>,
        %swap3A_1159 = arith.index_cast %add3A_1102 : i32 to index
        %swap3A_1160 = arith.constant 0 : index
        %swap3A_1161 = tpu.vector_load %arg9[%swap3A_1159, %swap3A_1160] {strides = array<i32>} : memref<256x64xf32, #tpu.memory_space<vmem>>, vector<16xf32>,
        tpu.vector_store %arg9[%swap3A_1159, %swap3A_1160], %gather3A_1076 {strides = array<i32>} : memref<256x64xf32, #tpu.memory_space<vmem>>, vector<16xf32>,
        %swap3A_1162 = arith.index_cast %add3A_1102 : i32 to index
        %swap3A_1163 = arith.constant 16 : index
        %swap3A_1164 = tpu.vector_load %arg9[%swap3A_1162, %swap3A_1163] {strides = array<i32>} : memref<256x64xf32, #tpu.memory_space<vmem>>, vector<16xf32>,
        tpu.vector_store %arg9[%swap3A_1162, %swap3A_1163], %gather3A_1080 {strides = array<i32>} : memref<256x64xf32, #tpu.memory_space<vmem>>, vector<16xf32>,
        %swap3A_1165 = arith.index_cast %add3A_1102 : i32 to index
        %swap3A_1166 = arith.constant 32 : index
        %swap3A_1167 = tpu.vector_load %arg9[%swap3A_1165, %swap3A_1166] {strides = array<i32>} : memref<256x64xf32, #tpu.memory_space<vmem>>, vector<16xf32>,
        tpu.vector_store %arg9[%swap3A_1165, %swap3A_1166], %gather3A_1084 {strides = array<i32>} : memref<256x64xf32, #tpu.memory_space<vmem>>, vector<16xf32>,
        %swap3A_1168 = arith.index_cast %add3A_1102 : i32 to index
        %swap3A_1169 = arith.constant 48 : index
        %swap3A_1170 = tpu.vector_load %arg9[%swap3A_1168, %swap3A_1169] {strides = array<i32>} : memref<256x64xf32, #tpu.memory_space<vmem>>, vector<16xf32>,
        tpu.vector_store %arg9[%swap3A_1168, %swap3A_1169], %gather3A_1088 {strides = array<i32>} : memref<256x64xf32, #tpu.memory_space<vmem>>, vector<16xf32>,
        %add3A_1171 = arith.constant 12 : i32
        %add3A_1172 = arith.addi %mul3A_741, %add3A_1171 : i32
        %broadcast_in_dim3A_1173 = arith.constant 13 : i32
        %broadcast_in_dim3A_1174 = vector.broadcast %broadcast_in_dim3A_1173 : i32 to vector<16x1xi32>
        %gather3A_1175 = vector.shape_cast %broadcast_in_dim3A_1174 : vector<16x1xi32> to vector<16xi32>
        %gather3A_1176 = tpu.dynamic_gather %mul3A_739[%gather3A_1175] in [0] : vector<16xi32>, vector<16xi32> -> vector<16xi32>
        %add3A_1177 = arith.addi %gather3A_1176, %iota3A : vector<16xi32>
        %add3A_1178 = arith.constant 0 : i32
        %add3A_1179 = vector.broadcast %add3A_1178 : i32 to vector<16xi32>
        %add3A_1180 = arith.addi %add3A_1177, %add3A_1179 : vector<16xi32>
        %gather3A_1181 = tpu.vector_load_idx %arg8[%add3A_1180] : memref<4096xf32, #tpu.memory_space<vmem>>[vector<16xi32>], vector<16xf32>,
        %add3A_1182 = arith.constant 16 : i32
        %add3A_1183 = vector.broadcast %add3A_1182 : i32 to vector<16xi32>
        %add3A_1184 = arith.addi %add3A_1177, %add3A_1183 : vector<16xi32>
        %gather3A_1185 = tpu.vector_load_idx %arg8[%add3A_1184] : memref<4096xf32, #tpu.memory_space<vmem>>[vector<16xi32>], vector<16xf32>,
        %add3A_1186 = arith.constant 32 : i32
        %add3A_1187 = vector.broadcast %add3A_1186 : i32 to vector<16xi32>
        %add3A_1188 = arith.addi %add3A_1177, %add3A_1187 : vector<16xi32>
        %gather3A_1189 = tpu.vector_load_idx %arg8[%add3A_1188] : memref<4096xf32, #tpu.memory_space<vmem>>[vector<16xi32>], vector<16xf32>,
        %add3A_1190 = arith.constant 48 : i32
        %add3A_1191 = vector.broadcast %add3A_1190 : i32 to vector<16xi32>
        %add3A_1192 = arith.addi %add3A_1177, %add3A_1191 : vector<16xi32>
        %gather3A_1193 = tpu.vector_load_idx %arg8[%add3A_1192] : memref<4096xf32, #tpu.memory_space<vmem>>[vector<16xi32>], vector<16xf32>,
        %swap3A_1194 = arith.index_cast %add3A_1137 : i32 to index
        %swap3A_1195 = arith.constant 0 : index
        %swap3A_1196 = tpu.vector_load %arg9[%swap3A_1194, %swap3A_1195] {strides = array<i32>} : memref<256x64xf32, #tpu.memory_space<vmem>>, vector<16xf32>,
        tpu.vector_store %arg9[%swap3A_1194, %swap3A_1195], %gather3A_1111 {strides = array<i32>} : memref<256x64xf32, #tpu.memory_space<vmem>>, vector<16xf32>,
        %swap3A_1197 = arith.index_cast %add3A_1137 : i32 to index
        %swap3A_1198 = arith.constant 16 : index
        %swap3A_1199 = tpu.vector_load %arg9[%swap3A_1197, %swap3A_1198] {strides = array<i32>} : memref<256x64xf32, #tpu.memory_space<vmem>>, vector<16xf32>,
        tpu.vector_store %arg9[%swap3A_1197, %swap3A_1198], %gather3A_1115 {strides = array<i32>} : memref<256x64xf32, #tpu.memory_space<vmem>>, vector<16xf32>,
        %swap3A_1200 = arith.index_cast %add3A_1137 : i32 to index
        %swap3A_1201 = arith.constant 32 : index
        %swap3A_1202 = tpu.vector_load %arg9[%swap3A_1200, %swap3A_1201] {strides = array<i32>} : memref<256x64xf32, #tpu.memory_space<vmem>>, vector<16xf32>,
        tpu.vector_store %arg9[%swap3A_1200, %swap3A_1201], %gather3A_1119 {strides = array<i32>} : memref<256x64xf32, #tpu.memory_space<vmem>>, vector<16xf32>,
        %swap3A_1203 = arith.index_cast %add3A_1137 : i32 to index
        %swap3A_1204 = arith.constant 48 : index
        %swap3A_1205 = tpu.vector_load %arg9[%swap3A_1203, %swap3A_1204] {strides = array<i32>} : memref<256x64xf32, #tpu.memory_space<vmem>>, vector<16xf32>,
        tpu.vector_store %arg9[%swap3A_1203, %swap3A_1204], %gather3A_1123 {strides = array<i32>} : memref<256x64xf32, #tpu.memory_space<vmem>>, vector<16xf32>,
        %add3A_1206 = arith.constant 13 : i32
        %add3A_1207 = arith.addi %mul3A_741, %add3A_1206 : i32
        %broadcast_in_dim3A_1208 = arith.constant 14 : i32
        %broadcast_in_dim3A_1209 = vector.broadcast %broadcast_in_dim3A_1208 : i32 to vector<16x1xi32>
        %gather3A_1210 = vector.shape_cast %broadcast_in_dim3A_1209 : vector<16x1xi32> to vector<16xi32>
        %gather3A_1211 = tpu.dynamic_gather %mul3A_739[%gather3A_1210] in [0] : vector<16xi32>, vector<16xi32> -> vector<16xi32>
        %add3A_1212 = arith.addi %gather3A_1211, %iota3A : vector<16xi32>
        %add3A_1213 = arith.constant 0 : i32
        %add3A_1214 = vector.broadcast %add3A_1213 : i32 to vector<16xi32>
        %add3A_1215 = arith.addi %add3A_1212, %add3A_1214 : vector<16xi32>
        %gather3A_1216 = tpu.vector_load_idx %arg8[%add3A_1215] : memref<4096xf32, #tpu.memory_space<vmem>>[vector<16xi32>], vector<16xf32>,
        %add3A_1217 = arith.constant 16 : i32
        %add3A_1218 = vector.broadcast %add3A_1217 : i32 to vector<16xi32>
        %add3A_1219 = arith.addi %add3A_1212, %add3A_1218 : vector<16xi32>
        %gather3A_1220 = tpu.vector_load_idx %arg8[%add3A_1219] : memref<4096xf32, #tpu.memory_space<vmem>>[vector<16xi32>], vector<16xf32>,
        %add3A_1221 = arith.constant 32 : i32
        %add3A_1222 = vector.broadcast %add3A_1221 : i32 to vector<16xi32>
        %add3A_1223 = arith.addi %add3A_1212, %add3A_1222 : vector<16xi32>
        %gather3A_1224 = tpu.vector_load_idx %arg8[%add3A_1223] : memref<4096xf32, #tpu.memory_space<vmem>>[vector<16xi32>], vector<16xf32>,
        %add3A_1225 = arith.constant 48 : i32
        %add3A_1226 = vector.broadcast %add3A_1225 : i32 to vector<16xi32>
        %add3A_1227 = arith.addi %add3A_1212, %add3A_1226 : vector<16xi32>
        %gather3A_1228 = tpu.vector_load_idx %arg8[%add3A_1227] : memref<4096xf32, #tpu.memory_space<vmem>>[vector<16xi32>], vector<16xf32>,
        %swap3A_1229 = arith.index_cast %add3A_1172 : i32 to index
        %swap3A_1230 = arith.constant 0 : index
        %swap3A_1231 = tpu.vector_load %arg9[%swap3A_1229, %swap3A_1230] {strides = array<i32>} : memref<256x64xf32, #tpu.memory_space<vmem>>, vector<16xf32>,
        tpu.vector_store %arg9[%swap3A_1229, %swap3A_1230], %gather3A_1146 {strides = array<i32>} : memref<256x64xf32, #tpu.memory_space<vmem>>, vector<16xf32>,
        %swap3A_1232 = arith.index_cast %add3A_1172 : i32 to index
        %swap3A_1233 = arith.constant 16 : index
        %swap3A_1234 = tpu.vector_load %arg9[%swap3A_1232, %swap3A_1233] {strides = array<i32>} : memref<256x64xf32, #tpu.memory_space<vmem>>, vector<16xf32>,
        tpu.vector_store %arg9[%swap3A_1232, %swap3A_1233], %gather3A_1150 {strides = array<i32>} : memref<256x64xf32, #tpu.memory_space<vmem>>, vector<16xf32>,
        %swap3A_1235 = arith.index_cast %add3A_1172 : i32 to index
        %swap3A_1236 = arith.constant 32 : index
        %swap3A_1237 = tpu.vector_load %arg9[%swap3A_1235, %swap3A_1236] {strides = array<i32>} : memref<256x64xf32, #tpu.memory_space<vmem>>, vector<16xf32>,
        tpu.vector_store %arg9[%swap3A_1235, %swap3A_1236], %gather3A_1154 {strides = array<i32>} : memref<256x64xf32, #tpu.memory_space<vmem>>, vector<16xf32>,
        %swap3A_1238 = arith.index_cast %add3A_1172 : i32 to index
        %swap3A_1239 = arith.constant 48 : index
        %swap3A_1240 = tpu.vector_load %arg9[%swap3A_1238, %swap3A_1239] {strides = array<i32>} : memref<256x64xf32, #tpu.memory_space<vmem>>, vector<16xf32>,
        tpu.vector_store %arg9[%swap3A_1238, %swap3A_1239], %gather3A_1158 {strides = array<i32>} : memref<256x64xf32, #tpu.memory_space<vmem>>, vector<16xf32>,
        %add3A_1241 = arith.constant 14 : i32
        %add3A_1242 = arith.addi %mul3A_741, %add3A_1241 : i32
        %broadcast_in_dim3A_1243 = arith.constant 15 : i32
        %broadcast_in_dim3A_1244 = vector.broadcast %broadcast_in_dim3A_1243 : i32 to vector<16x1xi32>
        %gather3A_1245 = vector.shape_cast %broadcast_in_dim3A_1244 : vector<16x1xi32> to vector<16xi32>
        %gather3A_1246 = tpu.dynamic_gather %mul3A_739[%gather3A_1245] in [0] : vector<16xi32>, vector<16xi32> -> vector<16xi32>
        %add3A_1247 = arith.addi %gather3A_1246, %iota3A : vector<16xi32>
        %add3A_1248 = arith.constant 0 : i32
        %add3A_1249 = vector.broadcast %add3A_1248 : i32 to vector<16xi32>
        %add3A_1250 = arith.addi %add3A_1247, %add3A_1249 : vector<16xi32>
        %gather3A_1251 = tpu.vector_load_idx %arg8[%add3A_1250] : memref<4096xf32, #tpu.memory_space<vmem>>[vector<16xi32>], vector<16xf32>,
        %add3A_1252 = arith.constant 16 : i32
        %add3A_1253 = vector.broadcast %add3A_1252 : i32 to vector<16xi32>
        %add3A_1254 = arith.addi %add3A_1247, %add3A_1253 : vector<16xi32>
        %gather3A_1255 = tpu.vector_load_idx %arg8[%add3A_1254] : memref<4096xf32, #tpu.memory_space<vmem>>[vector<16xi32>], vector<16xf32>,
        %add3A_1256 = arith.constant 32 : i32
        %add3A_1257 = vector.broadcast %add3A_1256 : i32 to vector<16xi32>
        %add3A_1258 = arith.addi %add3A_1247, %add3A_1257 : vector<16xi32>
        %gather3A_1259 = tpu.vector_load_idx %arg8[%add3A_1258] : memref<4096xf32, #tpu.memory_space<vmem>>[vector<16xi32>], vector<16xf32>,
        %add3A_1260 = arith.constant 48 : i32
        %add3A_1261 = vector.broadcast %add3A_1260 : i32 to vector<16xi32>
        %add3A_1262 = arith.addi %add3A_1247, %add3A_1261 : vector<16xi32>
        %gather3A_1263 = tpu.vector_load_idx %arg8[%add3A_1262] : memref<4096xf32, #tpu.memory_space<vmem>>[vector<16xi32>], vector<16xf32>,
        %swap3A_1264 = arith.index_cast %add3A_1207 : i32 to index
        %swap3A_1265 = arith.constant 0 : index
        %swap3A_1266 = tpu.vector_load %arg9[%swap3A_1264, %swap3A_1265] {strides = array<i32>} : memref<256x64xf32, #tpu.memory_space<vmem>>, vector<16xf32>,
        tpu.vector_store %arg9[%swap3A_1264, %swap3A_1265], %gather3A_1181 {strides = array<i32>} : memref<256x64xf32, #tpu.memory_space<vmem>>, vector<16xf32>,
        %swap3A_1267 = arith.index_cast %add3A_1207 : i32 to index
        %swap3A_1268 = arith.constant 16 : index
        %swap3A_1269 = tpu.vector_load %arg9[%swap3A_1267, %swap3A_1268] {strides = array<i32>} : memref<256x64xf32, #tpu.memory_space<vmem>>, vector<16xf32>,
        tpu.vector_store %arg9[%swap3A_1267, %swap3A_1268], %gather3A_1185 {strides = array<i32>} : memref<256x64xf32, #tpu.memory_space<vmem>>, vector<16xf32>,
        %swap3A_1270 = arith.index_cast %add3A_1207 : i32 to index
        %swap3A_1271 = arith.constant 32 : index
        %swap3A_1272 = tpu.vector_load %arg9[%swap3A_1270, %swap3A_1271] {strides = array<i32>} : memref<256x64xf32, #tpu.memory_space<vmem>>, vector<16xf32>,
        tpu.vector_store %arg9[%swap3A_1270, %swap3A_1271], %gather3A_1189 {strides = array<i32>} : memref<256x64xf32, #tpu.memory_space<vmem>>, vector<16xf32>,
        %swap3A_1273 = arith.index_cast %add3A_1207 : i32 to index
        %swap3A_1274 = arith.constant 48 : index
        %swap3A_1275 = tpu.vector_load %arg9[%swap3A_1273, %swap3A_1274] {strides = array<i32>} : memref<256x64xf32, #tpu.memory_space<vmem>>, vector<16xf32>,
        tpu.vector_store %arg9[%swap3A_1273, %swap3A_1274], %gather3A_1193 {strides = array<i32>} : memref<256x64xf32, #tpu.memory_space<vmem>>, vector<16xf32>,
        %add3A_1276 = arith.constant 15 : i32
        %add3A_1277 = arith.addi %mul3A_741, %add3A_1276 : i32
        %swap3A_1278 = arith.index_cast %add3A_1242 : i32 to index
        %swap3A_1279 = arith.constant 0 : index
        %swap3A_1280 = tpu.vector_load %arg9[%swap3A_1278, %swap3A_1279] {strides = array<i32>} : memref<256x64xf32, #tpu.memory_space<vmem>>, vector<16xf32>,
        tpu.vector_store %arg9[%swap3A_1278, %swap3A_1279], %gather3A_1216 {strides = array<i32>} : memref<256x64xf32, #tpu.memory_space<vmem>>, vector<16xf32>,
        %swap3A_1281 = arith.index_cast %add3A_1242 : i32 to index
        %swap3A_1282 = arith.constant 16 : index
        %swap3A_1283 = tpu.vector_load %arg9[%swap3A_1281, %swap3A_1282] {strides = array<i32>} : memref<256x64xf32, #tpu.memory_space<vmem>>, vector<16xf32>,
        tpu.vector_store %arg9[%swap3A_1281, %swap3A_1282], %gather3A_1220 {strides = array<i32>} : memref<256x64xf32, #tpu.memory_space<vmem>>, vector<16xf32>,
        %swap3A_1284 = arith.index_cast %add3A_1242 : i32 to index
        %swap3A_1285 = arith.constant 32 : index
        %swap3A_1286 = tpu.vector_load %arg9[%swap3A_1284, %swap3A_1285] {strides = array<i32>} : memref<256x64xf32, #tpu.memory_space<vmem>>, vector<16xf32>,
        tpu.vector_store %arg9[%swap3A_1284, %swap3A_1285], %gather3A_1224 {strides = array<i32>} : memref<256x64xf32, #tpu.memory_space<vmem>>, vector<16xf32>,
        %swap3A_1287 = arith.index_cast %add3A_1242 : i32 to index
        %swap3A_1288 = arith.constant 48 : index
        %swap3A_1289 = tpu.vector_load %arg9[%swap3A_1287, %swap3A_1288] {strides = array<i32>} : memref<256x64xf32, #tpu.memory_space<vmem>>, vector<16xf32>,
        tpu.vector_store %arg9[%swap3A_1287, %swap3A_1288], %gather3A_1228 {strides = array<i32>} : memref<256x64xf32, #tpu.memory_space<vmem>>, vector<16xf32>,
        %swap3A_1290 = arith.index_cast %add3A_1277 : i32 to index
        %swap3A_1291 = arith.constant 0 : index
        %swap3A_1292 = tpu.vector_load %arg9[%swap3A_1290, %swap3A_1291] {strides = array<i32>} : memref<256x64xf32, #tpu.memory_space<vmem>>, vector<16xf32>,
        tpu.vector_store %arg9[%swap3A_1290, %swap3A_1291], %gather3A_1251 {strides = array<i32>} : memref<256x64xf32, #tpu.memory_space<vmem>>, vector<16xf32>,
        %swap3A_1293 = arith.index_cast %add3A_1277 : i32 to index
        %swap3A_1294 = arith.constant 16 : index
        %swap3A_1295 = tpu.vector_load %arg9[%swap3A_1293, %swap3A_1294] {strides = array<i32>} : memref<256x64xf32, #tpu.memory_space<vmem>>, vector<16xf32>,
        tpu.vector_store %arg9[%swap3A_1293, %swap3A_1294], %gather3A_1255 {strides = array<i32>} : memref<256x64xf32, #tpu.memory_space<vmem>>, vector<16xf32>,
        %swap3A_1296 = arith.index_cast %add3A_1277 : i32 to index
        %swap3A_1297 = arith.constant 32 : index
        %swap3A_1298 = tpu.vector_load %arg9[%swap3A_1296, %swap3A_1297] {strides = array<i32>} : memref<256x64xf32, #tpu.memory_space<vmem>>, vector<16xf32>,
        tpu.vector_store %arg9[%swap3A_1296, %swap3A_1297], %gather3A_1259 {strides = array<i32>} : memref<256x64xf32, #tpu.memory_space<vmem>>, vector<16xf32>,
        %swap3A_1299 = arith.index_cast %add3A_1277 : i32 to index
        %swap3A_1300 = arith.constant 48 : index
        %swap3A_1301 = tpu.vector_load %arg9[%swap3A_1299, %swap3A_1300] {strides = array<i32>} : memref<256x64xf32, #tpu.memory_space<vmem>>, vector<16xf32>,
        tpu.vector_store %arg9[%swap3A_1299, %swap3A_1300], %gather3A_1263 {strides = array<i32>} : memref<256x64xf32, #tpu.memory_space<vmem>>, vector<16xf32>,
      }
      %scan3A_31 = arith.constant 16 : i32
      %mul3A_32 = arith.constant 256 : i32
      %mul3A_33 = arith.muli %add3A_21, %mul3A_32 : i32
      %add3A_34 = arith.addi %mul3A_2, %mul3A_33 : i32
      %dma_start3A = arith.constant 0 : i32
      %dma_start3A_35 = tpu.memref_slice %arg5[%add3A_34, %dma_start3A] : memref<819200x64xf32, #tpu.memory_space<hbm>> -> memref<256x64xf32, #tpu.memory_space<hbm>>
      %dma_start3A_36 = arith.constant 0 : i32
      %dma_start3A_37 = tpu.memref_slice %arg5[%add3A_34, %dma_start3A_36] : memref<819200x64xf32, #tpu.memory_space<hbm>> -> memref<256x64xf32, #tpu.memory_space<hbm>>
      tpu.enqueue_dma source(%arg9 : memref<256x64xf32, #tpu.memory_space<vmem>>) target(%dma_start3A_37 : memref<256x64xf32, #tpu.memory_space<hbm>>) target_semaphore(%arg11 : memref<!tpu.dma_semaphore, #tpu.memory_space<semaphore_mem>>)
      %mul3A_38 = arith.constant 2 : i32
      %mul3A_39 = arith.muli %scan3A_17, %mul3A_38 : i32
      %add3A_40 = arith.constant 1 : i32
      %add3A_41 = arith.addi %mul3A_39, %add3A_40 : i32
      %ge3A_42 = arith.constant 2 : i32
      %ge3A_43 = arith.cmpi sge, %add3A_41, %ge3A_42 : i32
      %convert_element_type3A_44 = arith.extui %ge3A_43 : i1 to i32
      %cond3A_45 = arith.constant 0 : i32
      %cond3A_46 = arith.cmpi ne, %convert_element_type3A_44, %cond3A_45 : i32
      scf.if %cond3A_46 {
        %dma_wait3A_62 = arith.constant 0 : i32
        %dma_wait3A_63 = tpu.memref_slice %arg5[%mul3A_2, %dma_wait3A_62] : memref<819200x64xf32, #tpu.memory_space<hbm>> -> memref<256x64xf32, #tpu.memory_space<hbm>>
        %dma_wait3A_64 = arith.constant 0 : i32
        %dma_wait3A_65 = tpu.memref_slice %arg5[%mul3A_2, %dma_wait3A_64] : memref<819200x64xf32, #tpu.memory_space<hbm>> -> memref<256x64xf32, #tpu.memory_space<hbm>>
        tpu.wait_dma2 semaphore(%arg11 : memref<!tpu.dma_semaphore, #tpu.memory_space<semaphore_mem>>) src(%arg10 : memref<256x64xf32, #tpu.memory_space<vmem>>) dst(%dma_wait3A_65 : memref<256x64xf32, #tpu.memory_space<hbm>>)
      } else {
      }
      %mul3A_47 = arith.constant 256 : i32
      %mul3A_48 = arith.muli %add3A_41, %mul3A_47 : i32
      %scan3A_49 = arith.constant 0 : i32
      %scan3A_50 = arith.constant 0 : i32
      %scan3A_51 = arith.constant 16 : i32
      %scan3A_52 = arith.addi %scan3A_50, %scan3A_51 : i32
      %scan3A_53 = arith.constant 2 : i32
      scf.for %scan3A_62 = %scan3A_50 to %scan3A_52 step %scan3A_53  : i32 {
        %mul3A_63 = arith.constant 16 : i32
        %mul3A_64 = arith.muli %scan3A_62, %mul3A_63 : i32
        %add3A_65 = arith.addi %mul3A_48, %mul3A_64 : i32
        %add3A_66 = vector.broadcast %add3A_65 : i32 to vector<16xi32>
        %add3A_67 = arith.addi %add3A_66, %iota3A : vector<16xi32>
        %jit3A = arith.constant 200 : i32
        %div3A = vector.broadcast %jit3A : i32 to vector<16xi32>
        %div3A_68 = arith.divsi %add3A_67, %div3A : vector<16xi32>
        %sign3A = arith.constant 0 : i32
        %sign3A_69 = vector.broadcast %sign3A : i32 to vector<16xi32>
        %sign3A_70 = arith.cmpi sgt, %add3A_67, %sign3A_69 : vector<16xi32>
        %sign3A_71 = arith.extui %sign3A_70 : vector<16xi1> to vector<16xi32>
        %sign3A_72 = arith.constant 0 : i32
        %sign3A_73 = vector.broadcast %sign3A_72 : i32 to vector<16xi32>
        %sign3A_74 = arith.cmpi slt, %add3A_67, %sign3A_73 : vector<16xi32>
        %sign3A_75 = arith.extui %sign3A_74 : vector<16xi1> to vector<16xi32>
        %sign3A_76 = arith.subi %sign3A_71, %sign3A_75 : vector<16xi32>
        %sign3A_77 = arith.constant 0 : i32
        %sign3A_78 = arith.cmpi sgt, %jit3A, %sign3A_77 : i32
        %sign3A_79 = arith.extui %sign3A_78 : i1 to i32
        %sign3A_80 = arith.constant 0 : i32
        %sign3A_81 = arith.cmpi slt, %jit3A, %sign3A_80 : i32
        %sign3A_82 = arith.extui %sign3A_81 : i1 to i32
        %sign3A_83 = arith.subi %sign3A_79, %sign3A_82 : i32
        %ne3A = vector.broadcast %sign3A_83 : i32 to vector<16xi32>
        %ne3A_84 = arith.cmpi ne, %sign3A_76, %ne3A : vector<16xi32>
        %rem3A = vector.broadcast %jit3A : i32 to vector<16xi32>
        %rem3A_85 = arith.remsi %add3A_67, %rem3A : vector<16xi32>
        %ne3A_86 = arith.constant 0 : i32
        %ne3A_87 = vector.broadcast %ne3A_86 : i32 to vector<16xi32>
        %ne3A_88 = arith.cmpi ne, %rem3A_85, %ne3A_87 : vector<16xi32>
        %and3A = arith.andi %ne3A_84, %ne3A_88 : vector<16xi1>
        %sub3A = arith.constant 1 : i32
        %sub3A_89 = vector.broadcast %sub3A : i32 to vector<16xi32>
        %sub3A_90 = arith.subi %div3A_68, %sub3A_89 : vector<16xi32>
        %select_n3A = arith.select %and3A, %sub3A_90, %div3A_68 : vector<16xi1>, vector<16xi32>
        %jit3A_91 = arith.constant 200 : i32
        %eq3A = arith.constant 0 : i32
        %eq3A_92 = arith.cmpi eq, %jit3A_91, %eq3A : i32
        %jit3A_93 = arith.constant 1 : i32
        %select_n3A_94 = arith.select %eq3A_92, %jit3A_93, %jit3A_91 : i32
        %rem3A_95 = vector.broadcast %select_n3A_94 : i32 to vector<16xi32>
        %rem3A_96 = arith.remsi %add3A_67, %rem3A_95 : vector<16xi32>
        %ne3A_97 = arith.constant 0 : i32
        %ne3A_98 = vector.broadcast %ne3A_97 : i32 to vector<16xi32>
        %ne3A_99 = arith.cmpi ne, %rem3A_96, %ne3A_98 : vector<16xi32>
        %lt3A = arith.constant 0 : i32
        %lt3A_100 = vector.broadcast %lt3A : i32 to vector<16xi32>
        %lt3A_101 = arith.cmpi slt, %rem3A_96, %lt3A_100 : vector<16xi32>
        %lt3A_102 = arith.constant 0 : i32
        %lt3A_103 = arith.cmpi slt, %select_n3A_94, %lt3A_102 : i32
        %ne3A_104 = vector.broadcast %lt3A_103 : i1 to vector<16xi1>
        %ne3A_105 = vector.broadcast %ne3A_104 : vector<16xi1> to vector<16xi1>
        %ne3A_106 = arith.xori %lt3A_101, %ne3A_105 : vector<16xi1>
        %and3A_107 = arith.andi %ne3A_106, %ne3A_99 : vector<16xi1>
        %add3A_108 = vector.broadcast %select_n3A_94 : i32 to vector<16xi32>
        %add3A_109 = arith.addi %rem3A_96, %add3A_108 : vector<16xi32>
        %select_n3A_110 = arith.select %and3A_107, %add3A_109, %rem3A_96 : vector<16xi1>, vector<16xi32>
        %gather3A = tpu.vector_load_idx %arg6[%select_n3A, %select_n3A_110] : memref<128x200xi32, #tpu.memory_space<vmem>>[vector<16xi32>, vector<16xi32>], vector<16xi32>,
        %gather3A_111 = tpu.vector_load_idx %arg7[%gather3A] : memref<64xi32, #tpu.memory_space<vmem>>[vector<16xi32>], vector<16xi32>,
        %mul3A_112 = arith.constant 64 : i32
        %mul3A_113 = vector.broadcast %mul3A_112 : i32 to vector<16xi32>
        %mul3A_114 = arith.muli %gather3A_111, %mul3A_113 : vector<16xi32>
        %mul3A_115 = arith.constant 16 : i32
        %mul3A_116 = arith.muli %scan3A_62, %mul3A_115 : i32
        %broadcast_in_dim3A = arith.constant 0 : i32
        %broadcast_in_dim3A_117 = vector.broadcast %broadcast_in_dim3A : i32 to vector<16x1xi32>
        %gather3A_118 = vector.shape_cast %broadcast_in_dim3A_117 : vector<16x1xi32> to vector<16xi32>
        %gather3A_119 = tpu.dynamic_gather %mul3A_114[%gather3A_118] in [0] : vector<16xi32>, vector<16xi32> -> vector<16xi32>
        %add3A_120 = arith.addi %gather3A_119, %iota3A : vector<16xi32>
        %add3A_121 = arith.constant 0 : i32
        %add3A_122 = vector.broadcast %add3A_121 : i32 to vector<16xi32>
        %add3A_123 = arith.addi %add3A_120, %add3A_122 : vector<16xi32>
        %gather3A_124 = tpu.vector_load_idx %arg8[%add3A_123] : memref<4096xf32, #tpu.memory_space<vmem>>[vector<16xi32>], vector<16xf32>,
        %add3A_125 = arith.constant 16 : i32
        %add3A_126 = vector.broadcast %add3A_125 : i32 to vector<16xi32>
        %add3A_127 = arith.addi %add3A_120, %add3A_126 : vector<16xi32>
        %gather3A_128 = tpu.vector_load_idx %arg8[%add3A_127] : memref<4096xf32, #tpu.memory_space<vmem>>[vector<16xi32>], vector<16xf32>,
        %add3A_129 = arith.constant 32 : i32
        %add3A_130 = vector.broadcast %add3A_129 : i32 to vector<16xi32>
        %add3A_131 = arith.addi %add3A_120, %add3A_130 : vector<16xi32>
        %gather3A_132 = tpu.vector_load_idx %arg8[%add3A_131] : memref<4096xf32, #tpu.memory_space<vmem>>[vector<16xi32>], vector<16xf32>,
        %add3A_133 = arith.constant 48 : i32
        %add3A_134 = vector.broadcast %add3A_133 : i32 to vector<16xi32>
        %add3A_135 = arith.addi %add3A_120, %add3A_134 : vector<16xi32>
        %gather3A_136 = tpu.vector_load_idx %arg8[%add3A_135] : memref<4096xf32, #tpu.memory_space<vmem>>[vector<16xi32>], vector<16xf32>,
        %add3A_137 = arith.constant 0 : i32
        %add3A_138 = arith.addi %mul3A_116, %add3A_137 : i32
        %broadcast_in_dim3A_139 = arith.constant 1 : i32
        %broadcast_in_dim3A_140 = vector.broadcast %broadcast_in_dim3A_139 : i32 to vector<16x1xi32>
        %gather3A_141 = vector.shape_cast %broadcast_in_dim3A_140 : vector<16x1xi32> to vector<16xi32>
        %gather3A_142 = tpu.dynamic_gather %mul3A_114[%gather3A_141] in [0] : vector<16xi32>, vector<16xi32> -> vector<16xi32>
        %add3A_143 = arith.addi %gather3A_142, %iota3A : vector<16xi32>
        %add3A_144 = arith.constant 0 : i32
        %add3A_145 = vector.broadcast %add3A_144 : i32 to vector<16xi32>
        %add3A_146 = arith.addi %add3A_143, %add3A_145 : vector<16xi32>
        %gather3A_147 = tpu.vector_load_idx %arg8[%add3A_146] : memref<4096xf32, #tpu.memory_space<vmem>>[vector<16xi32>], vector<16xf32>,
        %add3A_148 = arith.constant 16 : i32
        %add3A_149 = vector.broadcast %add3A_148 : i32 to vector<16xi32>
        %add3A_150 = arith.addi %add3A_143, %add3A_149 : vector<16xi32>
        %gather3A_151 = tpu.vector_load_idx %arg8[%add3A_150] : memref<4096xf32, #tpu.memory_space<vmem>>[vector<16xi32>], vector<16xf32>,
        %add3A_152 = arith.constant 32 : i32
        %add3A_153 = vector.broadcast %add3A_152 : i32 to vector<16xi32>
        %add3A_154 = arith.addi %add3A_143, %add3A_153 : vector<16xi32>
        %gather3A_155 = tpu.vector_load_idx %arg8[%add3A_154] : memref<4096xf32, #tpu.memory_space<vmem>>[vector<16xi32>], vector<16xf32>,
        %add3A_156 = arith.constant 48 : i32
        %add3A_157 = vector.broadcast %add3A_156 : i32 to vector<16xi32>
        %add3A_158 = arith.addi %add3A_143, %add3A_157 : vector<16xi32>
        %gather3A_159 = tpu.vector_load_idx %arg8[%add3A_158] : memref<4096xf32, #tpu.memory_space<vmem>>[vector<16xi32>], vector<16xf32>,
        %add3A_160 = arith.constant 1 : i32
        %add3A_161 = arith.addi %mul3A_116, %add3A_160 : i32
        %broadcast_in_dim3A_162 = arith.constant 2 : i32
        %broadcast_in_dim3A_163 = vector.broadcast %broadcast_in_dim3A_162 : i32 to vector<16x1xi32>
        %gather3A_164 = vector.shape_cast %broadcast_in_dim3A_163 : vector<16x1xi32> to vector<16xi32>
        %gather3A_165 = tpu.dynamic_gather %mul3A_114[%gather3A_164] in [0] : vector<16xi32>, vector<16xi32> -> vector<16xi32>
        %add3A_166 = arith.addi %gather3A_165, %iota3A : vector<16xi32>
        %add3A_167 = arith.constant 0 : i32
        %add3A_168 = vector.broadcast %add3A_167 : i32 to vector<16xi32>
        %add3A_169 = arith.addi %add3A_166, %add3A_168 : vector<16xi32>
        %gather3A_170 = tpu.vector_load_idx %arg8[%add3A_169] : memref<4096xf32, #tpu.memory_space<vmem>>[vector<16xi32>], vector<16xf32>,
        %add3A_171 = arith.constant 16 : i32
        %add3A_172 = vector.broadcast %add3A_171 : i32 to vector<16xi32>
        %add3A_173 = arith.addi %add3A_166, %add3A_172 : vector<16xi32>
        %gather3A_174 = tpu.vector_load_idx %arg8[%add3A_173] : memref<4096xf32, #tpu.memory_space<vmem>>[vector<16xi32>], vector<16xf32>,
        %add3A_175 = arith.constant 32 : i32
        %add3A_176 = vector.broadcast %add3A_175 : i32 to vector<16xi32>
        %add3A_177 = arith.addi %add3A_166, %add3A_176 : vector<16xi32>
        %gather3A_178 = tpu.vector_load_idx %arg8[%add3A_177] : memref<4096xf32, #tpu.memory_space<vmem>>[vector<16xi32>], vector<16xf32>,
        %add3A_179 = arith.constant 48 : i32
        %add3A_180 = vector.broadcast %add3A_179 : i32 to vector<16xi32>
        %add3A_181 = arith.addi %add3A_166, %add3A_180 : vector<16xi32>
        %gather3A_182 = tpu.vector_load_idx %arg8[%add3A_181] : memref<4096xf32, #tpu.memory_space<vmem>>[vector<16xi32>], vector<16xf32>,
        %swap3A = arith.index_cast %add3A_138 : i32 to index
        %swap3A_183 = arith.constant 0 : index
        %swap3A_184 = tpu.vector_load %arg10[%swap3A, %swap3A_183] {strides = array<i32>} : memref<256x64xf32, #tpu.memory_space<vmem>>, vector<16xf32>,
        tpu.vector_store %arg10[%swap3A, %swap3A_183], %gather3A_124 {strides = array<i32>} : memref<256x64xf32, #tpu.memory_space<vmem>>, vector<16xf32>,
        %swap3A_185 = arith.index_cast %add3A_138 : i32 to index
        %swap3A_186 = arith.constant 16 : index
        %swap3A_187 = tpu.vector_load %arg10[%swap3A_185, %swap3A_186] {strides = array<i32>} : memref<256x64xf32, #tpu.memory_space<vmem>>, vector<16xf32>,
        tpu.vector_store %arg10[%swap3A_185, %swap3A_186], %gather3A_128 {strides = array<i32>} : memref<256x64xf32, #tpu.memory_space<vmem>>, vector<16xf32>,
        %swap3A_188 = arith.index_cast %add3A_138 : i32 to index
        %swap3A_189 = arith.constant 32 : index
        %swap3A_190 = tpu.vector_load %arg10[%swap3A_188, %swap3A_189] {strides = array<i32>} : memref<256x64xf32, #tpu.memory_space<vmem>>, vector<16xf32>,
        tpu.vector_store %arg10[%swap3A_188, %swap3A_189], %gather3A_132 {strides = array<i32>} : memref<256x64xf32, #tpu.memory_space<vmem>>, vector<16xf32>,
        %swap3A_191 = arith.index_cast %add3A_138 : i32 to index
        %swap3A_192 = arith.constant 48 : index
        %swap3A_193 = tpu.vector_load %arg10[%swap3A_191, %swap3A_192] {strides = array<i32>} : memref<256x64xf32, #tpu.memory_space<vmem>>, vector<16xf32>,
        tpu.vector_store %arg10[%swap3A_191, %swap3A_192], %gather3A_136 {strides = array<i32>} : memref<256x64xf32, #tpu.memory_space<vmem>>, vector<16xf32>,
        %add3A_194 = arith.constant 2 : i32
        %add3A_195 = arith.addi %mul3A_116, %add3A_194 : i32
        %broadcast_in_dim3A_196 = arith.constant 3 : i32
        %broadcast_in_dim3A_197 = vector.broadcast %broadcast_in_dim3A_196 : i32 to vector<16x1xi32>
        %gather3A_198 = vector.shape_cast %broadcast_in_dim3A_197 : vector<16x1xi32> to vector<16xi32>
        %gather3A_199 = tpu.dynamic_gather %mul3A_114[%gather3A_198] in [0] : vector<16xi32>, vector<16xi32> -> vector<16xi32>
        %add3A_200 = arith.addi %gather3A_199, %iota3A : vector<16xi32>
        %add3A_201 = arith.constant 0 : i32
        %add3A_202 = vector.broadcast %add3A_201 : i32 to vector<16xi32>
        %add3A_203 = arith.addi %add3A_200, %add3A_202 : vector<16xi32>
        %gather3A_204 = tpu.vector_load_idx %arg8[%add3A_203] : memref<4096xf32, #tpu.memory_space<vmem>>[vector<16xi32>], vector<16xf32>,
        %add3A_205 = arith.constant 16 : i32
        %add3A_206 = vector.broadcast %add3A_205 : i32 to vector<16xi32>
        %add3A_207 = arith.addi %add3A_200, %add3A_206 : vector<16xi32>
        %gather3A_208 = tpu.vector_load_idx %arg8[%add3A_207] : memref<4096xf32, #tpu.memory_space<vmem>>[vector<16xi32>], vector<16xf32>,
        %add3A_209 = arith.constant 32 : i32
        %add3A_210 = vector.broadcast %add3A_209 : i32 to vector<16xi32>
        %add3A_211 = arith.addi %add3A_200, %add3A_210 : vector<16xi32>
        %gather3A_212 = tpu.vector_load_idx %arg8[%add3A_211] : memref<4096xf32, #tpu.memory_space<vmem>>[vector<16xi32>], vector<16xf32>,
        %add3A_213 = arith.constant 48 : i32
        %add3A_214 = vector.broadcast %add3A_213 : i32 to vector<16xi32>
        %add3A_215 = arith.addi %add3A_200, %add3A_214 : vector<16xi32>
        %gather3A_216 = tpu.vector_load_idx %arg8[%add3A_215] : memref<4096xf32, #tpu.memory_space<vmem>>[vector<16xi32>], vector<16xf32>,
        %swap3A_217 = arith.index_cast %add3A_161 : i32 to index
        %swap3A_218 = arith.constant 0 : index
        %swap3A_219 = tpu.vector_load %arg10[%swap3A_217, %swap3A_218] {strides = array<i32>} : memref<256x64xf32, #tpu.memory_space<vmem>>, vector<16xf32>,
        tpu.vector_store %arg10[%swap3A_217, %swap3A_218], %gather3A_147 {strides = array<i32>} : memref<256x64xf32, #tpu.memory_space<vmem>>, vector<16xf32>,
        %swap3A_220 = arith.index_cast %add3A_161 : i32 to index
        %swap3A_221 = arith.constant 16 : index
        %swap3A_222 = tpu.vector_load %arg10[%swap3A_220, %swap3A_221] {strides = array<i32>} : memref<256x64xf32, #tpu.memory_space<vmem>>, vector<16xf32>,
        tpu.vector_store %arg10[%swap3A_220, %swap3A_221], %gather3A_151 {strides = array<i32>} : memref<256x64xf32, #tpu.memory_space<vmem>>, vector<16xf32>,
        %swap3A_223 = arith.index_cast %add3A_161 : i32 to index
        %swap3A_224 = arith.constant 32 : index
        %swap3A_225 = tpu.vector_load %arg10[%swap3A_223, %swap3A_224] {strides = array<i32>} : memref<256x64xf32, #tpu.memory_space<vmem>>, vector<16xf32>,
        tpu.vector_store %arg10[%swap3A_223, %swap3A_224], %gather3A_155 {strides = array<i32>} : memref<256x64xf32, #tpu.memory_space<vmem>>, vector<16xf32>,
        %swap3A_226 = arith.index_cast %add3A_161 : i32 to index
        %swap3A_227 = arith.constant 48 : index
        %swap3A_228 = tpu.vector_load %arg10[%swap3A_226, %swap3A_227] {strides = array<i32>} : memref<256x64xf32, #tpu.memory_space<vmem>>, vector<16xf32>,
        tpu.vector_store %arg10[%swap3A_226, %swap3A_227], %gather3A_159 {strides = array<i32>} : memref<256x64xf32, #tpu.memory_space<vmem>>, vector<16xf32>,
        %add3A_229 = arith.constant 3 : i32
        %add3A_230 = arith.addi %mul3A_116, %add3A_229 : i32
        %broadcast_in_dim3A_231 = arith.constant 4 : i32
        %broadcast_in_dim3A_232 = vector.broadcast %broadcast_in_dim3A_231 : i32 to vector<16x1xi32>
        %gather3A_233 = vector.shape_cast %broadcast_in_dim3A_232 : vector<16x1xi32> to vector<16xi32>
        %gather3A_234 = tpu.dynamic_gather %mul3A_114[%gather3A_233] in [0] : vector<16xi32>, vector<16xi32> -> vector<16xi32>
        %add3A_235 = arith.addi %gather3A_234, %iota3A : vector<16xi32>
        %add3A_236 = arith.constant 0 : i32
        %add3A_237 = vector.broadcast %add3A_236 : i32 to vector<16xi32>
        %add3A_238 = arith.addi %add3A_235, %add3A_237 : vector<16xi32>
        %gather3A_239 = tpu.vector_load_idx %arg8[%add3A_238] : memref<4096xf32, #tpu.memory_space<vmem>>[vector<16xi32>], vector<16xf32>,
        %add3A_240 = arith.constant 16 : i32
        %add3A_241 = vector.broadcast %add3A_240 : i32 to vector<16xi32>
        %add3A_242 = arith.addi %add3A_235, %add3A_241 : vector<16xi32>
        %gather3A_243 = tpu.vector_load_idx %arg8[%add3A_242] : memref<4096xf32, #tpu.memory_space<vmem>>[vector<16xi32>], vector<16xf32>,
        %add3A_244 = arith.constant 32 : i32
        %add3A_245 = vector.broadcast %add3A_244 : i32 to vector<16xi32>
        %add3A_246 = arith.addi %add3A_235, %add3A_245 : vector<16xi32>
        %gather3A_247 = tpu.vector_load_idx %arg8[%add3A_246] : memref<4096xf32, #tpu.memory_space<vmem>>[vector<16xi32>], vector<16xf32>,
        %add3A_248 = arith.constant 48 : i32
        %add3A_249 = vector.broadcast %add3A_248 : i32 to vector<16xi32>
        %add3A_250 = arith.addi %add3A_235, %add3A_249 : vector<16xi32>
        %gather3A_251 = tpu.vector_load_idx %arg8[%add3A_250] : memref<4096xf32, #tpu.memory_space<vmem>>[vector<16xi32>], vector<16xf32>,
        %swap3A_252 = arith.index_cast %add3A_195 : i32 to index
        %swap3A_253 = arith.constant 0 : index
        %swap3A_254 = tpu.vector_load %arg10[%swap3A_252, %swap3A_253] {strides = array<i32>} : memref<256x64xf32, #tpu.memory_space<vmem>>, vector<16xf32>,
        tpu.vector_store %arg10[%swap3A_252, %swap3A_253], %gather3A_170 {strides = array<i32>} : memref<256x64xf32, #tpu.memory_space<vmem>>, vector<16xf32>,
        %swap3A_255 = arith.index_cast %add3A_195 : i32 to index
        %swap3A_256 = arith.constant 16 : index
        %swap3A_257 = tpu.vector_load %arg10[%swap3A_255, %swap3A_256] {strides = array<i32>} : memref<256x64xf32, #tpu.memory_space<vmem>>, vector<16xf32>,
        tpu.vector_store %arg10[%swap3A_255, %swap3A_256], %gather3A_174 {strides = array<i32>} : memref<256x64xf32, #tpu.memory_space<vmem>>, vector<16xf32>,
        %swap3A_258 = arith.index_cast %add3A_195 : i32 to index
        %swap3A_259 = arith.constant 32 : index
        %swap3A_260 = tpu.vector_load %arg10[%swap3A_258, %swap3A_259] {strides = array<i32>} : memref<256x64xf32, #tpu.memory_space<vmem>>, vector<16xf32>,
        tpu.vector_store %arg10[%swap3A_258, %swap3A_259], %gather3A_178 {strides = array<i32>} : memref<256x64xf32, #tpu.memory_space<vmem>>, vector<16xf32>,
        %swap3A_261 = arith.index_cast %add3A_195 : i32 to index
        %swap3A_262 = arith.constant 48 : index
        %swap3A_263 = tpu.vector_load %arg10[%swap3A_261, %swap3A_262] {strides = array<i32>} : memref<256x64xf32, #tpu.memory_space<vmem>>, vector<16xf32>,
        tpu.vector_store %arg10[%swap3A_261, %swap3A_262], %gather3A_182 {strides = array<i32>} : memref<256x64xf32, #tpu.memory_space<vmem>>, vector<16xf32>,
        %add3A_264 = arith.constant 4 : i32
        %add3A_265 = arith.addi %mul3A_116, %add3A_264 : i32
        %broadcast_in_dim3A_266 = arith.constant 5 : i32
        %broadcast_in_dim3A_267 = vector.broadcast %broadcast_in_dim3A_266 : i32 to vector<16x1xi32>
        %gather3A_268 = vector.shape_cast %broadcast_in_dim3A_267 : vector<16x1xi32> to vector<16xi32>
        %gather3A_269 = tpu.dynamic_gather %mul3A_114[%gather3A_268] in [0] : vector<16xi32>, vector<16xi32> -> vector<16xi32>
        %add3A_270 = arith.addi %gather3A_269, %iota3A : vector<16xi32>
        %add3A_271 = arith.constant 0 : i32
        %add3A_272 = vector.broadcast %add3A_271 : i32 to vector<16xi32>
        %add3A_273 = arith.addi %add3A_270, %add3A_272 : vector<16xi32>
        %gather3A_274 = tpu.vector_load_idx %arg8[%add3A_273] : memref<4096xf32, #tpu.memory_space<vmem>>[vector<16xi32>], vector<16xf32>,
        %add3A_275 = arith.constant 16 : i32
        %add3A_276 = vector.broadcast %add3A_275 : i32 to vector<16xi32>
        %add3A_277 = arith.addi %add3A_270, %add3A_276 : vector<16xi32>
        %gather3A_278 = tpu.vector_load_idx %arg8[%add3A_277] : memref<4096xf32, #tpu.memory_space<vmem>>[vector<16xi32>], vector<16xf32>,
        %add3A_279 = arith.constant 32 : i32
        %add3A_280 = vector.broadcast %add3A_279 : i32 to vector<16xi32>
        %add3A_281 = arith.addi %add3A_270, %add3A_280 : vector<16xi32>
        %gather3A_282 = tpu.vector_load_idx %arg8[%add3A_281] : memref<4096xf32, #tpu.memory_space<vmem>>[vector<16xi32>], vector<16xf32>,
        %add3A_283 = arith.constant 48 : i32
        %add3A_284 = vector.broadcast %add3A_283 : i32 to vector<16xi32>
        %add3A_285 = arith.addi %add3A_270, %add3A_284 : vector<16xi32>
        %gather3A_286 = tpu.vector_load_idx %arg8[%add3A_285] : memref<4096xf32, #tpu.memory_space<vmem>>[vector<16xi32>], vector<16xf32>,
        %swap3A_287 = arith.index_cast %add3A_230 : i32 to index
        %swap3A_288 = arith.constant 0 : index
        %swap3A_289 = tpu.vector_load %arg10[%swap3A_287, %swap3A_288] {strides = array<i32>} : memref<256x64xf32, #tpu.memory_space<vmem>>, vector<16xf32>,
        tpu.vector_store %arg10[%swap3A_287, %swap3A_288], %gather3A_204 {strides = array<i32>} : memref<256x64xf32, #tpu.memory_space<vmem>>, vector<16xf32>,
        %swap3A_290 = arith.index_cast %add3A_230 : i32 to index
        %swap3A_291 = arith.constant 16 : index
        %swap3A_292 = tpu.vector_load %arg10[%swap3A_290, %swap3A_291] {strides = array<i32>} : memref<256x64xf32, #tpu.memory_space<vmem>>, vector<16xf32>,
        tpu.vector_store %arg10[%swap3A_290, %swap3A_291], %gather3A_208 {strides = array<i32>} : memref<256x64xf32, #tpu.memory_space<vmem>>, vector<16xf32>,
        %swap3A_293 = arith.index_cast %add3A_230 : i32 to index
        %swap3A_294 = arith.constant 32 : index
        %swap3A_295 = tpu.vector_load %arg10[%swap3A_293, %swap3A_294] {strides = array<i32>} : memref<256x64xf32, #tpu.memory_space<vmem>>, vector<16xf32>,
        tpu.vector_store %arg10[%swap3A_293, %swap3A_294], %gather3A_212 {strides = array<i32>} : memref<256x64xf32, #tpu.memory_space<vmem>>, vector<16xf32>,
        %swap3A_296 = arith.index_cast %add3A_230 : i32 to index
        %swap3A_297 = arith.constant 48 : index
        %swap3A_298 = tpu.vector_load %arg10[%swap3A_296, %swap3A_297] {strides = array<i32>} : memref<256x64xf32, #tpu.memory_space<vmem>>, vector<16xf32>,
        tpu.vector_store %arg10[%swap3A_296, %swap3A_297], %gather3A_216 {strides = array<i32>} : memref<256x64xf32, #tpu.memory_space<vmem>>, vector<16xf32>,
        %add3A_299 = arith.constant 5 : i32
        %add3A_300 = arith.addi %mul3A_116, %add3A_299 : i32
        %broadcast_in_dim3A_301 = arith.constant 6 : i32
        %broadcast_in_dim3A_302 = vector.broadcast %broadcast_in_dim3A_301 : i32 to vector<16x1xi32>
        %gather3A_303 = vector.shape_cast %broadcast_in_dim3A_302 : vector<16x1xi32> to vector<16xi32>
        %gather3A_304 = tpu.dynamic_gather %mul3A_114[%gather3A_303] in [0] : vector<16xi32>, vector<16xi32> -> vector<16xi32>
        %add3A_305 = arith.addi %gather3A_304, %iota3A : vector<16xi32>
        %add3A_306 = arith.constant 0 : i32
        %add3A_307 = vector.broadcast %add3A_306 : i32 to vector<16xi32>
        %add3A_308 = arith.addi %add3A_305, %add3A_307 : vector<16xi32>
        %gather3A_309 = tpu.vector_load_idx %arg8[%add3A_308] : memref<4096xf32, #tpu.memory_space<vmem>>[vector<16xi32>], vector<16xf32>,
        %add3A_310 = arith.constant 16 : i32
        %add3A_311 = vector.broadcast %add3A_310 : i32 to vector<16xi32>
        %add3A_312 = arith.addi %add3A_305, %add3A_311 : vector<16xi32>
        %gather3A_313 = tpu.vector_load_idx %arg8[%add3A_312] : memref<4096xf32, #tpu.memory_space<vmem>>[vector<16xi32>], vector<16xf32>,
        %add3A_314 = arith.constant 32 : i32
        %add3A_315 = vector.broadcast %add3A_314 : i32 to vector<16xi32>
        %add3A_316 = arith.addi %add3A_305, %add3A_315 : vector<16xi32>
        %gather3A_317 = tpu.vector_load_idx %arg8[%add3A_316] : memref<4096xf32, #tpu.memory_space<vmem>>[vector<16xi32>], vector<16xf32>,
        %add3A_318 = arith.constant 48 : i32
        %add3A_319 = vector.broadcast %add3A_318 : i32 to vector<16xi32>
        %add3A_320 = arith.addi %add3A_305, %add3A_319 : vector<16xi32>
        %gather3A_321 = tpu.vector_load_idx %arg8[%add3A_320] : memref<4096xf32, #tpu.memory_space<vmem>>[vector<16xi32>], vector<16xf32>,
        %swap3A_322 = arith.index_cast %add3A_265 : i32 to index
        %swap3A_323 = arith.constant 0 : index
        %swap3A_324 = tpu.vector_load %arg10[%swap3A_322, %swap3A_323] {strides = array<i32>} : memref<256x64xf32, #tpu.memory_space<vmem>>, vector<16xf32>,
        tpu.vector_store %arg10[%swap3A_322, %swap3A_323], %gather3A_239 {strides = array<i32>} : memref<256x64xf32, #tpu.memory_space<vmem>>, vector<16xf32>,
        %swap3A_325 = arith.index_cast %add3A_265 : i32 to index
        %swap3A_326 = arith.constant 16 : index
        %swap3A_327 = tpu.vector_load %arg10[%swap3A_325, %swap3A_326] {strides = array<i32>} : memref<256x64xf32, #tpu.memory_space<vmem>>, vector<16xf32>,
        tpu.vector_store %arg10[%swap3A_325, %swap3A_326], %gather3A_243 {strides = array<i32>} : memref<256x64xf32, #tpu.memory_space<vmem>>, vector<16xf32>,
        %swap3A_328 = arith.index_cast %add3A_265 : i32 to index
        %swap3A_329 = arith.constant 32 : index
        %swap3A_330 = tpu.vector_load %arg10[%swap3A_328, %swap3A_329] {strides = array<i32>} : memref<256x64xf32, #tpu.memory_space<vmem>>, vector<16xf32>,
        tpu.vector_store %arg10[%swap3A_328, %swap3A_329], %gather3A_247 {strides = array<i32>} : memref<256x64xf32, #tpu.memory_space<vmem>>, vector<16xf32>,
        %swap3A_331 = arith.index_cast %add3A_265 : i32 to index
        %swap3A_332 = arith.constant 48 : index
        %swap3A_333 = tpu.vector_load %arg10[%swap3A_331, %swap3A_332] {strides = array<i32>} : memref<256x64xf32, #tpu.memory_space<vmem>>, vector<16xf32>,
        tpu.vector_store %arg10[%swap3A_331, %swap3A_332], %gather3A_251 {strides = array<i32>} : memref<256x64xf32, #tpu.memory_space<vmem>>, vector<16xf32>,
        %add3A_334 = arith.constant 6 : i32
        %add3A_335 = arith.addi %mul3A_116, %add3A_334 : i32
        %broadcast_in_dim3A_336 = arith.constant 7 : i32
        %broadcast_in_dim3A_337 = vector.broadcast %broadcast_in_dim3A_336 : i32 to vector<16x1xi32>
        %gather3A_338 = vector.shape_cast %broadcast_in_dim3A_337 : vector<16x1xi32> to vector<16xi32>
        %gather3A_339 = tpu.dynamic_gather %mul3A_114[%gather3A_338] in [0] : vector<16xi32>, vector<16xi32> -> vector<16xi32>
        %add3A_340 = arith.addi %gather3A_339, %iota3A : vector<16xi32>
        %add3A_341 = arith.constant 0 : i32
        %add3A_342 = vector.broadcast %add3A_341 : i32 to vector<16xi32>
        %add3A_343 = arith.addi %add3A_340, %add3A_342 : vector<16xi32>
        %gather3A_344 = tpu.vector_load_idx %arg8[%add3A_343] : memref<4096xf32, #tpu.memory_space<vmem>>[vector<16xi32>], vector<16xf32>,
        %add3A_345 = arith.constant 16 : i32
        %add3A_346 = vector.broadcast %add3A_345 : i32 to vector<16xi32>
        %add3A_347 = arith.addi %add3A_340, %add3A_346 : vector<16xi32>
        %gather3A_348 = tpu.vector_load_idx %arg8[%add3A_347] : memref<4096xf32, #tpu.memory_space<vmem>>[vector<16xi32>], vector<16xf32>,
        %add3A_349 = arith.constant 32 : i32
        %add3A_350 = vector.broadcast %add3A_349 : i32 to vector<16xi32>
        %add3A_351 = arith.addi %add3A_340, %add3A_350 : vector<16xi32>
        %gather3A_352 = tpu.vector_load_idx %arg8[%add3A_351] : memref<4096xf32, #tpu.memory_space<vmem>>[vector<16xi32>], vector<16xf32>,
        %add3A_353 = arith.constant 48 : i32
        %add3A_354 = vector.broadcast %add3A_353 : i32 to vector<16xi32>
        %add3A_355 = arith.addi %add3A_340, %add3A_354 : vector<16xi32>
        %gather3A_356 = tpu.vector_load_idx %arg8[%add3A_355] : memref<4096xf32, #tpu.memory_space<vmem>>[vector<16xi32>], vector<16xf32>,
        %swap3A_357 = arith.index_cast %add3A_300 : i32 to index
        %swap3A_358 = arith.constant 0 : index
        %swap3A_359 = tpu.vector_load %arg10[%swap3A_357, %swap3A_358] {strides = array<i32>} : memref<256x64xf32, #tpu.memory_space<vmem>>, vector<16xf32>,
        tpu.vector_store %arg10[%swap3A_357, %swap3A_358], %gather3A_274 {strides = array<i32>} : memref<256x64xf32, #tpu.memory_space<vmem>>, vector<16xf32>,
        %swap3A_360 = arith.index_cast %add3A_300 : i32 to index
        %swap3A_361 = arith.constant 16 : index
        %swap3A_362 = tpu.vector_load %arg10[%swap3A_360, %swap3A_361] {strides = array<i32>} : memref<256x64xf32, #tpu.memory_space<vmem>>, vector<16xf32>,
        tpu.vector_store %arg10[%swap3A_360, %swap3A_361], %gather3A_278 {strides = array<i32>} : memref<256x64xf32, #tpu.memory_space<vmem>>, vector<16xf32>,
        %swap3A_363 = arith.index_cast %add3A_300 : i32 to index
        %swap3A_364 = arith.constant 32 : index
        %swap3A_365 = tpu.vector_load %arg10[%swap3A_363, %swap3A_364] {strides = array<i32>} : memref<256x64xf32, #tpu.memory_space<vmem>>, vector<16xf32>,
        tpu.vector_store %arg10[%swap3A_363, %swap3A_364], %gather3A_282 {strides = array<i32>} : memref<256x64xf32, #tpu.memory_space<vmem>>, vector<16xf32>,
        %swap3A_366 = arith.index_cast %add3A_300 : i32 to index
        %swap3A_367 = arith.constant 48 : index
        %swap3A_368 = tpu.vector_load %arg10[%swap3A_366, %swap3A_367] {strides = array<i32>} : memref<256x64xf32, #tpu.memory_space<vmem>>, vector<16xf32>,
        tpu.vector_store %arg10[%swap3A_366, %swap3A_367], %gather3A_286 {strides = array<i32>} : memref<256x64xf32, #tpu.memory_space<vmem>>, vector<16xf32>,
        %add3A_369 = arith.constant 7 : i32
        %add3A_370 = arith.addi %mul3A_116, %add3A_369 : i32
        %broadcast_in_dim3A_371 = arith.constant 8 : i32
        %broadcast_in_dim3A_372 = vector.broadcast %broadcast_in_dim3A_371 : i32 to vector<16x1xi32>
        %gather3A_373 = vector.shape_cast %broadcast_in_dim3A_372 : vector<16x1xi32> to vector<16xi32>
        %gather3A_374 = tpu.dynamic_gather %mul3A_114[%gather3A_373] in [0] : vector<16xi32>, vector<16xi32> -> vector<16xi32>
        %add3A_375 = arith.addi %gather3A_374, %iota3A : vector<16xi32>
        %add3A_376 = arith.constant 0 : i32
        %add3A_377 = vector.broadcast %add3A_376 : i32 to vector<16xi32>
        %add3A_378 = arith.addi %add3A_375, %add3A_377 : vector<16xi32>
        %gather3A_379 = tpu.vector_load_idx %arg8[%add3A_378] : memref<4096xf32, #tpu.memory_space<vmem>>[vector<16xi32>], vector<16xf32>,
        %add3A_380 = arith.constant 16 : i32
        %add3A_381 = vector.broadcast %add3A_380 : i32 to vector<16xi32>
        %add3A_382 = arith.addi %add3A_375, %add3A_381 : vector<16xi32>
        %gather3A_383 = tpu.vector_load_idx %arg8[%add3A_382] : memref<4096xf32, #tpu.memory_space<vmem>>[vector<16xi32>], vector<16xf32>,
        %add3A_384 = arith.constant 32 : i32
        %add3A_385 = vector.broadcast %add3A_384 : i32 to vector<16xi32>
        %add3A_386 = arith.addi %add3A_375, %add3A_385 : vector<16xi32>
        %gather3A_387 = tpu.vector_load_idx %arg8[%add3A_386] : memref<4096xf32, #tpu.memory_space<vmem>>[vector<16xi32>], vector<16xf32>,
        %add3A_388 = arith.constant 48 : i32
        %add3A_389 = vector.broadcast %add3A_388 : i32 to vector<16xi32>
        %add3A_390 = arith.addi %add3A_375, %add3A_389 : vector<16xi32>
        %gather3A_391 = tpu.vector_load_idx %arg8[%add3A_390] : memref<4096xf32, #tpu.memory_space<vmem>>[vector<16xi32>], vector<16xf32>,
        %swap3A_392 = arith.index_cast %add3A_335 : i32 to index
        %swap3A_393 = arith.constant 0 : index
        %swap3A_394 = tpu.vector_load %arg10[%swap3A_392, %swap3A_393] {strides = array<i32>} : memref<256x64xf32, #tpu.memory_space<vmem>>, vector<16xf32>,
        tpu.vector_store %arg10[%swap3A_392, %swap3A_393], %gather3A_309 {strides = array<i32>} : memref<256x64xf32, #tpu.memory_space<vmem>>, vector<16xf32>,
        %swap3A_395 = arith.index_cast %add3A_335 : i32 to index
        %swap3A_396 = arith.constant 16 : index
        %swap3A_397 = tpu.vector_load %arg10[%swap3A_395, %swap3A_396] {strides = array<i32>} : memref<256x64xf32, #tpu.memory_space<vmem>>, vector<16xf32>,
        tpu.vector_store %arg10[%swap3A_395, %swap3A_396], %gather3A_313 {strides = array<i32>} : memref<256x64xf32, #tpu.memory_space<vmem>>, vector<16xf32>,
        %swap3A_398 = arith.index_cast %add3A_335 : i32 to index
        %swap3A_399 = arith.constant 32 : index
        %swap3A_400 = tpu.vector_load %arg10[%swap3A_398, %swap3A_399] {strides = array<i32>} : memref<256x64xf32, #tpu.memory_space<vmem>>, vector<16xf32>,
        tpu.vector_store %arg10[%swap3A_398, %swap3A_399], %gather3A_317 {strides = array<i32>} : memref<256x64xf32, #tpu.memory_space<vmem>>, vector<16xf32>,
        %swap3A_401 = arith.index_cast %add3A_335 : i32 to index
        %swap3A_402 = arith.constant 48 : index
        %swap3A_403 = tpu.vector_load %arg10[%swap3A_401, %swap3A_402] {strides = array<i32>} : memref<256x64xf32, #tpu.memory_space<vmem>>, vector<16xf32>,
        tpu.vector_store %arg10[%swap3A_401, %swap3A_402], %gather3A_321 {strides = array<i32>} : memref<256x64xf32, #tpu.memory_space<vmem>>, vector<16xf32>,
        %add3A_404 = arith.constant 8 : i32
        %add3A_405 = arith.addi %mul3A_116, %add3A_404 : i32
        %broadcast_in_dim3A_406 = arith.constant 9 : i32
        %broadcast_in_dim3A_407 = vector.broadcast %broadcast_in_dim3A_406 : i32 to vector<16x1xi32>
        %gather3A_408 = vector.shape_cast %broadcast_in_dim3A_407 : vector<16x1xi32> to vector<16xi32>
        %gather3A_409 = tpu.dynamic_gather %mul3A_114[%gather3A_408] in [0] : vector<16xi32>, vector<16xi32> -> vector<16xi32>
        %add3A_410 = arith.addi %gather3A_409, %iota3A : vector<16xi32>
        %add3A_411 = arith.constant 0 : i32
        %add3A_412 = vector.broadcast %add3A_411 : i32 to vector<16xi32>
        %add3A_413 = arith.addi %add3A_410, %add3A_412 : vector<16xi32>
        %gather3A_414 = tpu.vector_load_idx %arg8[%add3A_413] : memref<4096xf32, #tpu.memory_space<vmem>>[vector<16xi32>], vector<16xf32>,
        %add3A_415 = arith.constant 16 : i32
        %add3A_416 = vector.broadcast %add3A_415 : i32 to vector<16xi32>
        %add3A_417 = arith.addi %add3A_410, %add3A_416 : vector<16xi32>
        %gather3A_418 = tpu.vector_load_idx %arg8[%add3A_417] : memref<4096xf32, #tpu.memory_space<vmem>>[vector<16xi32>], vector<16xf32>,
        %add3A_419 = arith.constant 32 : i32
        %add3A_420 = vector.broadcast %add3A_419 : i32 to vector<16xi32>
        %add3A_421 = arith.addi %add3A_410, %add3A_420 : vector<16xi32>
        %gather3A_422 = tpu.vector_load_idx %arg8[%add3A_421] : memref<4096xf32, #tpu.memory_space<vmem>>[vector<16xi32>], vector<16xf32>,
        %add3A_423 = arith.constant 48 : i32
        %add3A_424 = vector.broadcast %add3A_423 : i32 to vector<16xi32>
        %add3A_425 = arith.addi %add3A_410, %add3A_424 : vector<16xi32>
        %gather3A_426 = tpu.vector_load_idx %arg8[%add3A_425] : memref<4096xf32, #tpu.memory_space<vmem>>[vector<16xi32>], vector<16xf32>,
        %swap3A_427 = arith.index_cast %add3A_370 : i32 to index
        %swap3A_428 = arith.constant 0 : index
        %swap3A_429 = tpu.vector_load %arg10[%swap3A_427, %swap3A_428] {strides = array<i32>} : memref<256x64xf32, #tpu.memory_space<vmem>>, vector<16xf32>,
        tpu.vector_store %arg10[%swap3A_427, %swap3A_428], %gather3A_344 {strides = array<i32>} : memref<256x64xf32, #tpu.memory_space<vmem>>, vector<16xf32>,
        %swap3A_430 = arith.index_cast %add3A_370 : i32 to index
        %swap3A_431 = arith.constant 16 : index
        %swap3A_432 = tpu.vector_load %arg10[%swap3A_430, %swap3A_431] {strides = array<i32>} : memref<256x64xf32, #tpu.memory_space<vmem>>, vector<16xf32>,
        tpu.vector_store %arg10[%swap3A_430, %swap3A_431], %gather3A_348 {strides = array<i32>} : memref<256x64xf32, #tpu.memory_space<vmem>>, vector<16xf32>,
        %swap3A_433 = arith.index_cast %add3A_370 : i32 to index
        %swap3A_434 = arith.constant 32 : index
        %swap3A_435 = tpu.vector_load %arg10[%swap3A_433, %swap3A_434] {strides = array<i32>} : memref<256x64xf32, #tpu.memory_space<vmem>>, vector<16xf32>,
        tpu.vector_store %arg10[%swap3A_433, %swap3A_434], %gather3A_352 {strides = array<i32>} : memref<256x64xf32, #tpu.memory_space<vmem>>, vector<16xf32>,
        %swap3A_436 = arith.index_cast %add3A_370 : i32 to index
        %swap3A_437 = arith.constant 48 : index
        %swap3A_438 = tpu.vector_load %arg10[%swap3A_436, %swap3A_437] {strides = array<i32>} : memref<256x64xf32, #tpu.memory_space<vmem>>, vector<16xf32>,
        tpu.vector_store %arg10[%swap3A_436, %swap3A_437], %gather3A_356 {strides = array<i32>} : memref<256x64xf32, #tpu.memory_space<vmem>>, vector<16xf32>,
        %add3A_439 = arith.constant 9 : i32
        %add3A_440 = arith.addi %mul3A_116, %add3A_439 : i32
        %broadcast_in_dim3A_441 = arith.constant 10 : i32
        %broadcast_in_dim3A_442 = vector.broadcast %broadcast_in_dim3A_441 : i32 to vector<16x1xi32>
        %gather3A_443 = vector.shape_cast %broadcast_in_dim3A_442 : vector<16x1xi32> to vector<16xi32>
        %gather3A_444 = tpu.dynamic_gather %mul3A_114[%gather3A_443] in [0] : vector<16xi32>, vector<16xi32> -> vector<16xi32>
        %add3A_445 = arith.addi %gather3A_444, %iota3A : vector<16xi32>
        %add3A_446 = arith.constant 0 : i32
        %add3A_447 = vector.broadcast %add3A_446 : i32 to vector<16xi32>
        %add3A_448 = arith.addi %add3A_445, %add3A_447 : vector<16xi32>
        %gather3A_449 = tpu.vector_load_idx %arg8[%add3A_448] : memref<4096xf32, #tpu.memory_space<vmem>>[vector<16xi32>], vector<16xf32>,
        %add3A_450 = arith.constant 16 : i32
        %add3A_451 = vector.broadcast %add3A_450 : i32 to vector<16xi32>
        %add3A_452 = arith.addi %add3A_445, %add3A_451 : vector<16xi32>
        %gather3A_453 = tpu.vector_load_idx %arg8[%add3A_452] : memref<4096xf32, #tpu.memory_space<vmem>>[vector<16xi32>], vector<16xf32>,
        %add3A_454 = arith.constant 32 : i32
        %add3A_455 = vector.broadcast %add3A_454 : i32 to vector<16xi32>
        %add3A_456 = arith.addi %add3A_445, %add3A_455 : vector<16xi32>
        %gather3A_457 = tpu.vector_load_idx %arg8[%add3A_456] : memref<4096xf32, #tpu.memory_space<vmem>>[vector<16xi32>], vector<16xf32>,
        %add3A_458 = arith.constant 48 : i32
        %add3A_459 = vector.broadcast %add3A_458 : i32 to vector<16xi32>
        %add3A_460 = arith.addi %add3A_445, %add3A_459 : vector<16xi32>
        %gather3A_461 = tpu.vector_load_idx %arg8[%add3A_460] : memref<4096xf32, #tpu.memory_space<vmem>>[vector<16xi32>], vector<16xf32>,
        %swap3A_462 = arith.index_cast %add3A_405 : i32 to index
        %swap3A_463 = arith.constant 0 : index
        %swap3A_464 = tpu.vector_load %arg10[%swap3A_462, %swap3A_463] {strides = array<i32>} : memref<256x64xf32, #tpu.memory_space<vmem>>, vector<16xf32>,
        tpu.vector_store %arg10[%swap3A_462, %swap3A_463], %gather3A_379 {strides = array<i32>} : memref<256x64xf32, #tpu.memory_space<vmem>>, vector<16xf32>,
        %swap3A_465 = arith.index_cast %add3A_405 : i32 to index
        %swap3A_466 = arith.constant 16 : index
        %swap3A_467 = tpu.vector_load %arg10[%swap3A_465, %swap3A_466] {strides = array<i32>} : memref<256x64xf32, #tpu.memory_space<vmem>>, vector<16xf32>,
        tpu.vector_store %arg10[%swap3A_465, %swap3A_466], %gather3A_383 {strides = array<i32>} : memref<256x64xf32, #tpu.memory_space<vmem>>, vector<16xf32>,
        %swap3A_468 = arith.index_cast %add3A_405 : i32 to index
        %swap3A_469 = arith.constant 32 : index
        %swap3A_470 = tpu.vector_load %arg10[%swap3A_468, %swap3A_469] {strides = array<i32>} : memref<256x64xf32, #tpu.memory_space<vmem>>, vector<16xf32>,
        tpu.vector_store %arg10[%swap3A_468, %swap3A_469], %gather3A_387 {strides = array<i32>} : memref<256x64xf32, #tpu.memory_space<vmem>>, vector<16xf32>,
        %swap3A_471 = arith.index_cast %add3A_405 : i32 to index
        %swap3A_472 = arith.constant 48 : index
        %swap3A_473 = tpu.vector_load %arg10[%swap3A_471, %swap3A_472] {strides = array<i32>} : memref<256x64xf32, #tpu.memory_space<vmem>>, vector<16xf32>,
        tpu.vector_store %arg10[%swap3A_471, %swap3A_472], %gather3A_391 {strides = array<i32>} : memref<256x64xf32, #tpu.memory_space<vmem>>, vector<16xf32>,
        %add3A_474 = arith.constant 10 : i32
        %add3A_475 = arith.addi %mul3A_116, %add3A_474 : i32
        %broadcast_in_dim3A_476 = arith.constant 11 : i32
        %broadcast_in_dim3A_477 = vector.broadcast %broadcast_in_dim3A_476 : i32 to vector<16x1xi32>
        %gather3A_478 = vector.shape_cast %broadcast_in_dim3A_477 : vector<16x1xi32> to vector<16xi32>
        %gather3A_479 = tpu.dynamic_gather %mul3A_114[%gather3A_478] in [0] : vector<16xi32>, vector<16xi32> -> vector<16xi32>
        %add3A_480 = arith.addi %gather3A_479, %iota3A : vector<16xi32>
        %add3A_481 = arith.constant 0 : i32
        %add3A_482 = vector.broadcast %add3A_481 : i32 to vector<16xi32>
        %add3A_483 = arith.addi %add3A_480, %add3A_482 : vector<16xi32>
        %gather3A_484 = tpu.vector_load_idx %arg8[%add3A_483] : memref<4096xf32, #tpu.memory_space<vmem>>[vector<16xi32>], vector<16xf32>,
        %add3A_485 = arith.constant 16 : i32
        %add3A_486 = vector.broadcast %add3A_485 : i32 to vector<16xi32>
        %add3A_487 = arith.addi %add3A_480, %add3A_486 : vector<16xi32>
        %gather3A_488 = tpu.vector_load_idx %arg8[%add3A_487] : memref<4096xf32, #tpu.memory_space<vmem>>[vector<16xi32>], vector<16xf32>,
        %add3A_489 = arith.constant 32 : i32
        %add3A_490 = vector.broadcast %add3A_489 : i32 to vector<16xi32>
        %add3A_491 = arith.addi %add3A_480, %add3A_490 : vector<16xi32>
        %gather3A_492 = tpu.vector_load_idx %arg8[%add3A_491] : memref<4096xf32, #tpu.memory_space<vmem>>[vector<16xi32>], vector<16xf32>,
        %add3A_493 = arith.constant 48 : i32
        %add3A_494 = vector.broadcast %add3A_493 : i32 to vector<16xi32>
        %add3A_495 = arith.addi %add3A_480, %add3A_494 : vector<16xi32>
        %gather3A_496 = tpu.vector_load_idx %arg8[%add3A_495] : memref<4096xf32, #tpu.memory_space<vmem>>[vector<16xi32>], vector<16xf32>,
        %swap3A_497 = arith.index_cast %add3A_440 : i32 to index
        %swap3A_498 = arith.constant 0 : index
        %swap3A_499 = tpu.vector_load %arg10[%swap3A_497, %swap3A_498] {strides = array<i32>} : memref<256x64xf32, #tpu.memory_space<vmem>>, vector<16xf32>,
        tpu.vector_store %arg10[%swap3A_497, %swap3A_498], %gather3A_414 {strides = array<i32>} : memref<256x64xf32, #tpu.memory_space<vmem>>, vector<16xf32>,
        %swap3A_500 = arith.index_cast %add3A_440 : i32 to index
        %swap3A_501 = arith.constant 16 : index
        %swap3A_502 = tpu.vector_load %arg10[%swap3A_500, %swap3A_501] {strides = array<i32>} : memref<256x64xf32, #tpu.memory_space<vmem>>, vector<16xf32>,
        tpu.vector_store %arg10[%swap3A_500, %swap3A_501], %gather3A_418 {strides = array<i32>} : memref<256x64xf32, #tpu.memory_space<vmem>>, vector<16xf32>,
        %swap3A_503 = arith.index_cast %add3A_440 : i32 to index
        %swap3A_504 = arith.constant 32 : index
        %swap3A_505 = tpu.vector_load %arg10[%swap3A_503, %swap3A_504] {strides = array<i32>} : memref<256x64xf32, #tpu.memory_space<vmem>>, vector<16xf32>,
        tpu.vector_store %arg10[%swap3A_503, %swap3A_504], %gather3A_422 {strides = array<i32>} : memref<256x64xf32, #tpu.memory_space<vmem>>, vector<16xf32>,
        %swap3A_506 = arith.index_cast %add3A_440 : i32 to index
        %swap3A_507 = arith.constant 48 : index
        %swap3A_508 = tpu.vector_load %arg10[%swap3A_506, %swap3A_507] {strides = array<i32>} : memref<256x64xf32, #tpu.memory_space<vmem>>, vector<16xf32>,
        tpu.vector_store %arg10[%swap3A_506, %swap3A_507], %gather3A_426 {strides = array<i32>} : memref<256x64xf32, #tpu.memory_space<vmem>>, vector<16xf32>,
        %add3A_509 = arith.constant 11 : i32
        %add3A_510 = arith.addi %mul3A_116, %add3A_509 : i32
        %broadcast_in_dim3A_511 = arith.constant 12 : i32
        %broadcast_in_dim3A_512 = vector.broadcast %broadcast_in_dim3A_511 : i32 to vector<16x1xi32>
        %gather3A_513 = vector.shape_cast %broadcast_in_dim3A_512 : vector<16x1xi32> to vector<16xi32>
        %gather3A_514 = tpu.dynamic_gather %mul3A_114[%gather3A_513] in [0] : vector<16xi32>, vector<16xi32> -> vector<16xi32>
        %add3A_515 = arith.addi %gather3A_514, %iota3A : vector<16xi32>
        %add3A_516 = arith.constant 0 : i32
        %add3A_517 = vector.broadcast %add3A_516 : i32 to vector<16xi32>
        %add3A_518 = arith.addi %add3A_515, %add3A_517 : vector<16xi32>
        %gather3A_519 = tpu.vector_load_idx %arg8[%add3A_518] : memref<4096xf32, #tpu.memory_space<vmem>>[vector<16xi32>], vector<16xf32>,
        %add3A_520 = arith.constant 16 : i32
        %add3A_521 = vector.broadcast %add3A_520 : i32 to vector<16xi32>
        %add3A_522 = arith.addi %add3A_515, %add3A_521 : vector<16xi32>
        %gather3A_523 = tpu.vector_load_idx %arg8[%add3A_522] : memref<4096xf32, #tpu.memory_space<vmem>>[vector<16xi32>], vector<16xf32>,
        %add3A_524 = arith.constant 32 : i32
        %add3A_525 = vector.broadcast %add3A_524 : i32 to vector<16xi32>
        %add3A_526 = arith.addi %add3A_515, %add3A_525 : vector<16xi32>
        %gather3A_527 = tpu.vector_load_idx %arg8[%add3A_526] : memref<4096xf32, #tpu.memory_space<vmem>>[vector<16xi32>], vector<16xf32>,
        %add3A_528 = arith.constant 48 : i32
        %add3A_529 = vector.broadcast %add3A_528 : i32 to vector<16xi32>
        %add3A_530 = arith.addi %add3A_515, %add3A_529 : vector<16xi32>
        %gather3A_531 = tpu.vector_load_idx %arg8[%add3A_530] : memref<4096xf32, #tpu.memory_space<vmem>>[vector<16xi32>], vector<16xf32>,
        %swap3A_532 = arith.index_cast %add3A_475 : i32 to index
        %swap3A_533 = arith.constant 0 : index
        %swap3A_534 = tpu.vector_load %arg10[%swap3A_532, %swap3A_533] {strides = array<i32>} : memref<256x64xf32, #tpu.memory_space<vmem>>, vector<16xf32>,
        tpu.vector_store %arg10[%swap3A_532, %swap3A_533], %gather3A_449 {strides = array<i32>} : memref<256x64xf32, #tpu.memory_space<vmem>>, vector<16xf32>,
        %swap3A_535 = arith.index_cast %add3A_475 : i32 to index
        %swap3A_536 = arith.constant 16 : index
        %swap3A_537 = tpu.vector_load %arg10[%swap3A_535, %swap3A_536] {strides = array<i32>} : memref<256x64xf32, #tpu.memory_space<vmem>>, vector<16xf32>,
        tpu.vector_store %arg10[%swap3A_535, %swap3A_536], %gather3A_453 {strides = array<i32>} : memref<256x64xf32, #tpu.memory_space<vmem>>, vector<16xf32>,
        %swap3A_538 = arith.index_cast %add3A_475 : i32 to index
        %swap3A_539 = arith.constant 32 : index
        %swap3A_540 = tpu.vector_load %arg10[%swap3A_538, %swap3A_539] {strides = array<i32>} : memref<256x64xf32, #tpu.memory_space<vmem>>, vector<16xf32>,
        tpu.vector_store %arg10[%swap3A_538, %swap3A_539], %gather3A_457 {strides = array<i32>} : memref<256x64xf32, #tpu.memory_space<vmem>>, vector<16xf32>,
        %swap3A_541 = arith.index_cast %add3A_475 : i32 to index
        %swap3A_542 = arith.constant 48 : index
        %swap3A_543 = tpu.vector_load %arg10[%swap3A_541, %swap3A_542] {strides = array<i32>} : memref<256x64xf32, #tpu.memory_space<vmem>>, vector<16xf32>,
        tpu.vector_store %arg10[%swap3A_541, %swap3A_542], %gather3A_461 {strides = array<i32>} : memref<256x64xf32, #tpu.memory_space<vmem>>, vector<16xf32>,
        %add3A_544 = arith.constant 12 : i32
        %add3A_545 = arith.addi %mul3A_116, %add3A_544 : i32
        %broadcast_in_dim3A_546 = arith.constant 13 : i32
        %broadcast_in_dim3A_547 = vector.broadcast %broadcast_in_dim3A_546 : i32 to vector<16x1xi32>
        %gather3A_548 = vector.shape_cast %broadcast_in_dim3A_547 : vector<16x1xi32> to vector<16xi32>
        %gather3A_549 = tpu.dynamic_gather %mul3A_114[%gather3A_548] in [0] : vector<16xi32>, vector<16xi32> -> vector<16xi32>
        %add3A_550 = arith.addi %gather3A_549, %iota3A : vector<16xi32>
        %add3A_551 = arith.constant 0 : i32
        %add3A_552 = vector.broadcast %add3A_551 : i32 to vector<16xi32>
        %add3A_553 = arith.addi %add3A_550, %add3A_552 : vector<16xi32>
        %gather3A_554 = tpu.vector_load_idx %arg8[%add3A_553] : memref<4096xf32, #tpu.memory_space<vmem>>[vector<16xi32>], vector<16xf32>,
        %add3A_555 = arith.constant 16 : i32
        %add3A_556 = vector.broadcast %add3A_555 : i32 to vector<16xi32>
        %add3A_557 = arith.addi %add3A_550, %add3A_556 : vector<16xi32>
        %gather3A_558 = tpu.vector_load_idx %arg8[%add3A_557] : memref<4096xf32, #tpu.memory_space<vmem>>[vector<16xi32>], vector<16xf32>,
        %add3A_559 = arith.constant 32 : i32
        %add3A_560 = vector.broadcast %add3A_559 : i32 to vector<16xi32>
        %add3A_561 = arith.addi %add3A_550, %add3A_560 : vector<16xi32>
        %gather3A_562 = tpu.vector_load_idx %arg8[%add3A_561] : memref<4096xf32, #tpu.memory_space<vmem>>[vector<16xi32>], vector<16xf32>,
        %add3A_563 = arith.constant 48 : i32
        %add3A_564 = vector.broadcast %add3A_563 : i32 to vector<16xi32>
        %add3A_565 = arith.addi %add3A_550, %add3A_564 : vector<16xi32>
        %gather3A_566 = tpu.vector_load_idx %arg8[%add3A_565] : memref<4096xf32, #tpu.memory_space<vmem>>[vector<16xi32>], vector<16xf32>,
        %swap3A_567 = arith.index_cast %add3A_510 : i32 to index
        %swap3A_568 = arith.constant 0 : index
        %swap3A_569 = tpu.vector_load %arg10[%swap3A_567, %swap3A_568] {strides = array<i32>} : memref<256x64xf32, #tpu.memory_space<vmem>>, vector<16xf32>,
        tpu.vector_store %arg10[%swap3A_567, %swap3A_568], %gather3A_484 {strides = array<i32>} : memref<256x64xf32, #tpu.memory_space<vmem>>, vector<16xf32>,
        %swap3A_570 = arith.index_cast %add3A_510 : i32 to index
        %swap3A_571 = arith.constant 16 : index
        %swap3A_572 = tpu.vector_load %arg10[%swap3A_570, %swap3A_571] {strides = array<i32>} : memref<256x64xf32, #tpu.memory_space<vmem>>, vector<16xf32>,
        tpu.vector_store %arg10[%swap3A_570, %swap3A_571], %gather3A_488 {strides = array<i32>} : memref<256x64xf32, #tpu.memory_space<vmem>>, vector<16xf32>,
        %swap3A_573 = arith.index_cast %add3A_510 : i32 to index
        %swap3A_574 = arith.constant 32 : index
        %swap3A_575 = tpu.vector_load %arg10[%swap3A_573, %swap3A_574] {strides = array<i32>} : memref<256x64xf32, #tpu.memory_space<vmem>>, vector<16xf32>,
        tpu.vector_store %arg10[%swap3A_573, %swap3A_574], %gather3A_492 {strides = array<i32>} : memref<256x64xf32, #tpu.memory_space<vmem>>, vector<16xf32>,
        %swap3A_576 = arith.index_cast %add3A_510 : i32 to index
        %swap3A_577 = arith.constant 48 : index
        %swap3A_578 = tpu.vector_load %arg10[%swap3A_576, %swap3A_577] {strides = array<i32>} : memref<256x64xf32, #tpu.memory_space<vmem>>, vector<16xf32>,
        tpu.vector_store %arg10[%swap3A_576, %swap3A_577], %gather3A_496 {strides = array<i32>} : memref<256x64xf32, #tpu.memory_space<vmem>>, vector<16xf32>,
        %add3A_579 = arith.constant 13 : i32
        %add3A_580 = arith.addi %mul3A_116, %add3A_579 : i32
        %broadcast_in_dim3A_581 = arith.constant 14 : i32
        %broadcast_in_dim3A_582 = vector.broadcast %broadcast_in_dim3A_581 : i32 to vector<16x1xi32>
        %gather3A_583 = vector.shape_cast %broadcast_in_dim3A_582 : vector<16x1xi32> to vector<16xi32>
        %gather3A_584 = tpu.dynamic_gather %mul3A_114[%gather3A_583] in [0] : vector<16xi32>, vector<16xi32> -> vector<16xi32>
        %add3A_585 = arith.addi %gather3A_584, %iota3A : vector<16xi32>
        %add3A_586 = arith.constant 0 : i32
        %add3A_587 = vector.broadcast %add3A_586 : i32 to vector<16xi32>
        %add3A_588 = arith.addi %add3A_585, %add3A_587 : vector<16xi32>
        %gather3A_589 = tpu.vector_load_idx %arg8[%add3A_588] : memref<4096xf32, #tpu.memory_space<vmem>>[vector<16xi32>], vector<16xf32>,
        %add3A_590 = arith.constant 16 : i32
        %add3A_591 = vector.broadcast %add3A_590 : i32 to vector<16xi32>
        %add3A_592 = arith.addi %add3A_585, %add3A_591 : vector<16xi32>
        %gather3A_593 = tpu.vector_load_idx %arg8[%add3A_592] : memref<4096xf32, #tpu.memory_space<vmem>>[vector<16xi32>], vector<16xf32>,
        %add3A_594 = arith.constant 32 : i32
        %add3A_595 = vector.broadcast %add3A_594 : i32 to vector<16xi32>
        %add3A_596 = arith.addi %add3A_585, %add3A_595 : vector<16xi32>
        %gather3A_597 = tpu.vector_load_idx %arg8[%add3A_596] : memref<4096xf32, #tpu.memory_space<vmem>>[vector<16xi32>], vector<16xf32>,
        %add3A_598 = arith.constant 48 : i32
        %add3A_599 = vector.broadcast %add3A_598 : i32 to vector<16xi32>
        %add3A_600 = arith.addi %add3A_585, %add3A_599 : vector<16xi32>
        %gather3A_601 = tpu.vector_load_idx %arg8[%add3A_600] : memref<4096xf32, #tpu.memory_space<vmem>>[vector<16xi32>], vector<16xf32>,
        %swap3A_602 = arith.index_cast %add3A_545 : i32 to index
        %swap3A_603 = arith.constant 0 : index
        %swap3A_604 = tpu.vector_load %arg10[%swap3A_602, %swap3A_603] {strides = array<i32>} : memref<256x64xf32, #tpu.memory_space<vmem>>, vector<16xf32>,
        tpu.vector_store %arg10[%swap3A_602, %swap3A_603], %gather3A_519 {strides = array<i32>} : memref<256x64xf32, #tpu.memory_space<vmem>>, vector<16xf32>,
        %swap3A_605 = arith.index_cast %add3A_545 : i32 to index
        %swap3A_606 = arith.constant 16 : index
        %swap3A_607 = tpu.vector_load %arg10[%swap3A_605, %swap3A_606] {strides = array<i32>} : memref<256x64xf32, #tpu.memory_space<vmem>>, vector<16xf32>,
        tpu.vector_store %arg10[%swap3A_605, %swap3A_606], %gather3A_523 {strides = array<i32>} : memref<256x64xf32, #tpu.memory_space<vmem>>, vector<16xf32>,
        %swap3A_608 = arith.index_cast %add3A_545 : i32 to index
        %swap3A_609 = arith.constant 32 : index
        %swap3A_610 = tpu.vector_load %arg10[%swap3A_608, %swap3A_609] {strides = array<i32>} : memref<256x64xf32, #tpu.memory_space<vmem>>, vector<16xf32>,
        tpu.vector_store %arg10[%swap3A_608, %swap3A_609], %gather3A_527 {strides = array<i32>} : memref<256x64xf32, #tpu.memory_space<vmem>>, vector<16xf32>,
        %swap3A_611 = arith.index_cast %add3A_545 : i32 to index
        %swap3A_612 = arith.constant 48 : index
        %swap3A_613 = tpu.vector_load %arg10[%swap3A_611, %swap3A_612] {strides = array<i32>} : memref<256x64xf32, #tpu.memory_space<vmem>>, vector<16xf32>,
        tpu.vector_store %arg10[%swap3A_611, %swap3A_612], %gather3A_531 {strides = array<i32>} : memref<256x64xf32, #tpu.memory_space<vmem>>, vector<16xf32>,
        %add3A_614 = arith.constant 14 : i32
        %add3A_615 = arith.addi %mul3A_116, %add3A_614 : i32
        %broadcast_in_dim3A_616 = arith.constant 15 : i32
        %broadcast_in_dim3A_617 = vector.broadcast %broadcast_in_dim3A_616 : i32 to vector<16x1xi32>
        %gather3A_618 = vector.shape_cast %broadcast_in_dim3A_617 : vector<16x1xi32> to vector<16xi32>
        %gather3A_619 = tpu.dynamic_gather %mul3A_114[%gather3A_618] in [0] : vector<16xi32>, vector<16xi32> -> vector<16xi32>
        %add3A_620 = arith.addi %gather3A_619, %iota3A : vector<16xi32>
        %add3A_621 = arith.constant 0 : i32
        %add3A_622 = vector.broadcast %add3A_621 : i32 to vector<16xi32>
        %add3A_623 = arith.addi %add3A_620, %add3A_622 : vector<16xi32>
        %gather3A_624 = tpu.vector_load_idx %arg8[%add3A_623] : memref<4096xf32, #tpu.memory_space<vmem>>[vector<16xi32>], vector<16xf32>,
        %add3A_625 = arith.constant 16 : i32
        %add3A_626 = vector.broadcast %add3A_625 : i32 to vector<16xi32>
        %add3A_627 = arith.addi %add3A_620, %add3A_626 : vector<16xi32>
        %gather3A_628 = tpu.vector_load_idx %arg8[%add3A_627] : memref<4096xf32, #tpu.memory_space<vmem>>[vector<16xi32>], vector<16xf32>,
        %add3A_629 = arith.constant 32 : i32
        %add3A_630 = vector.broadcast %add3A_629 : i32 to vector<16xi32>
        %add3A_631 = arith.addi %add3A_620, %add3A_630 : vector<16xi32>
        %gather3A_632 = tpu.vector_load_idx %arg8[%add3A_631] : memref<4096xf32, #tpu.memory_space<vmem>>[vector<16xi32>], vector<16xf32>,
        %add3A_633 = arith.constant 48 : i32
        %add3A_634 = vector.broadcast %add3A_633 : i32 to vector<16xi32>
        %add3A_635 = arith.addi %add3A_620, %add3A_634 : vector<16xi32>
        %gather3A_636 = tpu.vector_load_idx %arg8[%add3A_635] : memref<4096xf32, #tpu.memory_space<vmem>>[vector<16xi32>], vector<16xf32>,
        %swap3A_637 = arith.index_cast %add3A_580 : i32 to index
        %swap3A_638 = arith.constant 0 : index
        %swap3A_639 = tpu.vector_load %arg10[%swap3A_637, %swap3A_638] {strides = array<i32>} : memref<256x64xf32, #tpu.memory_space<vmem>>, vector<16xf32>,
        tpu.vector_store %arg10[%swap3A_637, %swap3A_638], %gather3A_554 {strides = array<i32>} : memref<256x64xf32, #tpu.memory_space<vmem>>, vector<16xf32>,
        %swap3A_640 = arith.index_cast %add3A_580 : i32 to index
        %swap3A_641 = arith.constant 16 : index
        %swap3A_642 = tpu.vector_load %arg10[%swap3A_640, %swap3A_641] {strides = array<i32>} : memref<256x64xf32, #tpu.memory_space<vmem>>, vector<16xf32>,
        tpu.vector_store %arg10[%swap3A_640, %swap3A_641], %gather3A_558 {strides = array<i32>} : memref<256x64xf32, #tpu.memory_space<vmem>>, vector<16xf32>,
        %swap3A_643 = arith.index_cast %add3A_580 : i32 to index
        %swap3A_644 = arith.constant 32 : index
        %swap3A_645 = tpu.vector_load %arg10[%swap3A_643, %swap3A_644] {strides = array<i32>} : memref<256x64xf32, #tpu.memory_space<vmem>>, vector<16xf32>,
        tpu.vector_store %arg10[%swap3A_643, %swap3A_644], %gather3A_562 {strides = array<i32>} : memref<256x64xf32, #tpu.memory_space<vmem>>, vector<16xf32>,
        %swap3A_646 = arith.index_cast %add3A_580 : i32 to index
        %swap3A_647 = arith.constant 48 : index
        %swap3A_648 = tpu.vector_load %arg10[%swap3A_646, %swap3A_647] {strides = array<i32>} : memref<256x64xf32, #tpu.memory_space<vmem>>, vector<16xf32>,
        tpu.vector_store %arg10[%swap3A_646, %swap3A_647], %gather3A_566 {strides = array<i32>} : memref<256x64xf32, #tpu.memory_space<vmem>>, vector<16xf32>,
        %add3A_649 = arith.constant 15 : i32
        %add3A_650 = arith.addi %mul3A_116, %add3A_649 : i32
        %swap3A_651 = arith.index_cast %add3A_615 : i32 to index
        %swap3A_652 = arith.constant 0 : index
        %swap3A_653 = tpu.vector_load %arg10[%swap3A_651, %swap3A_652] {strides = array<i32>} : memref<256x64xf32, #tpu.memory_space<vmem>>, vector<16xf32>,
        tpu.vector_store %arg10[%swap3A_651, %swap3A_652], %gather3A_589 {strides = array<i32>} : memref<256x64xf32, #tpu.memory_space<vmem>>, vector<16xf32>,
        %swap3A_654 = arith.index_cast %add3A_615 : i32 to index
        %swap3A_655 = arith.constant 16 : index
        %swap3A_656 = tpu.vector_load %arg10[%swap3A_654, %swap3A_655] {strides = array<i32>} : memref<256x64xf32, #tpu.memory_space<vmem>>, vector<16xf32>,
        tpu.vector_store %arg10[%swap3A_654, %swap3A_655], %gather3A_593 {strides = array<i32>} : memref<256x64xf32, #tpu.memory_space<vmem>>, vector<16xf32>,
        %swap3A_657 = arith.index_cast %add3A_615 : i32 to index
        %swap3A_658 = arith.constant 32 : index
        %swap3A_659 = tpu.vector_load %arg10[%swap3A_657, %swap3A_658] {strides = array<i32>} : memref<256x64xf32, #tpu.memory_space<vmem>>, vector<16xf32>,
        tpu.vector_store %arg10[%swap3A_657, %swap3A_658], %gather3A_597 {strides = array<i32>} : memref<256x64xf32, #tpu.memory_space<vmem>>, vector<16xf32>,
        %swap3A_660 = arith.index_cast %add3A_615 : i32 to index
        %swap3A_661 = arith.constant 48 : index
        %swap3A_662 = tpu.vector_load %arg10[%swap3A_660, %swap3A_661] {strides = array<i32>} : memref<256x64xf32, #tpu.memory_space<vmem>>, vector<16xf32>,
        tpu.vector_store %arg10[%swap3A_660, %swap3A_661], %gather3A_601 {strides = array<i32>} : memref<256x64xf32, #tpu.memory_space<vmem>>, vector<16xf32>,
        %swap3A_663 = arith.index_cast %add3A_650 : i32 to index
        %swap3A_664 = arith.constant 0 : index
        %swap3A_665 = tpu.vector_load %arg10[%swap3A_663, %swap3A_664] {strides = array<i32>} : memref<256x64xf32, #tpu.memory_space<vmem>>, vector<16xf32>,
        tpu.vector_store %arg10[%swap3A_663, %swap3A_664], %gather3A_624 {strides = array<i32>} : memref<256x64xf32, #tpu.memory_space<vmem>>, vector<16xf32>,
        %swap3A_666 = arith.index_cast %add3A_650 : i32 to index
        %swap3A_667 = arith.constant 16 : index
        %swap3A_668 = tpu.vector_load %arg10[%swap3A_666, %swap3A_667] {strides = array<i32>} : memref<256x64xf32, #tpu.memory_space<vmem>>, vector<16xf32>,
        tpu.vector_store %arg10[%swap3A_666, %swap3A_667], %gather3A_628 {strides = array<i32>} : memref<256x64xf32, #tpu.memory_space<vmem>>, vector<16xf32>,
        %swap3A_669 = arith.index_cast %add3A_650 : i32 to index
        %swap3A_670 = arith.constant 32 : index
        %swap3A_671 = tpu.vector_load %arg10[%swap3A_669, %swap3A_670] {strides = array<i32>} : memref<256x64xf32, #tpu.memory_space<vmem>>, vector<16xf32>,
        tpu.vector_store %arg10[%swap3A_669, %swap3A_670], %gather3A_632 {strides = array<i32>} : memref<256x64xf32, #tpu.memory_space<vmem>>, vector<16xf32>,
        %swap3A_672 = arith.index_cast %add3A_650 : i32 to index
        %swap3A_673 = arith.constant 48 : index
        %swap3A_674 = tpu.vector_load %arg10[%swap3A_672, %swap3A_673] {strides = array<i32>} : memref<256x64xf32, #tpu.memory_space<vmem>>, vector<16xf32>,
        tpu.vector_store %arg10[%swap3A_672, %swap3A_673], %gather3A_636 {strides = array<i32>} : memref<256x64xf32, #tpu.memory_space<vmem>>, vector<16xf32>,
        %scan3A_675 = arith.constant 1 : i32
        %scan3A_676 = arith.addi %scan3A_62, %scan3A_675 : i32
        %mul3A_677 = arith.constant 16 : i32
        %mul3A_678 = arith.muli %scan3A_676, %mul3A_677 : i32
        %add3A_679 = arith.addi %mul3A_48, %mul3A_678 : i32
        %add3A_680 = vector.broadcast %add3A_679 : i32 to vector<16xi32>
        %add3A_681 = arith.addi %add3A_680, %iota3A : vector<16xi32>
        %jit3A_682 = arith.constant 200 : i32
        %div3A_683 = vector.broadcast %jit3A_682 : i32 to vector<16xi32>
        %div3A_684 = arith.divsi %add3A_681, %div3A_683 : vector<16xi32>
        %sign3A_685 = arith.constant 0 : i32
        %sign3A_686 = vector.broadcast %sign3A_685 : i32 to vector<16xi32>
        %sign3A_687 = arith.cmpi sgt, %add3A_681, %sign3A_686 : vector<16xi32>
        %sign3A_688 = arith.extui %sign3A_687 : vector<16xi1> to vector<16xi32>
        %sign3A_689 = arith.constant 0 : i32
        %sign3A_690 = vector.broadcast %sign3A_689 : i32 to vector<16xi32>
        %sign3A_691 = arith.cmpi slt, %add3A_681, %sign3A_690 : vector<16xi32>
        %sign3A_692 = arith.extui %sign3A_691 : vector<16xi1> to vector<16xi32>
        %sign3A_693 = arith.subi %sign3A_688, %sign3A_692 : vector<16xi32>
        %sign3A_694 = arith.constant 0 : i32
        %sign3A_695 = arith.cmpi sgt, %jit3A_682, %sign3A_694 : i32
        %sign3A_696 = arith.extui %sign3A_695 : i1 to i32
        %sign3A_697 = arith.constant 0 : i32
        %sign3A_698 = arith.cmpi slt, %jit3A_682, %sign3A_697 : i32
        %sign3A_699 = arith.extui %sign3A_698 : i1 to i32
        %sign3A_700 = arith.subi %sign3A_696, %sign3A_699 : i32
        %ne3A_701 = vector.broadcast %sign3A_700 : i32 to vector<16xi32>
        %ne3A_702 = arith.cmpi ne, %sign3A_693, %ne3A_701 : vector<16xi32>
        %rem3A_703 = vector.broadcast %jit3A_682 : i32 to vector<16xi32>
        %rem3A_704 = arith.remsi %add3A_681, %rem3A_703 : vector<16xi32>
        %ne3A_705 = arith.constant 0 : i32
        %ne3A_706 = vector.broadcast %ne3A_705 : i32 to vector<16xi32>
        %ne3A_707 = arith.cmpi ne, %rem3A_704, %ne3A_706 : vector<16xi32>
        %and3A_708 = arith.andi %ne3A_702, %ne3A_707 : vector<16xi1>
        %sub3A_709 = arith.constant 1 : i32
        %sub3A_710 = vector.broadcast %sub3A_709 : i32 to vector<16xi32>
        %sub3A_711 = arith.subi %div3A_684, %sub3A_710 : vector<16xi32>
        %select_n3A_712 = arith.select %and3A_708, %sub3A_711, %div3A_684 : vector<16xi1>, vector<16xi32>
        %jit3A_713 = arith.constant 200 : i32
        %eq3A_714 = arith.constant 0 : i32
        %eq3A_715 = arith.cmpi eq, %jit3A_713, %eq3A_714 : i32
        %jit3A_716 = arith.constant 1 : i32
        %select_n3A_717 = arith.select %eq3A_715, %jit3A_716, %jit3A_713 : i32
        %rem3A_718 = vector.broadcast %select_n3A_717 : i32 to vector<16xi32>
        %rem3A_719 = arith.remsi %add3A_681, %rem3A_718 : vector<16xi32>
        %ne3A_720 = arith.constant 0 : i32
        %ne3A_721 = vector.broadcast %ne3A_720 : i32 to vector<16xi32>
        %ne3A_722 = arith.cmpi ne, %rem3A_719, %ne3A_721 : vector<16xi32>
        %lt3A_723 = arith.constant 0 : i32
        %lt3A_724 = vector.broadcast %lt3A_723 : i32 to vector<16xi32>
        %lt3A_725 = arith.cmpi slt, %rem3A_719, %lt3A_724 : vector<16xi32>
        %lt3A_726 = arith.constant 0 : i32
        %lt3A_727 = arith.cmpi slt, %select_n3A_717, %lt3A_726 : i32
        %ne3A_728 = vector.broadcast %lt3A_727 : i1 to vector<16xi1>
        %ne3A_729 = vector.broadcast %ne3A_728 : vector<16xi1> to vector<16xi1>
        %ne3A_730 = arith.xori %lt3A_725, %ne3A_729 : vector<16xi1>
        %and3A_731 = arith.andi %ne3A_730, %ne3A_722 : vector<16xi1>
        %add3A_732 = vector.broadcast %select_n3A_717 : i32 to vector<16xi32>
        %add3A_733 = arith.addi %rem3A_719, %add3A_732 : vector<16xi32>
        %select_n3A_734 = arith.select %and3A_731, %add3A_733, %rem3A_719 : vector<16xi1>, vector<16xi32>
        %gather3A_735 = tpu.vector_load_idx %arg6[%select_n3A_712, %select_n3A_734] : memref<128x200xi32, #tpu.memory_space<vmem>>[vector<16xi32>, vector<16xi32>], vector<16xi32>,
        %gather3A_736 = tpu.vector_load_idx %arg7[%gather3A_735] : memref<64xi32, #tpu.memory_space<vmem>>[vector<16xi32>], vector<16xi32>,
        %mul3A_737 = arith.constant 64 : i32
        %mul3A_738 = vector.broadcast %mul3A_737 : i32 to vector<16xi32>
        %mul3A_739 = arith.muli %gather3A_736, %mul3A_738 : vector<16xi32>
        %mul3A_740 = arith.constant 16 : i32
        %mul3A_741 = arith.muli %scan3A_676, %mul3A_740 : i32
        %broadcast_in_dim3A_742 = arith.constant 0 : i32
        %broadcast_in_dim3A_743 = vector.broadcast %broadcast_in_dim3A_742 : i32 to vector<16x1xi32>
        %gather3A_744 = vector.shape_cast %broadcast_in_dim3A_743 : vector<16x1xi32> to vector<16xi32>
        %gather3A_745 = tpu.dynamic_gather %mul3A_739[%gather3A_744] in [0] : vector<16xi32>, vector<16xi32> -> vector<16xi32>
        %add3A_746 = arith.addi %gather3A_745, %iota3A : vector<16xi32>
        %add3A_747 = arith.constant 0 : i32
        %add3A_748 = vector.broadcast %add3A_747 : i32 to vector<16xi32>
        %add3A_749 = arith.addi %add3A_746, %add3A_748 : vector<16xi32>
        %gather3A_750 = tpu.vector_load_idx %arg8[%add3A_749] : memref<4096xf32, #tpu.memory_space<vmem>>[vector<16xi32>], vector<16xf32>,
        %add3A_751 = arith.constant 16 : i32
        %add3A_752 = vector.broadcast %add3A_751 : i32 to vector<16xi32>
        %add3A_753 = arith.addi %add3A_746, %add3A_752 : vector<16xi32>
        %gather3A_754 = tpu.vector_load_idx %arg8[%add3A_753] : memref<4096xf32, #tpu.memory_space<vmem>>[vector<16xi32>], vector<16xf32>,
        %add3A_755 = arith.constant 32 : i32
        %add3A_756 = vector.broadcast %add3A_755 : i32 to vector<16xi32>
        %add3A_757 = arith.addi %add3A_746, %add3A_756 : vector<16xi32>
        %gather3A_758 = tpu.vector_load_idx %arg8[%add3A_757] : memref<4096xf32, #tpu.memory_space<vmem>>[vector<16xi32>], vector<16xf32>,
        %add3A_759 = arith.constant 48 : i32
        %add3A_760 = vector.broadcast %add3A_759 : i32 to vector<16xi32>
        %add3A_761 = arith.addi %add3A_746, %add3A_760 : vector<16xi32>
        %gather3A_762 = tpu.vector_load_idx %arg8[%add3A_761] : memref<4096xf32, #tpu.memory_space<vmem>>[vector<16xi32>], vector<16xf32>,
        %add3A_763 = arith.constant 0 : i32
        %add3A_764 = arith.addi %mul3A_741, %add3A_763 : i32
        %broadcast_in_dim3A_765 = arith.constant 1 : i32
        %broadcast_in_dim3A_766 = vector.broadcast %broadcast_in_dim3A_765 : i32 to vector<16x1xi32>
        %gather3A_767 = vector.shape_cast %broadcast_in_dim3A_766 : vector<16x1xi32> to vector<16xi32>
        %gather3A_768 = tpu.dynamic_gather %mul3A_739[%gather3A_767] in [0] : vector<16xi32>, vector<16xi32> -> vector<16xi32>
        %add3A_769 = arith.addi %gather3A_768, %iota3A : vector<16xi32>
        %add3A_770 = arith.constant 0 : i32
        %add3A_771 = vector.broadcast %add3A_770 : i32 to vector<16xi32>
        %add3A_772 = arith.addi %add3A_769, %add3A_771 : vector<16xi32>
        %gather3A_773 = tpu.vector_load_idx %arg8[%add3A_772] : memref<4096xf32, #tpu.memory_space<vmem>>[vector<16xi32>], vector<16xf32>,
        %add3A_774 = arith.constant 16 : i32
        %add3A_775 = vector.broadcast %add3A_774 : i32 to vector<16xi32>
        %add3A_776 = arith.addi %add3A_769, %add3A_775 : vector<16xi32>
        %gather3A_777 = tpu.vector_load_idx %arg8[%add3A_776] : memref<4096xf32, #tpu.memory_space<vmem>>[vector<16xi32>], vector<16xf32>,
        %add3A_778 = arith.constant 32 : i32
        %add3A_779 = vector.broadcast %add3A_778 : i32 to vector<16xi32>
        %add3A_780 = arith.addi %add3A_769, %add3A_779 : vector<16xi32>
        %gather3A_781 = tpu.vector_load_idx %arg8[%add3A_780] : memref<4096xf32, #tpu.memory_space<vmem>>[vector<16xi32>], vector<16xf32>,
        %add3A_782 = arith.constant 48 : i32
        %add3A_783 = vector.broadcast %add3A_782 : i32 to vector<16xi32>
        %add3A_784 = arith.addi %add3A_769, %add3A_783 : vector<16xi32>
        %gather3A_785 = tpu.vector_load_idx %arg8[%add3A_784] : memref<4096xf32, #tpu.memory_space<vmem>>[vector<16xi32>], vector<16xf32>,
        %add3A_786 = arith.constant 1 : i32
        %add3A_787 = arith.addi %mul3A_741, %add3A_786 : i32
        %broadcast_in_dim3A_788 = arith.constant 2 : i32
        %broadcast_in_dim3A_789 = vector.broadcast %broadcast_in_dim3A_788 : i32 to vector<16x1xi32>
        %gather3A_790 = vector.shape_cast %broadcast_in_dim3A_789 : vector<16x1xi32> to vector<16xi32>
        %gather3A_791 = tpu.dynamic_gather %mul3A_739[%gather3A_790] in [0] : vector<16xi32>, vector<16xi32> -> vector<16xi32>
        %add3A_792 = arith.addi %gather3A_791, %iota3A : vector<16xi32>
        %add3A_793 = arith.constant 0 : i32
        %add3A_794 = vector.broadcast %add3A_793 : i32 to vector<16xi32>
        %add3A_795 = arith.addi %add3A_792, %add3A_794 : vector<16xi32>
        %gather3A_796 = tpu.vector_load_idx %arg8[%add3A_795] : memref<4096xf32, #tpu.memory_space<vmem>>[vector<16xi32>], vector<16xf32>,
        %add3A_797 = arith.constant 16 : i32
        %add3A_798 = vector.broadcast %add3A_797 : i32 to vector<16xi32>
        %add3A_799 = arith.addi %add3A_792, %add3A_798 : vector<16xi32>
        %gather3A_800 = tpu.vector_load_idx %arg8[%add3A_799] : memref<4096xf32, #tpu.memory_space<vmem>>[vector<16xi32>], vector<16xf32>,
        %add3A_801 = arith.constant 32 : i32
        %add3A_802 = vector.broadcast %add3A_801 : i32 to vector<16xi32>
        %add3A_803 = arith.addi %add3A_792, %add3A_802 : vector<16xi32>
        %gather3A_804 = tpu.vector_load_idx %arg8[%add3A_803] : memref<4096xf32, #tpu.memory_space<vmem>>[vector<16xi32>], vector<16xf32>,
        %add3A_805 = arith.constant 48 : i32
        %add3A_806 = vector.broadcast %add3A_805 : i32 to vector<16xi32>
        %add3A_807 = arith.addi %add3A_792, %add3A_806 : vector<16xi32>
        %gather3A_808 = tpu.vector_load_idx %arg8[%add3A_807] : memref<4096xf32, #tpu.memory_space<vmem>>[vector<16xi32>], vector<16xf32>,
        %swap3A_809 = arith.index_cast %add3A_764 : i32 to index
        %swap3A_810 = arith.constant 0 : index
        %swap3A_811 = tpu.vector_load %arg10[%swap3A_809, %swap3A_810] {strides = array<i32>} : memref<256x64xf32, #tpu.memory_space<vmem>>, vector<16xf32>,
        tpu.vector_store %arg10[%swap3A_809, %swap3A_810], %gather3A_750 {strides = array<i32>} : memref<256x64xf32, #tpu.memory_space<vmem>>, vector<16xf32>,
        %swap3A_812 = arith.index_cast %add3A_764 : i32 to index
        %swap3A_813 = arith.constant 16 : index
        %swap3A_814 = tpu.vector_load %arg10[%swap3A_812, %swap3A_813] {strides = array<i32>} : memref<256x64xf32, #tpu.memory_space<vmem>>, vector<16xf32>,
        tpu.vector_store %arg10[%swap3A_812, %swap3A_813], %gather3A_754 {strides = array<i32>} : memref<256x64xf32, #tpu.memory_space<vmem>>, vector<16xf32>,
        %swap3A_815 = arith.index_cast %add3A_764 : i32 to index
        %swap3A_816 = arith.constant 32 : index
        %swap3A_817 = tpu.vector_load %arg10[%swap3A_815, %swap3A_816] {strides = array<i32>} : memref<256x64xf32, #tpu.memory_space<vmem>>, vector<16xf32>,
        tpu.vector_store %arg10[%swap3A_815, %swap3A_816], %gather3A_758 {strides = array<i32>} : memref<256x64xf32, #tpu.memory_space<vmem>>, vector<16xf32>,
        %swap3A_818 = arith.index_cast %add3A_764 : i32 to index
        %swap3A_819 = arith.constant 48 : index
        %swap3A_820 = tpu.vector_load %arg10[%swap3A_818, %swap3A_819] {strides = array<i32>} : memref<256x64xf32, #tpu.memory_space<vmem>>, vector<16xf32>,
        tpu.vector_store %arg10[%swap3A_818, %swap3A_819], %gather3A_762 {strides = array<i32>} : memref<256x64xf32, #tpu.memory_space<vmem>>, vector<16xf32>,
        %add3A_821 = arith.constant 2 : i32
        %add3A_822 = arith.addi %mul3A_741, %add3A_821 : i32
        %broadcast_in_dim3A_823 = arith.constant 3 : i32
        %broadcast_in_dim3A_824 = vector.broadcast %broadcast_in_dim3A_823 : i32 to vector<16x1xi32>
        %gather3A_825 = vector.shape_cast %broadcast_in_dim3A_824 : vector<16x1xi32> to vector<16xi32>
        %gather3A_826 = tpu.dynamic_gather %mul3A_739[%gather3A_825] in [0] : vector<16xi32>, vector<16xi32> -> vector<16xi32>
        %add3A_827 = arith.addi %gather3A_826, %iota3A : vector<16xi32>
        %add3A_828 = arith.constant 0 : i32
        %add3A_829 = vector.broadcast %add3A_828 : i32 to vector<16xi32>
        %add3A_830 = arith.addi %add3A_827, %add3A_829 : vector<16xi32>
        %gather3A_831 = tpu.vector_load_idx %arg8[%add3A_830] : memref<4096xf32, #tpu.memory_space<vmem>>[vector<16xi32>], vector<16xf32>,
        %add3A_832 = arith.constant 16 : i32
        %add3A_833 = vector.broadcast %add3A_832 : i32 to vector<16xi32>
        %add3A_834 = arith.addi %add3A_827, %add3A_833 : vector<16xi32>
        %gather3A_835 = tpu.vector_load_idx %arg8[%add3A_834] : memref<4096xf32, #tpu.memory_space<vmem>>[vector<16xi32>], vector<16xf32>,
        %add3A_836 = arith.constant 32 : i32
        %add3A_837 = vector.broadcast %add3A_836 : i32 to vector<16xi32>
        %add3A_838 = arith.addi %add3A_827, %add3A_837 : vector<16xi32>
        %gather3A_839 = tpu.vector_load_idx %arg8[%add3A_838] : memref<4096xf32, #tpu.memory_space<vmem>>[vector<16xi32>], vector<16xf32>,
        %add3A_840 = arith.constant 48 : i32
        %add3A_841 = vector.broadcast %add3A_840 : i32 to vector<16xi32>
        %add3A_842 = arith.addi %add3A_827, %add3A_841 : vector<16xi32>
        %gather3A_843 = tpu.vector_load_idx %arg8[%add3A_842] : memref<4096xf32, #tpu.memory_space<vmem>>[vector<16xi32>], vector<16xf32>,
        %swap3A_844 = arith.index_cast %add3A_787 : i32 to index
        %swap3A_845 = arith.constant 0 : index
        %swap3A_846 = tpu.vector_load %arg10[%swap3A_844, %swap3A_845] {strides = array<i32>} : memref<256x64xf32, #tpu.memory_space<vmem>>, vector<16xf32>,
        tpu.vector_store %arg10[%swap3A_844, %swap3A_845], %gather3A_773 {strides = array<i32>} : memref<256x64xf32, #tpu.memory_space<vmem>>, vector<16xf32>,
        %swap3A_847 = arith.index_cast %add3A_787 : i32 to index
        %swap3A_848 = arith.constant 16 : index
        %swap3A_849 = tpu.vector_load %arg10[%swap3A_847, %swap3A_848] {strides = array<i32>} : memref<256x64xf32, #tpu.memory_space<vmem>>, vector<16xf32>,
        tpu.vector_store %arg10[%swap3A_847, %swap3A_848], %gather3A_777 {strides = array<i32>} : memref<256x64xf32, #tpu.memory_space<vmem>>, vector<16xf32>,
        %swap3A_850 = arith.index_cast %add3A_787 : i32 to index
        %swap3A_851 = arith.constant 32 : index
        %swap3A_852 = tpu.vector_load %arg10[%swap3A_850, %swap3A_851] {strides = array<i32>} : memref<256x64xf32, #tpu.memory_space<vmem>>, vector<16xf32>,
        tpu.vector_store %arg10[%swap3A_850, %swap3A_851], %gather3A_781 {strides = array<i32>} : memref<256x64xf32, #tpu.memory_space<vmem>>, vector<16xf32>,
        %swap3A_853 = arith.index_cast %add3A_787 : i32 to index
        %swap3A_854 = arith.constant 48 : index
        %swap3A_855 = tpu.vector_load %arg10[%swap3A_853, %swap3A_854] {strides = array<i32>} : memref<256x64xf32, #tpu.memory_space<vmem>>, vector<16xf32>,
        tpu.vector_store %arg10[%swap3A_853, %swap3A_854], %gather3A_785 {strides = array<i32>} : memref<256x64xf32, #tpu.memory_space<vmem>>, vector<16xf32>,
        %add3A_856 = arith.constant 3 : i32
        %add3A_857 = arith.addi %mul3A_741, %add3A_856 : i32
        %broadcast_in_dim3A_858 = arith.constant 4 : i32
        %broadcast_in_dim3A_859 = vector.broadcast %broadcast_in_dim3A_858 : i32 to vector<16x1xi32>
        %gather3A_860 = vector.shape_cast %broadcast_in_dim3A_859 : vector<16x1xi32> to vector<16xi32>
        %gather3A_861 = tpu.dynamic_gather %mul3A_739[%gather3A_860] in [0] : vector<16xi32>, vector<16xi32> -> vector<16xi32>
        %add3A_862 = arith.addi %gather3A_861, %iota3A : vector<16xi32>
        %add3A_863 = arith.constant 0 : i32
        %add3A_864 = vector.broadcast %add3A_863 : i32 to vector<16xi32>
        %add3A_865 = arith.addi %add3A_862, %add3A_864 : vector<16xi32>
        %gather3A_866 = tpu.vector_load_idx %arg8[%add3A_865] : memref<4096xf32, #tpu.memory_space<vmem>>[vector<16xi32>], vector<16xf32>,
        %add3A_867 = arith.constant 16 : i32
        %add3A_868 = vector.broadcast %add3A_867 : i32 to vector<16xi32>
        %add3A_869 = arith.addi %add3A_862, %add3A_868 : vector<16xi32>
        %gather3A_870 = tpu.vector_load_idx %arg8[%add3A_869] : memref<4096xf32, #tpu.memory_space<vmem>>[vector<16xi32>], vector<16xf32>,
        %add3A_871 = arith.constant 32 : i32
        %add3A_872 = vector.broadcast %add3A_871 : i32 to vector<16xi32>
        %add3A_873 = arith.addi %add3A_862, %add3A_872 : vector<16xi32>
        %gather3A_874 = tpu.vector_load_idx %arg8[%add3A_873] : memref<4096xf32, #tpu.memory_space<vmem>>[vector<16xi32>], vector<16xf32>,
        %add3A_875 = arith.constant 48 : i32
        %add3A_876 = vector.broadcast %add3A_875 : i32 to vector<16xi32>
        %add3A_877 = arith.addi %add3A_862, %add3A_876 : vector<16xi32>
        %gather3A_878 = tpu.vector_load_idx %arg8[%add3A_877] : memref<4096xf32, #tpu.memory_space<vmem>>[vector<16xi32>], vector<16xf32>,
        %swap3A_879 = arith.index_cast %add3A_822 : i32 to index
        %swap3A_880 = arith.constant 0 : index
        %swap3A_881 = tpu.vector_load %arg10[%swap3A_879, %swap3A_880] {strides = array<i32>} : memref<256x64xf32, #tpu.memory_space<vmem>>, vector<16xf32>,
        tpu.vector_store %arg10[%swap3A_879, %swap3A_880], %gather3A_796 {strides = array<i32>} : memref<256x64xf32, #tpu.memory_space<vmem>>, vector<16xf32>,
        %swap3A_882 = arith.index_cast %add3A_822 : i32 to index
        %swap3A_883 = arith.constant 16 : index
        %swap3A_884 = tpu.vector_load %arg10[%swap3A_882, %swap3A_883] {strides = array<i32>} : memref<256x64xf32, #tpu.memory_space<vmem>>, vector<16xf32>,
        tpu.vector_store %arg10[%swap3A_882, %swap3A_883], %gather3A_800 {strides = array<i32>} : memref<256x64xf32, #tpu.memory_space<vmem>>, vector<16xf32>,
        %swap3A_885 = arith.index_cast %add3A_822 : i32 to index
        %swap3A_886 = arith.constant 32 : index
        %swap3A_887 = tpu.vector_load %arg10[%swap3A_885, %swap3A_886] {strides = array<i32>} : memref<256x64xf32, #tpu.memory_space<vmem>>, vector<16xf32>,
        tpu.vector_store %arg10[%swap3A_885, %swap3A_886], %gather3A_804 {strides = array<i32>} : memref<256x64xf32, #tpu.memory_space<vmem>>, vector<16xf32>,
        %swap3A_888 = arith.index_cast %add3A_822 : i32 to index
        %swap3A_889 = arith.constant 48 : index
        %swap3A_890 = tpu.vector_load %arg10[%swap3A_888, %swap3A_889] {strides = array<i32>} : memref<256x64xf32, #tpu.memory_space<vmem>>, vector<16xf32>,
        tpu.vector_store %arg10[%swap3A_888, %swap3A_889], %gather3A_808 {strides = array<i32>} : memref<256x64xf32, #tpu.memory_space<vmem>>, vector<16xf32>,
        %add3A_891 = arith.constant 4 : i32
        %add3A_892 = arith.addi %mul3A_741, %add3A_891 : i32
        %broadcast_in_dim3A_893 = arith.constant 5 : i32
        %broadcast_in_dim3A_894 = vector.broadcast %broadcast_in_dim3A_893 : i32 to vector<16x1xi32>
        %gather3A_895 = vector.shape_cast %broadcast_in_dim3A_894 : vector<16x1xi32> to vector<16xi32>
        %gather3A_896 = tpu.dynamic_gather %mul3A_739[%gather3A_895] in [0] : vector<16xi32>, vector<16xi32> -> vector<16xi32>
        %add3A_897 = arith.addi %gather3A_896, %iota3A : vector<16xi32>
        %add3A_898 = arith.constant 0 : i32
        %add3A_899 = vector.broadcast %add3A_898 : i32 to vector<16xi32>
        %add3A_900 = arith.addi %add3A_897, %add3A_899 : vector<16xi32>
        %gather3A_901 = tpu.vector_load_idx %arg8[%add3A_900] : memref<4096xf32, #tpu.memory_space<vmem>>[vector<16xi32>], vector<16xf32>,
        %add3A_902 = arith.constant 16 : i32
        %add3A_903 = vector.broadcast %add3A_902 : i32 to vector<16xi32>
        %add3A_904 = arith.addi %add3A_897, %add3A_903 : vector<16xi32>
        %gather3A_905 = tpu.vector_load_idx %arg8[%add3A_904] : memref<4096xf32, #tpu.memory_space<vmem>>[vector<16xi32>], vector<16xf32>,
        %add3A_906 = arith.constant 32 : i32
        %add3A_907 = vector.broadcast %add3A_906 : i32 to vector<16xi32>
        %add3A_908 = arith.addi %add3A_897, %add3A_907 : vector<16xi32>
        %gather3A_909 = tpu.vector_load_idx %arg8[%add3A_908] : memref<4096xf32, #tpu.memory_space<vmem>>[vector<16xi32>], vector<16xf32>,
        %add3A_910 = arith.constant 48 : i32
        %add3A_911 = vector.broadcast %add3A_910 : i32 to vector<16xi32>
        %add3A_912 = arith.addi %add3A_897, %add3A_911 : vector<16xi32>
        %gather3A_913 = tpu.vector_load_idx %arg8[%add3A_912] : memref<4096xf32, #tpu.memory_space<vmem>>[vector<16xi32>], vector<16xf32>,
        %swap3A_914 = arith.index_cast %add3A_857 : i32 to index
        %swap3A_915 = arith.constant 0 : index
        %swap3A_916 = tpu.vector_load %arg10[%swap3A_914, %swap3A_915] {strides = array<i32>} : memref<256x64xf32, #tpu.memory_space<vmem>>, vector<16xf32>,
        tpu.vector_store %arg10[%swap3A_914, %swap3A_915], %gather3A_831 {strides = array<i32>} : memref<256x64xf32, #tpu.memory_space<vmem>>, vector<16xf32>,
        %swap3A_917 = arith.index_cast %add3A_857 : i32 to index
        %swap3A_918 = arith.constant 16 : index
        %swap3A_919 = tpu.vector_load %arg10[%swap3A_917, %swap3A_918] {strides = array<i32>} : memref<256x64xf32, #tpu.memory_space<vmem>>, vector<16xf32>,
        tpu.vector_store %arg10[%swap3A_917, %swap3A_918], %gather3A_835 {strides = array<i32>} : memref<256x64xf32, #tpu.memory_space<vmem>>, vector<16xf32>,
        %swap3A_920 = arith.index_cast %add3A_857 : i32 to index
        %swap3A_921 = arith.constant 32 : index
        %swap3A_922 = tpu.vector_load %arg10[%swap3A_920, %swap3A_921] {strides = array<i32>} : memref<256x64xf32, #tpu.memory_space<vmem>>, vector<16xf32>,
        tpu.vector_store %arg10[%swap3A_920, %swap3A_921], %gather3A_839 {strides = array<i32>} : memref<256x64xf32, #tpu.memory_space<vmem>>, vector<16xf32>,
        %swap3A_923 = arith.index_cast %add3A_857 : i32 to index
        %swap3A_924 = arith.constant 48 : index
        %swap3A_925 = tpu.vector_load %arg10[%swap3A_923, %swap3A_924] {strides = array<i32>} : memref<256x64xf32, #tpu.memory_space<vmem>>, vector<16xf32>,
        tpu.vector_store %arg10[%swap3A_923, %swap3A_924], %gather3A_843 {strides = array<i32>} : memref<256x64xf32, #tpu.memory_space<vmem>>, vector<16xf32>,
        %add3A_926 = arith.constant 5 : i32
        %add3A_927 = arith.addi %mul3A_741, %add3A_926 : i32
        %broadcast_in_dim3A_928 = arith.constant 6 : i32
        %broadcast_in_dim3A_929 = vector.broadcast %broadcast_in_dim3A_928 : i32 to vector<16x1xi32>
        %gather3A_930 = vector.shape_cast %broadcast_in_dim3A_929 : vector<16x1xi32> to vector<16xi32>
        %gather3A_931 = tpu.dynamic_gather %mul3A_739[%gather3A_930] in [0] : vector<16xi32>, vector<16xi32> -> vector<16xi32>
        %add3A_932 = arith.addi %gather3A_931, %iota3A : vector<16xi32>
        %add3A_933 = arith.constant 0 : i32
        %add3A_934 = vector.broadcast %add3A_933 : i32 to vector<16xi32>
        %add3A_935 = arith.addi %add3A_932, %add3A_934 : vector<16xi32>
        %gather3A_936 = tpu.vector_load_idx %arg8[%add3A_935] : memref<4096xf32, #tpu.memory_space<vmem>>[vector<16xi32>], vector<16xf32>,
        %add3A_937 = arith.constant 16 : i32
        %add3A_938 = vector.broadcast %add3A_937 : i32 to vector<16xi32>
        %add3A_939 = arith.addi %add3A_932, %add3A_938 : vector<16xi32>
        %gather3A_940 = tpu.vector_load_idx %arg8[%add3A_939] : memref<4096xf32, #tpu.memory_space<vmem>>[vector<16xi32>], vector<16xf32>,
        %add3A_941 = arith.constant 32 : i32
        %add3A_942 = vector.broadcast %add3A_941 : i32 to vector<16xi32>
        %add3A_943 = arith.addi %add3A_932, %add3A_942 : vector<16xi32>
        %gather3A_944 = tpu.vector_load_idx %arg8[%add3A_943] : memref<4096xf32, #tpu.memory_space<vmem>>[vector<16xi32>], vector<16xf32>,
        %add3A_945 = arith.constant 48 : i32
        %add3A_946 = vector.broadcast %add3A_945 : i32 to vector<16xi32>
        %add3A_947 = arith.addi %add3A_932, %add3A_946 : vector<16xi32>
        %gather3A_948 = tpu.vector_load_idx %arg8[%add3A_947] : memref<4096xf32, #tpu.memory_space<vmem>>[vector<16xi32>], vector<16xf32>,
        %swap3A_949 = arith.index_cast %add3A_892 : i32 to index
        %swap3A_950 = arith.constant 0 : index
        %swap3A_951 = tpu.vector_load %arg10[%swap3A_949, %swap3A_950] {strides = array<i32>} : memref<256x64xf32, #tpu.memory_space<vmem>>, vector<16xf32>,
        tpu.vector_store %arg10[%swap3A_949, %swap3A_950], %gather3A_866 {strides = array<i32>} : memref<256x64xf32, #tpu.memory_space<vmem>>, vector<16xf32>,
        %swap3A_952 = arith.index_cast %add3A_892 : i32 to index
        %swap3A_953 = arith.constant 16 : index
        %swap3A_954 = tpu.vector_load %arg10[%swap3A_952, %swap3A_953] {strides = array<i32>} : memref<256x64xf32, #tpu.memory_space<vmem>>, vector<16xf32>,
        tpu.vector_store %arg10[%swap3A_952, %swap3A_953], %gather3A_870 {strides = array<i32>} : memref<256x64xf32, #tpu.memory_space<vmem>>, vector<16xf32>,
        %swap3A_955 = arith.index_cast %add3A_892 : i32 to index
        %swap3A_956 = arith.constant 32 : index
        %swap3A_957 = tpu.vector_load %arg10[%swap3A_955, %swap3A_956] {strides = array<i32>} : memref<256x64xf32, #tpu.memory_space<vmem>>, vector<16xf32>,
        tpu.vector_store %arg10[%swap3A_955, %swap3A_956], %gather3A_874 {strides = array<i32>} : memref<256x64xf32, #tpu.memory_space<vmem>>, vector<16xf32>,
        %swap3A_958 = arith.index_cast %add3A_892 : i32 to index
        %swap3A_959 = arith.constant 48 : index
        %swap3A_960 = tpu.vector_load %arg10[%swap3A_958, %swap3A_959] {strides = array<i32>} : memref<256x64xf32, #tpu.memory_space<vmem>>, vector<16xf32>,
        tpu.vector_store %arg10[%swap3A_958, %swap3A_959], %gather3A_878 {strides = array<i32>} : memref<256x64xf32, #tpu.memory_space<vmem>>, vector<16xf32>,
        %add3A_961 = arith.constant 6 : i32
        %add3A_962 = arith.addi %mul3A_741, %add3A_961 : i32
        %broadcast_in_dim3A_963 = arith.constant 7 : i32
        %broadcast_in_dim3A_964 = vector.broadcast %broadcast_in_dim3A_963 : i32 to vector<16x1xi32>
        %gather3A_965 = vector.shape_cast %broadcast_in_dim3A_964 : vector<16x1xi32> to vector<16xi32>
        %gather3A_966 = tpu.dynamic_gather %mul3A_739[%gather3A_965] in [0] : vector<16xi32>, vector<16xi32> -> vector<16xi32>
        %add3A_967 = arith.addi %gather3A_966, %iota3A : vector<16xi32>
        %add3A_968 = arith.constant 0 : i32
        %add3A_969 = vector.broadcast %add3A_968 : i32 to vector<16xi32>
        %add3A_970 = arith.addi %add3A_967, %add3A_969 : vector<16xi32>
        %gather3A_971 = tpu.vector_load_idx %arg8[%add3A_970] : memref<4096xf32, #tpu.memory_space<vmem>>[vector<16xi32>], vector<16xf32>,
        %add3A_972 = arith.constant 16 : i32
        %add3A_973 = vector.broadcast %add3A_972 : i32 to vector<16xi32>
        %add3A_974 = arith.addi %add3A_967, %add3A_973 : vector<16xi32>
        %gather3A_975 = tpu.vector_load_idx %arg8[%add3A_974] : memref<4096xf32, #tpu.memory_space<vmem>>[vector<16xi32>], vector<16xf32>,
        %add3A_976 = arith.constant 32 : i32
        %add3A_977 = vector.broadcast %add3A_976 : i32 to vector<16xi32>
        %add3A_978 = arith.addi %add3A_967, %add3A_977 : vector<16xi32>
        %gather3A_979 = tpu.vector_load_idx %arg8[%add3A_978] : memref<4096xf32, #tpu.memory_space<vmem>>[vector<16xi32>], vector<16xf32>,
        %add3A_980 = arith.constant 48 : i32
        %add3A_981 = vector.broadcast %add3A_980 : i32 to vector<16xi32>
        %add3A_982 = arith.addi %add3A_967, %add3A_981 : vector<16xi32>
        %gather3A_983 = tpu.vector_load_idx %arg8[%add3A_982] : memref<4096xf32, #tpu.memory_space<vmem>>[vector<16xi32>], vector<16xf32>,
        %swap3A_984 = arith.index_cast %add3A_927 : i32 to index
        %swap3A_985 = arith.constant 0 : index
        %swap3A_986 = tpu.vector_load %arg10[%swap3A_984, %swap3A_985] {strides = array<i32>} : memref<256x64xf32, #tpu.memory_space<vmem>>, vector<16xf32>,
        tpu.vector_store %arg10[%swap3A_984, %swap3A_985], %gather3A_901 {strides = array<i32>} : memref<256x64xf32, #tpu.memory_space<vmem>>, vector<16xf32>,
        %swap3A_987 = arith.index_cast %add3A_927 : i32 to index
        %swap3A_988 = arith.constant 16 : index
        %swap3A_989 = tpu.vector_load %arg10[%swap3A_987, %swap3A_988] {strides = array<i32>} : memref<256x64xf32, #tpu.memory_space<vmem>>, vector<16xf32>,
        tpu.vector_store %arg10[%swap3A_987, %swap3A_988], %gather3A_905 {strides = array<i32>} : memref<256x64xf32, #tpu.memory_space<vmem>>, vector<16xf32>,
        %swap3A_990 = arith.index_cast %add3A_927 : i32 to index
        %swap3A_991 = arith.constant 32 : index
        %swap3A_992 = tpu.vector_load %arg10[%swap3A_990, %swap3A_991] {strides = array<i32>} : memref<256x64xf32, #tpu.memory_space<vmem>>, vector<16xf32>,
        tpu.vector_store %arg10[%swap3A_990, %swap3A_991], %gather3A_909 {strides = array<i32>} : memref<256x64xf32, #tpu.memory_space<vmem>>, vector<16xf32>,
        %swap3A_993 = arith.index_cast %add3A_927 : i32 to index
        %swap3A_994 = arith.constant 48 : index
        %swap3A_995 = tpu.vector_load %arg10[%swap3A_993, %swap3A_994] {strides = array<i32>} : memref<256x64xf32, #tpu.memory_space<vmem>>, vector<16xf32>,
        tpu.vector_store %arg10[%swap3A_993, %swap3A_994], %gather3A_913 {strides = array<i32>} : memref<256x64xf32, #tpu.memory_space<vmem>>, vector<16xf32>,
        %add3A_996 = arith.constant 7 : i32
        %add3A_997 = arith.addi %mul3A_741, %add3A_996 : i32
        %broadcast_in_dim3A_998 = arith.constant 8 : i32
        %broadcast_in_dim3A_999 = vector.broadcast %broadcast_in_dim3A_998 : i32 to vector<16x1xi32>
        %gather3A_1000 = vector.shape_cast %broadcast_in_dim3A_999 : vector<16x1xi32> to vector<16xi32>
        %gather3A_1001 = tpu.dynamic_gather %mul3A_739[%gather3A_1000] in [0] : vector<16xi32>, vector<16xi32> -> vector<16xi32>
        %add3A_1002 = arith.addi %gather3A_1001, %iota3A : vector<16xi32>
        %add3A_1003 = arith.constant 0 : i32
        %add3A_1004 = vector.broadcast %add3A_1003 : i32 to vector<16xi32>
        %add3A_1005 = arith.addi %add3A_1002, %add3A_1004 : vector<16xi32>
        %gather3A_1006 = tpu.vector_load_idx %arg8[%add3A_1005] : memref<4096xf32, #tpu.memory_space<vmem>>[vector<16xi32>], vector<16xf32>,
        %add3A_1007 = arith.constant 16 : i32
        %add3A_1008 = vector.broadcast %add3A_1007 : i32 to vector<16xi32>
        %add3A_1009 = arith.addi %add3A_1002, %add3A_1008 : vector<16xi32>
        %gather3A_1010 = tpu.vector_load_idx %arg8[%add3A_1009] : memref<4096xf32, #tpu.memory_space<vmem>>[vector<16xi32>], vector<16xf32>,
        %add3A_1011 = arith.constant 32 : i32
        %add3A_1012 = vector.broadcast %add3A_1011 : i32 to vector<16xi32>
        %add3A_1013 = arith.addi %add3A_1002, %add3A_1012 : vector<16xi32>
        %gather3A_1014 = tpu.vector_load_idx %arg8[%add3A_1013] : memref<4096xf32, #tpu.memory_space<vmem>>[vector<16xi32>], vector<16xf32>,
        %add3A_1015 = arith.constant 48 : i32
        %add3A_1016 = vector.broadcast %add3A_1015 : i32 to vector<16xi32>
        %add3A_1017 = arith.addi %add3A_1002, %add3A_1016 : vector<16xi32>
        %gather3A_1018 = tpu.vector_load_idx %arg8[%add3A_1017] : memref<4096xf32, #tpu.memory_space<vmem>>[vector<16xi32>], vector<16xf32>,
        %swap3A_1019 = arith.index_cast %add3A_962 : i32 to index
        %swap3A_1020 = arith.constant 0 : index
        %swap3A_1021 = tpu.vector_load %arg10[%swap3A_1019, %swap3A_1020] {strides = array<i32>} : memref<256x64xf32, #tpu.memory_space<vmem>>, vector<16xf32>,
        tpu.vector_store %arg10[%swap3A_1019, %swap3A_1020], %gather3A_936 {strides = array<i32>} : memref<256x64xf32, #tpu.memory_space<vmem>>, vector<16xf32>,
        %swap3A_1022 = arith.index_cast %add3A_962 : i32 to index
        %swap3A_1023 = arith.constant 16 : index
        %swap3A_1024 = tpu.vector_load %arg10[%swap3A_1022, %swap3A_1023] {strides = array<i32>} : memref<256x64xf32, #tpu.memory_space<vmem>>, vector<16xf32>,
        tpu.vector_store %arg10[%swap3A_1022, %swap3A_1023], %gather3A_940 {strides = array<i32>} : memref<256x64xf32, #tpu.memory_space<vmem>>, vector<16xf32>,
        %swap3A_1025 = arith.index_cast %add3A_962 : i32 to index
        %swap3A_1026 = arith.constant 32 : index
        %swap3A_1027 = tpu.vector_load %arg10[%swap3A_1025, %swap3A_1026] {strides = array<i32>} : memref<256x64xf32, #tpu.memory_space<vmem>>, vector<16xf32>,
        tpu.vector_store %arg10[%swap3A_1025, %swap3A_1026], %gather3A_944 {strides = array<i32>} : memref<256x64xf32, #tpu.memory_space<vmem>>, vector<16xf32>,
        %swap3A_1028 = arith.index_cast %add3A_962 : i32 to index
        %swap3A_1029 = arith.constant 48 : index
        %swap3A_1030 = tpu.vector_load %arg10[%swap3A_1028, %swap3A_1029] {strides = array<i32>} : memref<256x64xf32, #tpu.memory_space<vmem>>, vector<16xf32>,
        tpu.vector_store %arg10[%swap3A_1028, %swap3A_1029], %gather3A_948 {strides = array<i32>} : memref<256x64xf32, #tpu.memory_space<vmem>>, vector<16xf32>,
        %add3A_1031 = arith.constant 8 : i32
        %add3A_1032 = arith.addi %mul3A_741, %add3A_1031 : i32
        %broadcast_in_dim3A_1033 = arith.constant 9 : i32
        %broadcast_in_dim3A_1034 = vector.broadcast %broadcast_in_dim3A_1033 : i32 to vector<16x1xi32>
        %gather3A_1035 = vector.shape_cast %broadcast_in_dim3A_1034 : vector<16x1xi32> to vector<16xi32>
        %gather3A_1036 = tpu.dynamic_gather %mul3A_739[%gather3A_1035] in [0] : vector<16xi32>, vector<16xi32> -> vector<16xi32>
        %add3A_1037 = arith.addi %gather3A_1036, %iota3A : vector<16xi32>
        %add3A_1038 = arith.constant 0 : i32
        %add3A_1039 = vector.broadcast %add3A_1038 : i32 to vector<16xi32>
        %add3A_1040 = arith.addi %add3A_1037, %add3A_1039 : vector<16xi32>
        %gather3A_1041 = tpu.vector_load_idx %arg8[%add3A_1040] : memref<4096xf32, #tpu.memory_space<vmem>>[vector<16xi32>], vector<16xf32>,
        %add3A_1042 = arith.constant 16 : i32
        %add3A_1043 = vector.broadcast %add3A_1042 : i32 to vector<16xi32>
        %add3A_1044 = arith.addi %add3A_1037, %add3A_1043 : vector<16xi32>
        %gather3A_1045 = tpu.vector_load_idx %arg8[%add3A_1044] : memref<4096xf32, #tpu.memory_space<vmem>>[vector<16xi32>], vector<16xf32>,
        %add3A_1046 = arith.constant 32 : i32
        %add3A_1047 = vector.broadcast %add3A_1046 : i32 to vector<16xi32>
        %add3A_1048 = arith.addi %add3A_1037, %add3A_1047 : vector<16xi32>
        %gather3A_1049 = tpu.vector_load_idx %arg8[%add3A_1048] : memref<4096xf32, #tpu.memory_space<vmem>>[vector<16xi32>], vector<16xf32>,
        %add3A_1050 = arith.constant 48 : i32
        %add3A_1051 = vector.broadcast %add3A_1050 : i32 to vector<16xi32>
        %add3A_1052 = arith.addi %add3A_1037, %add3A_1051 : vector<16xi32>
        %gather3A_1053 = tpu.vector_load_idx %arg8[%add3A_1052] : memref<4096xf32, #tpu.memory_space<vmem>>[vector<16xi32>], vector<16xf32>,
        %swap3A_1054 = arith.index_cast %add3A_997 : i32 to index
        %swap3A_1055 = arith.constant 0 : index
        %swap3A_1056 = tpu.vector_load %arg10[%swap3A_1054, %swap3A_1055] {strides = array<i32>} : memref<256x64xf32, #tpu.memory_space<vmem>>, vector<16xf32>,
        tpu.vector_store %arg10[%swap3A_1054, %swap3A_1055], %gather3A_971 {strides = array<i32>} : memref<256x64xf32, #tpu.memory_space<vmem>>, vector<16xf32>,
        %swap3A_1057 = arith.index_cast %add3A_997 : i32 to index
        %swap3A_1058 = arith.constant 16 : index
        %swap3A_1059 = tpu.vector_load %arg10[%swap3A_1057, %swap3A_1058] {strides = array<i32>} : memref<256x64xf32, #tpu.memory_space<vmem>>, vector<16xf32>,
        tpu.vector_store %arg10[%swap3A_1057, %swap3A_1058], %gather3A_975 {strides = array<i32>} : memref<256x64xf32, #tpu.memory_space<vmem>>, vector<16xf32>,
        %swap3A_1060 = arith.index_cast %add3A_997 : i32 to index
        %swap3A_1061 = arith.constant 32 : index
        %swap3A_1062 = tpu.vector_load %arg10[%swap3A_1060, %swap3A_1061] {strides = array<i32>} : memref<256x64xf32, #tpu.memory_space<vmem>>, vector<16xf32>,
        tpu.vector_store %arg10[%swap3A_1060, %swap3A_1061], %gather3A_979 {strides = array<i32>} : memref<256x64xf32, #tpu.memory_space<vmem>>, vector<16xf32>,
        %swap3A_1063 = arith.index_cast %add3A_997 : i32 to index
        %swap3A_1064 = arith.constant 48 : index
        %swap3A_1065 = tpu.vector_load %arg10[%swap3A_1063, %swap3A_1064] {strides = array<i32>} : memref<256x64xf32, #tpu.memory_space<vmem>>, vector<16xf32>,
        tpu.vector_store %arg10[%swap3A_1063, %swap3A_1064], %gather3A_983 {strides = array<i32>} : memref<256x64xf32, #tpu.memory_space<vmem>>, vector<16xf32>,
        %add3A_1066 = arith.constant 9 : i32
        %add3A_1067 = arith.addi %mul3A_741, %add3A_1066 : i32
        %broadcast_in_dim3A_1068 = arith.constant 10 : i32
        %broadcast_in_dim3A_1069 = vector.broadcast %broadcast_in_dim3A_1068 : i32 to vector<16x1xi32>
        %gather3A_1070 = vector.shape_cast %broadcast_in_dim3A_1069 : vector<16x1xi32> to vector<16xi32>
        %gather3A_1071 = tpu.dynamic_gather %mul3A_739[%gather3A_1070] in [0] : vector<16xi32>, vector<16xi32> -> vector<16xi32>
        %add3A_1072 = arith.addi %gather3A_1071, %iota3A : vector<16xi32>
        %add3A_1073 = arith.constant 0 : i32
        %add3A_1074 = vector.broadcast %add3A_1073 : i32 to vector<16xi32>
        %add3A_1075 = arith.addi %add3A_1072, %add3A_1074 : vector<16xi32>
        %gather3A_1076 = tpu.vector_load_idx %arg8[%add3A_1075] : memref<4096xf32, #tpu.memory_space<vmem>>[vector<16xi32>], vector<16xf32>,
        %add3A_1077 = arith.constant 16 : i32
        %add3A_1078 = vector.broadcast %add3A_1077 : i32 to vector<16xi32>
        %add3A_1079 = arith.addi %add3A_1072, %add3A_1078 : vector<16xi32>
        %gather3A_1080 = tpu.vector_load_idx %arg8[%add3A_1079] : memref<4096xf32, #tpu.memory_space<vmem>>[vector<16xi32>], vector<16xf32>,
        %add3A_1081 = arith.constant 32 : i32
        %add3A_1082 = vector.broadcast %add3A_1081 : i32 to vector<16xi32>
        %add3A_1083 = arith.addi %add3A_1072, %add3A_1082 : vector<16xi32>
        %gather3A_1084 = tpu.vector_load_idx %arg8[%add3A_1083] : memref<4096xf32, #tpu.memory_space<vmem>>[vector<16xi32>], vector<16xf32>,
        %add3A_1085 = arith.constant 48 : i32
        %add3A_1086 = vector.broadcast %add3A_1085 : i32 to vector<16xi32>
        %add3A_1087 = arith.addi %add3A_1072, %add3A_1086 : vector<16xi32>
        %gather3A_1088 = tpu.vector_load_idx %arg8[%add3A_1087] : memref<4096xf32, #tpu.memory_space<vmem>>[vector<16xi32>], vector<16xf32>,
        %swap3A_1089 = arith.index_cast %add3A_1032 : i32 to index
        %swap3A_1090 = arith.constant 0 : index
        %swap3A_1091 = tpu.vector_load %arg10[%swap3A_1089, %swap3A_1090] {strides = array<i32>} : memref<256x64xf32, #tpu.memory_space<vmem>>, vector<16xf32>,
        tpu.vector_store %arg10[%swap3A_1089, %swap3A_1090], %gather3A_1006 {strides = array<i32>} : memref<256x64xf32, #tpu.memory_space<vmem>>, vector<16xf32>,
        %swap3A_1092 = arith.index_cast %add3A_1032 : i32 to index
        %swap3A_1093 = arith.constant 16 : index
        %swap3A_1094 = tpu.vector_load %arg10[%swap3A_1092, %swap3A_1093] {strides = array<i32>} : memref<256x64xf32, #tpu.memory_space<vmem>>, vector<16xf32>,
        tpu.vector_store %arg10[%swap3A_1092, %swap3A_1093], %gather3A_1010 {strides = array<i32>} : memref<256x64xf32, #tpu.memory_space<vmem>>, vector<16xf32>,
        %swap3A_1095 = arith.index_cast %add3A_1032 : i32 to index
        %swap3A_1096 = arith.constant 32 : index
        %swap3A_1097 = tpu.vector_load %arg10[%swap3A_1095, %swap3A_1096] {strides = array<i32>} : memref<256x64xf32, #tpu.memory_space<vmem>>, vector<16xf32>,
        tpu.vector_store %arg10[%swap3A_1095, %swap3A_1096], %gather3A_1014 {strides = array<i32>} : memref<256x64xf32, #tpu.memory_space<vmem>>, vector<16xf32>,
        %swap3A_1098 = arith.index_cast %add3A_1032 : i32 to index
        %swap3A_1099 = arith.constant 48 : index
        %swap3A_1100 = tpu.vector_load %arg10[%swap3A_1098, %swap3A_1099] {strides = array<i32>} : memref<256x64xf32, #tpu.memory_space<vmem>>, vector<16xf32>,
        tpu.vector_store %arg10[%swap3A_1098, %swap3A_1099], %gather3A_1018 {strides = array<i32>} : memref<256x64xf32, #tpu.memory_space<vmem>>, vector<16xf32>,
        %add3A_1101 = arith.constant 10 : i32
        %add3A_1102 = arith.addi %mul3A_741, %add3A_1101 : i32
        %broadcast_in_dim3A_1103 = arith.constant 11 : i32
        %broadcast_in_dim3A_1104 = vector.broadcast %broadcast_in_dim3A_1103 : i32 to vector<16x1xi32>
        %gather3A_1105 = vector.shape_cast %broadcast_in_dim3A_1104 : vector<16x1xi32> to vector<16xi32>
        %gather3A_1106 = tpu.dynamic_gather %mul3A_739[%gather3A_1105] in [0] : vector<16xi32>, vector<16xi32> -> vector<16xi32>
        %add3A_1107 = arith.addi %gather3A_1106, %iota3A : vector<16xi32>
        %add3A_1108 = arith.constant 0 : i32
        %add3A_1109 = vector.broadcast %add3A_1108 : i32 to vector<16xi32>
        %add3A_1110 = arith.addi %add3A_1107, %add3A_1109 : vector<16xi32>
        %gather3A_1111 = tpu.vector_load_idx %arg8[%add3A_1110] : memref<4096xf32, #tpu.memory_space<vmem>>[vector<16xi32>], vector<16xf32>,
        %add3A_1112 = arith.constant 16 : i32
        %add3A_1113 = vector.broadcast %add3A_1112 : i32 to vector<16xi32>
        %add3A_1114 = arith.addi %add3A_1107, %add3A_1113 : vector<16xi32>
        %gather3A_1115 = tpu.vector_load_idx %arg8[%add3A_1114] : memref<4096xf32, #tpu.memory_space<vmem>>[vector<16xi32>], vector<16xf32>,
        %add3A_1116 = arith.constant 32 : i32
        %add3A_1117 = vector.broadcast %add3A_1116 : i32 to vector<16xi32>
        %add3A_1118 = arith.addi %add3A_1107, %add3A_1117 : vector<16xi32>
        %gather3A_1119 = tpu.vector_load_idx %arg8[%add3A_1118] : memref<4096xf32, #tpu.memory_space<vmem>>[vector<16xi32>], vector<16xf32>,
        %add3A_1120 = arith.constant 48 : i32
        %add3A_1121 = vector.broadcast %add3A_1120 : i32 to vector<16xi32>
        %add3A_1122 = arith.addi %add3A_1107, %add3A_1121 : vector<16xi32>
        %gather3A_1123 = tpu.vector_load_idx %arg8[%add3A_1122] : memref<4096xf32, #tpu.memory_space<vmem>>[vector<16xi32>], vector<16xf32>,
        %swap3A_1124 = arith.index_cast %add3A_1067 : i32 to index
        %swap3A_1125 = arith.constant 0 : index
        %swap3A_1126 = tpu.vector_load %arg10[%swap3A_1124, %swap3A_1125] {strides = array<i32>} : memref<256x64xf32, #tpu.memory_space<vmem>>, vector<16xf32>,
        tpu.vector_store %arg10[%swap3A_1124, %swap3A_1125], %gather3A_1041 {strides = array<i32>} : memref<256x64xf32, #tpu.memory_space<vmem>>, vector<16xf32>,
        %swap3A_1127 = arith.index_cast %add3A_1067 : i32 to index
        %swap3A_1128 = arith.constant 16 : index
        %swap3A_1129 = tpu.vector_load %arg10[%swap3A_1127, %swap3A_1128] {strides = array<i32>} : memref<256x64xf32, #tpu.memory_space<vmem>>, vector<16xf32>,
        tpu.vector_store %arg10[%swap3A_1127, %swap3A_1128], %gather3A_1045 {strides = array<i32>} : memref<256x64xf32, #tpu.memory_space<vmem>>, vector<16xf32>,
        %swap3A_1130 = arith.index_cast %add3A_1067 : i32 to index
        %swap3A_1131 = arith.constant 32 : index
        %swap3A_1132 = tpu.vector_load %arg10[%swap3A_1130, %swap3A_1131] {strides = array<i32>} : memref<256x64xf32, #tpu.memory_space<vmem>>, vector<16xf32>,
        tpu.vector_store %arg10[%swap3A_1130, %swap3A_1131], %gather3A_1049 {strides = array<i32>} : memref<256x64xf32, #tpu.memory_space<vmem>>, vector<16xf32>,
        %swap3A_1133 = arith.index_cast %add3A_1067 : i32 to index
        %swap3A_1134 = arith.constant 48 : index
        %swap3A_1135 = tpu.vector_load %arg10[%swap3A_1133, %swap3A_1134] {strides = array<i32>} : memref<256x64xf32, #tpu.memory_space<vmem>>, vector<16xf32>,
        tpu.vector_store %arg10[%swap3A_1133, %swap3A_1134], %gather3A_1053 {strides = array<i32>} : memref<256x64xf32, #tpu.memory_space<vmem>>, vector<16xf32>,
        %add3A_1136 = arith.constant 11 : i32
        %add3A_1137 = arith.addi %mul3A_741, %add3A_1136 : i32
        %broadcast_in_dim3A_1138 = arith.constant 12 : i32
        %broadcast_in_dim3A_1139 = vector.broadcast %broadcast_in_dim3A_1138 : i32 to vector<16x1xi32>
        %gather3A_1140 = vector.shape_cast %broadcast_in_dim3A_1139 : vector<16x1xi32> to vector<16xi32>
        %gather3A_1141 = tpu.dynamic_gather %mul3A_739[%gather3A_1140] in [0] : vector<16xi32>, vector<16xi32> -> vector<16xi32>
        %add3A_1142 = arith.addi %gather3A_1141, %iota3A : vector<16xi32>
        %add3A_1143 = arith.constant 0 : i32
        %add3A_1144 = vector.broadcast %add3A_1143 : i32 to vector<16xi32>
        %add3A_1145 = arith.addi %add3A_1142, %add3A_1144 : vector<16xi32>
        %gather3A_1146 = tpu.vector_load_idx %arg8[%add3A_1145] : memref<4096xf32, #tpu.memory_space<vmem>>[vector<16xi32>], vector<16xf32>,
        %add3A_1147 = arith.constant 16 : i32
        %add3A_1148 = vector.broadcast %add3A_1147 : i32 to vector<16xi32>
        %add3A_1149 = arith.addi %add3A_1142, %add3A_1148 : vector<16xi32>
        %gather3A_1150 = tpu.vector_load_idx %arg8[%add3A_1149] : memref<4096xf32, #tpu.memory_space<vmem>>[vector<16xi32>], vector<16xf32>,
        %add3A_1151 = arith.constant 32 : i32
        %add3A_1152 = vector.broadcast %add3A_1151 : i32 to vector<16xi32>
        %add3A_1153 = arith.addi %add3A_1142, %add3A_1152 : vector<16xi32>
        %gather3A_1154 = tpu.vector_load_idx %arg8[%add3A_1153] : memref<4096xf32, #tpu.memory_space<vmem>>[vector<16xi32>], vector<16xf32>,
        %add3A_1155 = arith.constant 48 : i32
        %add3A_1156 = vector.broadcast %add3A_1155 : i32 to vector<16xi32>
        %add3A_1157 = arith.addi %add3A_1142, %add3A_1156 : vector<16xi32>
        %gather3A_1158 = tpu.vector_load_idx %arg8[%add3A_1157] : memref<4096xf32, #tpu.memory_space<vmem>>[vector<16xi32>], vector<16xf32>,
        %swap3A_1159 = arith.index_cast %add3A_1102 : i32 to index
        %swap3A_1160 = arith.constant 0 : index
        %swap3A_1161 = tpu.vector_load %arg10[%swap3A_1159, %swap3A_1160] {strides = array<i32>} : memref<256x64xf32, #tpu.memory_space<vmem>>, vector<16xf32>,
        tpu.vector_store %arg10[%swap3A_1159, %swap3A_1160], %gather3A_1076 {strides = array<i32>} : memref<256x64xf32, #tpu.memory_space<vmem>>, vector<16xf32>,
        %swap3A_1162 = arith.index_cast %add3A_1102 : i32 to index
        %swap3A_1163 = arith.constant 16 : index
        %swap3A_1164 = tpu.vector_load %arg10[%swap3A_1162, %swap3A_1163] {strides = array<i32>} : memref<256x64xf32, #tpu.memory_space<vmem>>, vector<16xf32>,
        tpu.vector_store %arg10[%swap3A_1162, %swap3A_1163], %gather3A_1080 {strides = array<i32>} : memref<256x64xf32, #tpu.memory_space<vmem>>, vector<16xf32>,
        %swap3A_1165 = arith.index_cast %add3A_1102 : i32 to index
        %swap3A_1166 = arith.constant 32 : index
        %swap3A_1167 = tpu.vector_load %arg10[%swap3A_1165, %swap3A_1166] {strides = array<i32>} : memref<256x64xf32, #tpu.memory_space<vmem>>, vector<16xf32>,
        tpu.vector_store %arg10[%swap3A_1165, %swap3A_1166], %gather3A_1084 {strides = array<i32>} : memref<256x64xf32, #tpu.memory_space<vmem>>, vector<16xf32>,
        %swap3A_1168 = arith.index_cast %add3A_1102 : i32 to index
        %swap3A_1169 = arith.constant 48 : index
        %swap3A_1170 = tpu.vector_load %arg10[%swap3A_1168, %swap3A_1169] {strides = array<i32>} : memref<256x64xf32, #tpu.memory_space<vmem>>, vector<16xf32>,
        tpu.vector_store %arg10[%swap3A_1168, %swap3A_1169], %gather3A_1088 {strides = array<i32>} : memref<256x64xf32, #tpu.memory_space<vmem>>, vector<16xf32>,
        %add3A_1171 = arith.constant 12 : i32
        %add3A_1172 = arith.addi %mul3A_741, %add3A_1171 : i32
        %broadcast_in_dim3A_1173 = arith.constant 13 : i32
        %broadcast_in_dim3A_1174 = vector.broadcast %broadcast_in_dim3A_1173 : i32 to vector<16x1xi32>
        %gather3A_1175 = vector.shape_cast %broadcast_in_dim3A_1174 : vector<16x1xi32> to vector<16xi32>
        %gather3A_1176 = tpu.dynamic_gather %mul3A_739[%gather3A_1175] in [0] : vector<16xi32>, vector<16xi32> -> vector<16xi32>
        %add3A_1177 = arith.addi %gather3A_1176, %iota3A : vector<16xi32>
        %add3A_1178 = arith.constant 0 : i32
        %add3A_1179 = vector.broadcast %add3A_1178 : i32 to vector<16xi32>
        %add3A_1180 = arith.addi %add3A_1177, %add3A_1179 : vector<16xi32>
        %gather3A_1181 = tpu.vector_load_idx %arg8[%add3A_1180] : memref<4096xf32, #tpu.memory_space<vmem>>[vector<16xi32>], vector<16xf32>,
        %add3A_1182 = arith.constant 16 : i32
        %add3A_1183 = vector.broadcast %add3A_1182 : i32 to vector<16xi32>
        %add3A_1184 = arith.addi %add3A_1177, %add3A_1183 : vector<16xi32>
        %gather3A_1185 = tpu.vector_load_idx %arg8[%add3A_1184] : memref<4096xf32, #tpu.memory_space<vmem>>[vector<16xi32>], vector<16xf32>,
        %add3A_1186 = arith.constant 32 : i32
        %add3A_1187 = vector.broadcast %add3A_1186 : i32 to vector<16xi32>
        %add3A_1188 = arith.addi %add3A_1177, %add3A_1187 : vector<16xi32>
        %gather3A_1189 = tpu.vector_load_idx %arg8[%add3A_1188] : memref<4096xf32, #tpu.memory_space<vmem>>[vector<16xi32>], vector<16xf32>,
        %add3A_1190 = arith.constant 48 : i32
        %add3A_1191 = vector.broadcast %add3A_1190 : i32 to vector<16xi32>
        %add3A_1192 = arith.addi %add3A_1177, %add3A_1191 : vector<16xi32>
        %gather3A_1193 = tpu.vector_load_idx %arg8[%add3A_1192] : memref<4096xf32, #tpu.memory_space<vmem>>[vector<16xi32>], vector<16xf32>,
        %swap3A_1194 = arith.index_cast %add3A_1137 : i32 to index
        %swap3A_1195 = arith.constant 0 : index
        %swap3A_1196 = tpu.vector_load %arg10[%swap3A_1194, %swap3A_1195] {strides = array<i32>} : memref<256x64xf32, #tpu.memory_space<vmem>>, vector<16xf32>,
        tpu.vector_store %arg10[%swap3A_1194, %swap3A_1195], %gather3A_1111 {strides = array<i32>} : memref<256x64xf32, #tpu.memory_space<vmem>>, vector<16xf32>,
        %swap3A_1197 = arith.index_cast %add3A_1137 : i32 to index
        %swap3A_1198 = arith.constant 16 : index
        %swap3A_1199 = tpu.vector_load %arg10[%swap3A_1197, %swap3A_1198] {strides = array<i32>} : memref<256x64xf32, #tpu.memory_space<vmem>>, vector<16xf32>,
        tpu.vector_store %arg10[%swap3A_1197, %swap3A_1198], %gather3A_1115 {strides = array<i32>} : memref<256x64xf32, #tpu.memory_space<vmem>>, vector<16xf32>,
        %swap3A_1200 = arith.index_cast %add3A_1137 : i32 to index
        %swap3A_1201 = arith.constant 32 : index
        %swap3A_1202 = tpu.vector_load %arg10[%swap3A_1200, %swap3A_1201] {strides = array<i32>} : memref<256x64xf32, #tpu.memory_space<vmem>>, vector<16xf32>,
        tpu.vector_store %arg10[%swap3A_1200, %swap3A_1201], %gather3A_1119 {strides = array<i32>} : memref<256x64xf32, #tpu.memory_space<vmem>>, vector<16xf32>,
        %swap3A_1203 = arith.index_cast %add3A_1137 : i32 to index
        %swap3A_1204 = arith.constant 48 : index
        %swap3A_1205 = tpu.vector_load %arg10[%swap3A_1203, %swap3A_1204] {strides = array<i32>} : memref<256x64xf32, #tpu.memory_space<vmem>>, vector<16xf32>,
        tpu.vector_store %arg10[%swap3A_1203, %swap3A_1204], %gather3A_1123 {strides = array<i32>} : memref<256x64xf32, #tpu.memory_space<vmem>>, vector<16xf32>,
        %add3A_1206 = arith.constant 13 : i32
        %add3A_1207 = arith.addi %mul3A_741, %add3A_1206 : i32
        %broadcast_in_dim3A_1208 = arith.constant 14 : i32
        %broadcast_in_dim3A_1209 = vector.broadcast %broadcast_in_dim3A_1208 : i32 to vector<16x1xi32>
        %gather3A_1210 = vector.shape_cast %broadcast_in_dim3A_1209 : vector<16x1xi32> to vector<16xi32>
        %gather3A_1211 = tpu.dynamic_gather %mul3A_739[%gather3A_1210] in [0] : vector<16xi32>, vector<16xi32> -> vector<16xi32>
        %add3A_1212 = arith.addi %gather3A_1211, %iota3A : vector<16xi32>
        %add3A_1213 = arith.constant 0 : i32
        %add3A_1214 = vector.broadcast %add3A_1213 : i32 to vector<16xi32>
        %add3A_1215 = arith.addi %add3A_1212, %add3A_1214 : vector<16xi32>
        %gather3A_1216 = tpu.vector_load_idx %arg8[%add3A_1215] : memref<4096xf32, #tpu.memory_space<vmem>>[vector<16xi32>], vector<16xf32>,
        %add3A_1217 = arith.constant 16 : i32
        %add3A_1218 = vector.broadcast %add3A_1217 : i32 to vector<16xi32>
        %add3A_1219 = arith.addi %add3A_1212, %add3A_1218 : vector<16xi32>
        %gather3A_1220 = tpu.vector_load_idx %arg8[%add3A_1219] : memref<4096xf32, #tpu.memory_space<vmem>>[vector<16xi32>], vector<16xf32>,
        %add3A_1221 = arith.constant 32 : i32
        %add3A_1222 = vector.broadcast %add3A_1221 : i32 to vector<16xi32>
        %add3A_1223 = arith.addi %add3A_1212, %add3A_1222 : vector<16xi32>
        %gather3A_1224 = tpu.vector_load_idx %arg8[%add3A_1223] : memref<4096xf32, #tpu.memory_space<vmem>>[vector<16xi32>], vector<16xf32>,
        %add3A_1225 = arith.constant 48 : i32
        %add3A_1226 = vector.broadcast %add3A_1225 : i32 to vector<16xi32>
        %add3A_1227 = arith.addi %add3A_1212, %add3A_1226 : vector<16xi32>
        %gather3A_1228 = tpu.vector_load_idx %arg8[%add3A_1227] : memref<4096xf32, #tpu.memory_space<vmem>>[vector<16xi32>], vector<16xf32>,
        %swap3A_1229 = arith.index_cast %add3A_1172 : i32 to index
        %swap3A_1230 = arith.constant 0 : index
        %swap3A_1231 = tpu.vector_load %arg10[%swap3A_1229, %swap3A_1230] {strides = array<i32>} : memref<256x64xf32, #tpu.memory_space<vmem>>, vector<16xf32>,
        tpu.vector_store %arg10[%swap3A_1229, %swap3A_1230], %gather3A_1146 {strides = array<i32>} : memref<256x64xf32, #tpu.memory_space<vmem>>, vector<16xf32>,
        %swap3A_1232 = arith.index_cast %add3A_1172 : i32 to index
        %swap3A_1233 = arith.constant 16 : index
        %swap3A_1234 = tpu.vector_load %arg10[%swap3A_1232, %swap3A_1233] {strides = array<i32>} : memref<256x64xf32, #tpu.memory_space<vmem>>, vector<16xf32>,
        tpu.vector_store %arg10[%swap3A_1232, %swap3A_1233], %gather3A_1150 {strides = array<i32>} : memref<256x64xf32, #tpu.memory_space<vmem>>, vector<16xf32>,
        %swap3A_1235 = arith.index_cast %add3A_1172 : i32 to index
        %swap3A_1236 = arith.constant 32 : index
        %swap3A_1237 = tpu.vector_load %arg10[%swap3A_1235, %swap3A_1236] {strides = array<i32>} : memref<256x64xf32, #tpu.memory_space<vmem>>, vector<16xf32>,
        tpu.vector_store %arg10[%swap3A_1235, %swap3A_1236], %gather3A_1154 {strides = array<i32>} : memref<256x64xf32, #tpu.memory_space<vmem>>, vector<16xf32>,
        %swap3A_1238 = arith.index_cast %add3A_1172 : i32 to index
        %swap3A_1239 = arith.constant 48 : index
        %swap3A_1240 = tpu.vector_load %arg10[%swap3A_1238, %swap3A_1239] {strides = array<i32>} : memref<256x64xf32, #tpu.memory_space<vmem>>, vector<16xf32>,
        tpu.vector_store %arg10[%swap3A_1238, %swap3A_1239], %gather3A_1158 {strides = array<i32>} : memref<256x64xf32, #tpu.memory_space<vmem>>, vector<16xf32>,
        %add3A_1241 = arith.constant 14 : i32
        %add3A_1242 = arith.addi %mul3A_741, %add3A_1241 : i32
        %broadcast_in_dim3A_1243 = arith.constant 15 : i32
        %broadcast_in_dim3A_1244 = vector.broadcast %broadcast_in_dim3A_1243 : i32 to vector<16x1xi32>
        %gather3A_1245 = vector.shape_cast %broadcast_in_dim3A_1244 : vector<16x1xi32> to vector<16xi32>
        %gather3A_1246 = tpu.dynamic_gather %mul3A_739[%gather3A_1245] in [0] : vector<16xi32>, vector<16xi32> -> vector<16xi32>
        %add3A_1247 = arith.addi %gather3A_1246, %iota3A : vector<16xi32>
        %add3A_1248 = arith.constant 0 : i32
        %add3A_1249 = vector.broadcast %add3A_1248 : i32 to vector<16xi32>
        %add3A_1250 = arith.addi %add3A_1247, %add3A_1249 : vector<16xi32>
        %gather3A_1251 = tpu.vector_load_idx %arg8[%add3A_1250] : memref<4096xf32, #tpu.memory_space<vmem>>[vector<16xi32>], vector<16xf32>,
        %add3A_1252 = arith.constant 16 : i32
        %add3A_1253 = vector.broadcast %add3A_1252 : i32 to vector<16xi32>
        %add3A_1254 = arith.addi %add3A_1247, %add3A_1253 : vector<16xi32>
        %gather3A_1255 = tpu.vector_load_idx %arg8[%add3A_1254] : memref<4096xf32, #tpu.memory_space<vmem>>[vector<16xi32>], vector<16xf32>,
        %add3A_1256 = arith.constant 32 : i32
        %add3A_1257 = vector.broadcast %add3A_1256 : i32 to vector<16xi32>
        %add3A_1258 = arith.addi %add3A_1247, %add3A_1257 : vector<16xi32>
        %gather3A_1259 = tpu.vector_load_idx %arg8[%add3A_1258] : memref<4096xf32, #tpu.memory_space<vmem>>[vector<16xi32>], vector<16xf32>,
        %add3A_1260 = arith.constant 48 : i32
        %add3A_1261 = vector.broadcast %add3A_1260 : i32 to vector<16xi32>
        %add3A_1262 = arith.addi %add3A_1247, %add3A_1261 : vector<16xi32>
        %gather3A_1263 = tpu.vector_load_idx %arg8[%add3A_1262] : memref<4096xf32, #tpu.memory_space<vmem>>[vector<16xi32>], vector<16xf32>,
        %swap3A_1264 = arith.index_cast %add3A_1207 : i32 to index
        %swap3A_1265 = arith.constant 0 : index
        %swap3A_1266 = tpu.vector_load %arg10[%swap3A_1264, %swap3A_1265] {strides = array<i32>} : memref<256x64xf32, #tpu.memory_space<vmem>>, vector<16xf32>,
        tpu.vector_store %arg10[%swap3A_1264, %swap3A_1265], %gather3A_1181 {strides = array<i32>} : memref<256x64xf32, #tpu.memory_space<vmem>>, vector<16xf32>,
        %swap3A_1267 = arith.index_cast %add3A_1207 : i32 to index
        %swap3A_1268 = arith.constant 16 : index
        %swap3A_1269 = tpu.vector_load %arg10[%swap3A_1267, %swap3A_1268] {strides = array<i32>} : memref<256x64xf32, #tpu.memory_space<vmem>>, vector<16xf32>,
        tpu.vector_store %arg10[%swap3A_1267, %swap3A_1268], %gather3A_1185 {strides = array<i32>} : memref<256x64xf32, #tpu.memory_space<vmem>>, vector<16xf32>,
        %swap3A_1270 = arith.index_cast %add3A_1207 : i32 to index
        %swap3A_1271 = arith.constant 32 : index
        %swap3A_1272 = tpu.vector_load %arg10[%swap3A_1270, %swap3A_1271] {strides = array<i32>} : memref<256x64xf32, #tpu.memory_space<vmem>>, vector<16xf32>,
        tpu.vector_store %arg10[%swap3A_1270, %swap3A_1271], %gather3A_1189 {strides = array<i32>} : memref<256x64xf32, #tpu.memory_space<vmem>>, vector<16xf32>,
        %swap3A_1273 = arith.index_cast %add3A_1207 : i32 to index
        %swap3A_1274 = arith.constant 48 : index
        %swap3A_1275 = tpu.vector_load %arg10[%swap3A_1273, %swap3A_1274] {strides = array<i32>} : memref<256x64xf32, #tpu.memory_space<vmem>>, vector<16xf32>,
        tpu.vector_store %arg10[%swap3A_1273, %swap3A_1274], %gather3A_1193 {strides = array<i32>} : memref<256x64xf32, #tpu.memory_space<vmem>>, vector<16xf32>,
        %add3A_1276 = arith.constant 15 : i32
        %add3A_1277 = arith.addi %mul3A_741, %add3A_1276 : i32
        %swap3A_1278 = arith.index_cast %add3A_1242 : i32 to index
        %swap3A_1279 = arith.constant 0 : index
        %swap3A_1280 = tpu.vector_load %arg10[%swap3A_1278, %swap3A_1279] {strides = array<i32>} : memref<256x64xf32, #tpu.memory_space<vmem>>, vector<16xf32>,
        tpu.vector_store %arg10[%swap3A_1278, %swap3A_1279], %gather3A_1216 {strides = array<i32>} : memref<256x64xf32, #tpu.memory_space<vmem>>, vector<16xf32>,
        %swap3A_1281 = arith.index_cast %add3A_1242 : i32 to index
        %swap3A_1282 = arith.constant 16 : index
        %swap3A_1283 = tpu.vector_load %arg10[%swap3A_1281, %swap3A_1282] {strides = array<i32>} : memref<256x64xf32, #tpu.memory_space<vmem>>, vector<16xf32>,
        tpu.vector_store %arg10[%swap3A_1281, %swap3A_1282], %gather3A_1220 {strides = array<i32>} : memref<256x64xf32, #tpu.memory_space<vmem>>, vector<16xf32>,
        %swap3A_1284 = arith.index_cast %add3A_1242 : i32 to index
        %swap3A_1285 = arith.constant 32 : index
        %swap3A_1286 = tpu.vector_load %arg10[%swap3A_1284, %swap3A_1285] {strides = array<i32>} : memref<256x64xf32, #tpu.memory_space<vmem>>, vector<16xf32>,
        tpu.vector_store %arg10[%swap3A_1284, %swap3A_1285], %gather3A_1224 {strides = array<i32>} : memref<256x64xf32, #tpu.memory_space<vmem>>, vector<16xf32>,
        %swap3A_1287 = arith.index_cast %add3A_1242 : i32 to index
        %swap3A_1288 = arith.constant 48 : index
        %swap3A_1289 = tpu.vector_load %arg10[%swap3A_1287, %swap3A_1288] {strides = array<i32>} : memref<256x64xf32, #tpu.memory_space<vmem>>, vector<16xf32>,
        tpu.vector_store %arg10[%swap3A_1287, %swap3A_1288], %gather3A_1228 {strides = array<i32>} : memref<256x64xf32, #tpu.memory_space<vmem>>, vector<16xf32>,
        %swap3A_1290 = arith.index_cast %add3A_1277 : i32 to index
        %swap3A_1291 = arith.constant 0 : index
        %swap3A_1292 = tpu.vector_load %arg10[%swap3A_1290, %swap3A_1291] {strides = array<i32>} : memref<256x64xf32, #tpu.memory_space<vmem>>, vector<16xf32>,
        tpu.vector_store %arg10[%swap3A_1290, %swap3A_1291], %gather3A_1251 {strides = array<i32>} : memref<256x64xf32, #tpu.memory_space<vmem>>, vector<16xf32>,
        %swap3A_1293 = arith.index_cast %add3A_1277 : i32 to index
        %swap3A_1294 = arith.constant 16 : index
        %swap3A_1295 = tpu.vector_load %arg10[%swap3A_1293, %swap3A_1294] {strides = array<i32>} : memref<256x64xf32, #tpu.memory_space<vmem>>, vector<16xf32>,
        tpu.vector_store %arg10[%swap3A_1293, %swap3A_1294], %gather3A_1255 {strides = array<i32>} : memref<256x64xf32, #tpu.memory_space<vmem>>, vector<16xf32>,
        %swap3A_1296 = arith.index_cast %add3A_1277 : i32 to index
        %swap3A_1297 = arith.constant 32 : index
        %swap3A_1298 = tpu.vector_load %arg10[%swap3A_1296, %swap3A_1297] {strides = array<i32>} : memref<256x64xf32, #tpu.memory_space<vmem>>, vector<16xf32>,
        tpu.vector_store %arg10[%swap3A_1296, %swap3A_1297], %gather3A_1259 {strides = array<i32>} : memref<256x64xf32, #tpu.memory_space<vmem>>, vector<16xf32>,
        %swap3A_1299 = arith.index_cast %add3A_1277 : i32 to index
        %swap3A_1300 = arith.constant 48 : index
        %swap3A_1301 = tpu.vector_load %arg10[%swap3A_1299, %swap3A_1300] {strides = array<i32>} : memref<256x64xf32, #tpu.memory_space<vmem>>, vector<16xf32>,
        tpu.vector_store %arg10[%swap3A_1299, %swap3A_1300], %gather3A_1263 {strides = array<i32>} : memref<256x64xf32, #tpu.memory_space<vmem>>, vector<16xf32>,
      }
      %scan3A_54 = arith.constant 16 : i32
      %mul3A_55 = arith.constant 256 : i32
      %mul3A_56 = arith.muli %add3A_41, %mul3A_55 : i32
      %add3A_57 = arith.addi %mul3A_2, %mul3A_56 : i32
      %dma_start3A_58 = arith.constant 0 : i32
      %dma_start3A_59 = tpu.memref_slice %arg5[%add3A_57, %dma_start3A_58] : memref<819200x64xf32, #tpu.memory_space<hbm>> -> memref<256x64xf32, #tpu.memory_space<hbm>>
      %dma_start3A_60 = arith.constant 0 : i32
      %dma_start3A_61 = tpu.memref_slice %arg5[%add3A_57, %dma_start3A_60] : memref<819200x64xf32, #tpu.memory_space<hbm>> -> memref<256x64xf32, #tpu.memory_space<hbm>>
      tpu.enqueue_dma source(%arg10 : memref<256x64xf32, #tpu.memory_space<vmem>>) target(%dma_start3A_61 : memref<256x64xf32, #tpu.memory_space<hbm>>) target_semaphore(%arg11 : memref<!tpu.dma_semaphore, #tpu.memory_space<semaphore_mem>>)
    }
    %scan3A_9 = arith.constant 50 : i32
    %dma_wait3A = arith.constant 0 : i32
    %dma_wait3A_10 = tpu.memref_slice %arg5[%mul3A_2, %dma_wait3A] : memref<819200x64xf32, #tpu.memory_space<hbm>> -> memref<256x64xf32, #tpu.memory_space<hbm>>
    %dma_wait3A_11 = arith.constant 0 : i32
    %dma_wait3A_12 = tpu.memref_slice %arg5[%mul3A_2, %dma_wait3A_11] : memref<819200x64xf32, #tpu.memory_space<hbm>> -> memref<256x64xf32, #tpu.memory_space<hbm>>
    tpu.wait_dma2 semaphore(%arg11 : memref<!tpu.dma_semaphore, #tpu.memory_space<semaphore_mem>>) src(%arg9 : memref<256x64xf32, #tpu.memory_space<vmem>>) dst(%dma_wait3A_12 : memref<256x64xf32, #tpu.memory_space<hbm>>)
    %dma_wait3A_13 = arith.constant 0 : i32
    %dma_wait3A_14 = tpu.memref_slice %arg5[%mul3A_2, %dma_wait3A_13] : memref<819200x64xf32, #tpu.memory_space<hbm>> -> memref<256x64xf32, #tpu.memory_space<hbm>>
    %dma_wait3A_15 = arith.constant 0 : i32
    %dma_wait3A_16 = tpu.memref_slice %arg5[%mul3A_2, %dma_wait3A_15] : memref<819200x64xf32, #tpu.memory_space<hbm>> -> memref<256x64xf32, #tpu.memory_space<hbm>>
    tpu.wait_dma2 semaphore(%arg11 : memref<!tpu.dma_semaphore, #tpu.memory_space<semaphore_mem>>) src(%arg10 : memref<256x64xf32, #tpu.memory_space<vmem>>) dst(%dma_wait3A_16 : memref<256x64xf32, #tpu.memory_space<hbm>>)
    return
  }
}

</mosaic_0001>

<sc_bundles>
// kernel: _sc_lookup.3.cloned.1.call-start
scs
__scs_entry_jumppad:
0x0: {  	(pc) =	sbr.rel $0x88, $3  }
0x1: {  	(tag) =	ssettag $0x0;
	lr =	simm.s32 $0x1  }
0x2: {  	[smem:$0x3F9E] =	sst lr;
	_ =	strace $0xD0000000  }
0x3: {  	_ = 	snop  }
0x4: {  	_ = 	snop  }
0x5: {  	_ = 	snop  }
0x6: {  	_ = 	snop  }
0x7: {  	_ = 	snop  }
__scs_overlays_trampoline_lowered:
0x8: {  	[smem:$0x3FAD] =	sst s0  }
0x9: {  	[smem:$0x3FAE] =	sst s1  }
0xa: {  	[smem:$0x3FAF] =	sst s2  }
0xb: {  	[smem:$0x3FB0] =	sst s3  }
0xc: {  	[smem:$0x3FB1] =	sst s4  }
0xd: {  	[smem:$0x3FB2] =	sst s5  }
0xe: {  	[smem:$0x3FB3] =	sst s6  }
0xf: {  	[smem:$0x3FB4] =	sst s7  }
0x10: {  	[smem:$0x3FB5] =	sst s8  }
0x11: {  	[smem:$0x3FB6] =	sst s9;
	s0 =	simm.s32 @!p0 $0x0  }
0x12: {  	s1 =	sld [smem:$0x3F9C];
	s0 =	simm.s32 @p0 $0x1  }
0x13: {  	[smem:$0x3FB7] =	sst s0;
	s0 =	simm.s32 @!p1 $0x0  }
0x14: {  	s2 =	sld [smem:$0x3F9B];
	s0 =	simm.s32 @p1 $0x1  }
0x15: {  	[smem:$0x3FB8] =	sst s0;
	s0 =	simm.s32 @!p2 $0x0  }
0x16: {  	s3 =	sld [smem:$0x3FDB];
	s0 =	simm.s32 @p2 $0x1  }
0x17: {  	s4 =	simm.s32 $0x1BF5;
	[smem:$0x3FBA] =	sst s0  }
0x18: {  	s0 =	sld [smem:$0x3F9D];
	_ =	swait.ge [sflag:s4], $0x0  }
0x19: {  	s7 =	sld [smem:$0x3F9E]  }
0x1a: {  	s8 =	sadd.s32 $0xFFFFE003, lr  }
0x1b: {  	s9 =	sadd.s32 $0xFFFFFEF7, lr;
	s5 =	simm.s32 $0xFFFFFFFF;
	p2 =	slt.u32 s8, $0xFFFFF086  }
0x1c: {  	p1 =	slt.u32 s9, $0xF7A;
	s5 =	simm.s32 @!p2 $0x0  }
0x1d: {  	s5 =	simm.s32 @p1 $0x1;
	p0 =	seq.s32 s7, s2  }
0x1e: {  	s7 =	smul.u32 @!p0 $0xF7A, s2;
	p2 =	seq.s32 @!p0 s5, $0x0  }
0x1f: {  	s9 =	smul.u32 $0xF7A, s1;
	s8 =	simm.s32 @!p0 $0x1BF5;
	p2 =	por !p2, p0  }
0x20: {  	[sflag:s8] =	ssyncset.s32 @!p0 $0xFFFFF086;
	s6 =	sadd.s32 @!p0 s3, s7;
	s7 =	simm.s32 @!p0 $0x108  }
0x21: {  	s3 =	sadd.s32 s3, s9;
	s6 =	sadd.s32 @!p0 $0x88, s6;
	s7 =	simm.s32 @p2 $0x1082  }
0x22: {  	[simem:s7], [sflag:s8] =	dma.local @!p0 [hbm:s6], $0xF7A  }
0x23: {  	s9 =	sor.u32 $0xD0000000, s2;
	s6 =	simm.s32 $0x108;
	_ =	swait.ge @!p0 [sflag:s8], $0x0  }
0x24: {  	s3 =	sadd.s32 $0x88, s3;
	s6 =	simm.s32 @!p1 $0x1082;
	[sflag:s4] =	ssyncset.s32 $0xFFFFF086  }
0x25: {  	[simem:s6], [sflag:s4] =	dma.local [hbm:s3], $0xF7A  }
0x26: {  	[smem:$0x3F9E] =	sst s1;
	(tag) =	ssettag s2;
	_ =	strace s9  }
0x27: {  	s1 =	sld [smem:$0x3FAE]  }
0x28: {  	s2 =	sld [smem:$0x3FAF]  }
0x29: {  	s4 =	sld [smem:$0x3FB1]  }
0x2a: {  	p0 =	seq.s32 s5, $0x0;
	s5 =	sld [smem:$0x3FB2]  }
0x2b: {  	s6 =	sld [smem:$0x3FB3]  }
0x2c: {  	s7 =	sld [smem:$0x3FB4]  }
0x2d: {  	s3 =	simm.s32 $0x108;
	s8 =	sld [smem:$0x3FB5]  }
0x2e: {  	s3 =	simm.s32 @!p0 $0x1082;
	s9 =	sld [smem:$0x3FB6]  }
0x2f: {  	lr =	sadd.s32 s0, s3;
	s0 =	sld [smem:$0x3FAD]  }
0x30: {  	s3 =	sld [smem:$0x3FB0]  }
0x31: {  	[smem:$0x3FB9] =	sst s10  }
0x32: {  	s10 =	sld [smem:$0x3FB7];
	_ =	sdelay $0x3  }
0x33: {  	p0 =	seq.s32 s10, $0x1;
	s10 =	sld [smem:$0x3FB9];
	_ =	sdelay $0x3  }
0x34: {  	[smem:$0x3FB9] =	sst s10  }
0x35: {  	s10 =	sld [smem:$0x3FB8];
	_ =	sdelay $0x3  }
0x36: {  	p1 =	seq.s32 s10, $0x1;
	s10 =	sld [smem:$0x3FB9];
	_ =	sdelay $0x3  }
0x37: {  	[smem:$0x3FB9] =	sst s10  }
0x38: {  	s10 =	sld [smem:$0x3FBA]  }
0x39: {  	_ = 	snop;
	(pc) =	sbr.ind lr, $3  }
0x3a: {  	_ = 	snop  }
0x3b: {  	_ = 	snop  }
0x3c: {  	p2 =	seq.s32 s10, $0x1;
	s10 =	sld [smem:$0x3FB9]  }
0x3d: {  	_ =	shalt  }
0x3e: {  	_ =	shalt  }
0x3f: {  	_ =	shalt  }
0x40: {  	_ =	shalt  }
0x41: {  	_ =	shalt  }
0x42: {  	_ =	shalt  }
0x43: {  	_ =	shalt  }
0x44: {  	_ =	shalt  }
0x45: {  	_ =	shalt  }
0x46: {  	_ =	shalt  }
0x47: {  	_ =	shalt  }
0x48: {  	_ =	shalt  }
0x49: {  	_ =	shalt  }
0x4a: {  	_ =	shalt  }
0x4b: {  	_ =	shalt  }
0x4c: {  	_ =	shalt  }
0x4d: {  	_ =	shalt  }
0x4e: {  	_ =	shalt  }
0x4f: {  	_ =	shalt  }
0x50: {  	_ =	shalt  }
0x51: {  	_ =	shalt  }
0x52: {  	_ =	shalt  }
0x53: {  	_ =	shalt  }
0x54: {  	_ =	shalt  }
0x55: {  	_ =	shalt  }
0x56: {  	_ =	shalt  }
0x57: {  	_ =	shalt  }
0x58: {  	_ =	shalt  }
0x59: {  	_ =	shalt  }
0x5a: {  	_ =	shalt  }
0x5b: {  	_ =	shalt  }
0x5c: {  	_ =	shalt  }
0x5d: {  	_ =	shalt  }
0x5e: {  	_ =	shalt  }
0x5f: {  	_ =	shalt  }
0x60: {  	_ =	shalt  }
0x61: {  	_ =	shalt  }
0x62: {  	_ =	shalt  }
0x63: {  	_ =	shalt  }
0x64: {  	_ =	shalt  }
0x65: {  	_ =	shalt  }
0x66: {  	_ =	shalt  }
0x67: {  	_ =	shalt  }
0x68: {  	_ =	shalt  }
0x69: {  	_ =	shalt  }
0x6a: {  	_ =	shalt  }
0x6b: {  	_ =	shalt  }
0x6c: {  	_ =	shalt  }
0x6d: {  	_ =	shalt  }
0x6e: {  	_ =	shalt  }
0x6f: {  	_ =	shalt  }
0x70: {  	_ =	shalt  }
0x71: {  	_ =	shalt  }
0x72: {  	_ =	shalt  }
0x73: {  	_ =	shalt  }
0x74: {  	_ =	shalt  }
0x75: {  	_ =	shalt  }
0x76: {  	_ =	shalt  }
0x77: {  	_ =	shalt  }
0x78: {  	_ =	shalt  }
0x79: {  	_ =	shalt  }
0x7a: {  	_ =	shalt  }
0x7b: {  	_ =	shalt  }
0x7c: {  	_ =	shalt  }
0x7d: {  	_ =	shalt  }
0x7e: {  	_ =	shalt  }
0x7f: {  	_ =	shalt  }
0x80: {  	_ =	shalt  }
0x81: {  	_ =	shalt  }
0x82: {  	_ =	shalt  }
0x83: {  	_ =	shalt  }
0x84: {  	_ =	shalt  }
0x85: {  	_ =	shalt  }
0x86: {  	_ =	shalt  }
0x87: {  	_ =	shalt  }
.Lfunc_end0:
.L_simem_size_0:
called_computation_lowered:
.L_overlay_start_0:
0x88: {  	s2 =	sld [smem:$0x3FD9]  }
0x89: {  	s3 =	sld [smem:$0x3FFE];
	_ =	sdelay $0x1  }
0x8a: {  	s1 =	srdreg.scid  }
0x8b: {  	s0 =	sand.u32 $0x1, s1  }
0x8c: {  	s17 =	sshll.u32 s0, $0xA;
	s2 =	sadd.s32 s3, s2  }
0x8d: {  	s2 =	sadd.s32 s2, s17  }
0x8e: {  	[smem:$0x3FC5] =	sst s2  }
0x8f: {  	_ = 	snop  }
0x90: {  	s2 =	sld [smem:$0x3FC8]  }
0x91: {  	s18 =	sld [smem:$0x3FC7]  }
0x92: {  	s4 =	sld [smem:$0x3FD0];
	(tm) =	ssettm $0x1  }
0x93: {  	s5 =	sld [smem:$0x3FFB];
	_ =	sdelay $0x3  }
0x94: {  	_ =	strace s5  }
0x95: {  	s5 =	sld [smem:$0x3FFC];
	_ =	sdelay $0x3  }
0x96: {  	_ =	strace s5  }
0x97: {  	s5 =	sld [smem:$0x3FFD];
	_ =	sdelay $0x3  }
0x98: {  	_ =	strace s5  }
0x99: {  	_ =	strace $0x8FFFFFFF  }
0x9a: {  	s19 =	sld [smem:$0x3FDB];
	_ =	sdelay $0x1  }
0x9b: {  	s6 =	simm.s32 $_scs_section_size  }
0x9c: {  	s7 =	simm.s32 $_size__tile_overlayer_lowered;
	s8 =	simm.s32 $_tile_overlayer_lowered  }
0x9d: {  	s22 =	simm.s32 $0x1BFF;
	s21 =	sshll.u32 s8, $0x1;
	s5 =	sadd.s32 s6, s19  }
0x9e: {  	s9 =	simm.s32 $0x0;
	s20 =	sshll.u32 s7, $0x1;
	s7 =	sadd.s32 s21, s5  }
0x9f: {  	[timem:s9], [sflag:s22] =	dma.local [hbm:s7], s20  }
0xa0: {  	_ =	swait.ge [sflag:s22], s20  }
0xa1: {  	s6 =	ssub.s32 $0x0, s20;
	[sflag:s22] =	ssyncset.done $0x0  }
0xa2: {  	[sflag:s22] =	ssyncadd.s32 s6;
	_ =	sdelay $0x1  }
0xa3: {  	s23 =	simm.s32 $0x1B8B  }
0xa4: {  	_ =	swait.ge [sflag:s23], $0x1  }
0xa5: {  	[sflag:s23] =	ssyncset.done $0x0  }
0xa6: {  	s25 =	simm.s32 $0x1B8E;
	s24 =	sld [smem:$0x3FFE];
	[sflag:s23] =	ssyncadd.s32 $0xFFFFFFFF  }
0xa7: {  	s26 =	simm.s32 $execute0_lowered;
	[smem:$0x3FD2] =	sst s25  }
0xa8: {  	s7 =	sshll.u32 s26, $0x1;
	_ =	strace $0x80000046;
	[dreg:$0x1] =	wrdreg $0xFFFFFFFF  }
0xa9: {  	s28 =	simm.s32 $_size_execute0_lowered;
	s5 =	sadd.s32 s5, s7;
	[dreg:$0x0] =	wrdreg $0x0  }
0xaa: {  	s7 =	sshll.u32 s28, $0x1;
	[dreg:$0x2] =	wrdreg s5  }
0xab: {  	[dreg:$0x3] =	wrdreg s7  }
0xac: {  	[dreg:$0x4] =	wrdreg $0xC0  }
0xad: {  	_ =	task [dreg:s9], $0x5FFFF  }
0xae: {  	[dreg:$0x1] =	wrdreg $0xFFFFFFFF  }
0xaf: {  	[dreg:$0x0] =	wrdreg $0x60  }
0xb0: {  	[dreg:$0x2] =	wrdreg s4  }
0xb1: {  	[dreg:$0x3] =	wrdreg s2  }
0xb2: {  	[dreg:$0x4] =	wrdreg s18  }
0xb3: {  	[dreg:$0x5] =	wrdreg s24  }
0xb4: {  	[dreg:$0x6] =	wrdreg $0x9  }
0xb5: {  	_ =	task.clear_ibuf [dreg:s9], $0x7FFFF;
	_ =	strace $0x90000046  }
0xb6: {  	s29 =	simm.s32 $0x9;
	_ =	strace $0x80000048  }
0xb7: {  	_ =	swait.ge [sflag:s29], $0x1  }
0xb8: {  	[sflag:s29] =	ssyncadd.s32 $0xFFFFFFFF  }
0xb9: {  	_ =	strace $0x90000048  }
0xba: {  	_ =	sfence  }
0xbb: {  	s30 =	sld [smem:$0x0];
	_ =	sdelay $0x2  }
0xbc: {  	s31 =	sshll.u32 s1, $0xD;
	s1 =	sshrl.u32 s1, $0x2  }
0xbd: {  	s3 =	sand.u32 $0x4000, s31;
	s1 =	sadd.s32 s1, s30  }
0xbe: {  	s0 =	sor.u32 s3, s0;
	s1 =	sshll.u32 s1, $0x11  }
0xbf: {  	s0 =	sor.u32 s1, s0  }
0xc0: {  	s0 =	sadd.s32 $0x8F2B, s0  }
0xc1: {  	[sflag:s0] =	ssyncadd.remote.s32 $0x1  }
0xc2: {  	_ =	sfence.sel $0xFFFF  }
0xc3: {  	[dreg:$0x0] =	wrdreg $0xFFFFFFFF;
	(pc) =	sbr.abs _section_cstart, $3  }
0xc4: {  	[dreg:$0x1] =	wrdreg $0xFFFFFFFF  }
0xc5: {  	_ =	task.clear_ibuf [dreg:s9], $0x2FFFF;
	_ =	strace $0x9FFFFFFF  }
0xc6: {  	(tm) =	ssettm $0x7FFFFFFF  }
0xc7: {  	_ =	shalt  }
tec
execute0_lowered:
.L_overlay_start_1:
0x0: {  	(tag) =	ssettag $0x1  }
0x1: {  	s7 =	rddreg [dreg:$0x0]  }
0x2: {  	s1 =	rddreg [dreg:$0x1]  }
0x3: {  	s2 =	rddreg [dreg:$0x2]  }
0x4: {  	s5 =	rddreg [dreg:$0x3]  }
0x5: {  	s0 =	rddreg [dreg:$0x4];
	s4 =	simm.s32 $0x0;
	s6 =	srdreg.scid  }
0x6: {  	s3 =	stileid.u32;
	v0 =	vlaneseq.u32;
	v1 =	vimm.s32 $0x0;
	s11 =	simm.s32 $0x8080;
	s12 =	simm.s32 $0x9080  }
0x7: {  	v2 =	vimm.s32 $0x8;
	v3 =	vimm.s32 $0x3;
	v4 =	vimm.s32 $0x7;
	s13 =	simm.s32 $0x11080;
	s14 =	simm.s32 $0x1;
	s15 =	simm.s32 $0x0  }
0x8: {  	v5 =	vimm.s32 $0x6;
	v9 =	vimm.s32 $0x1;
	v10 =	vimm.s32 $0x2;
	[smem:$0x7FF] =	sst s4;
	s6 =	sand.u32 $0x1, s6;
	s9 =	sshll.u32 s3, $0x1  }
0x9: {  	v11 =	vimm.s32 $0x4;
	v12 =	vimm.s32 $0x5;
	v13 =	vimm.s32 $0x9;
	s5 =	sadd.s32 $0x400, s5;
	s8 =	ssub.s32 $0x2, s6;
	s9 =	sor.u32 s6, s9  }
0xa: {  	v14 =	vimm.s32 $0xA;
	v15 =	vimm.s32 $0xB;
	v16 =	vimm.s32 $0xC;
	s10 =	sshrl.u32 s8, $0x1;
	s6 =	smul.u32 $0x6400, s9;
	s9 =	sshll.u32 s9, $0xC  }
0xb: {  	v17 =	vimm.s32 $0xD;
	v18 =	vimm.s32 $0xE;
	v19 =	vimm.s32 $0xF;
	_ =	strace $0x80000047;
	s8 =	ssub.s32 s8, s10;
	s7 =	sadd.s32 s7, s9  }
0xc: {  	v6 =	vor.u32 $0x10, v0;
	v7 =	vor.u32 $0x20, v0;
	v8 =	vor.u32 $0x30, v0;
	s9 =	simm.s32 $0x8000;
	s10 =	simm.s32 $0x2;
	s8 =	smax.u32 s8, $0x1  }
.LBB2_1:
0xd: {  	[tilespmem:s9], [sflag:$0x2] =	stream.linear.gather [hbm4b:s1+s4], $0x80, $0x38;
	[tilespmem:$0x19080] =	vst v63  }
0xe: {  	_ =	swait.ge [sflag:s10], $0x80  }
0xf: {  	[sflag:s10] =	ssyncset.done $0x0  }
0x10: {  	[sflag:s10] =	ssyncadd.s32 $0xFFFFFF80  }
0x11: {  	[tilespmem:s11], [sflag:$0x2] =	stream.linear.gather [hbm4b:s2+s4], $0x1000, $0x38;
	[tilespmem:$0x19080] =	vst v63  }
0x12: {  	_ =	swait.ge [sflag:s10], $0x1000  }
0x13: {  	[sflag:s10] =	ssyncset.done $0x0  }
0x14: {  	[sflag:s10] =	ssyncadd.s32 $0xFFFFF000  }
0x15: {  	[tilespmem:s4], [sflag:$0x2] =	stream.linear.gather [hbm4b:s7+s4], $0x8000, $0x38;
	[tilespmem:$0x19080] =	vst v63  }
0x16: {  	_ =	swait.ge [sflag:s10], $0x8000  }
0x17: {  	s16 =	simm.s32 $0x100;
	[sflag:s10] =	ssyncset.done $0x0  }
0x18: {  	s17 =	simm.s32 $0x0;
	s18 =	simm.s32 $0x0;
	[sflag:s10] =	ssyncadd.s32 $0xFFFF8000  }
.LBB2_2:
0x19: {  	p0 =	seq.s32 s18, $0x0  }
0x1a: {  	s19 =	simm.s32 @!p0 $0x1  }
0x1b: {  	_ =	swait.ge @!p0 [sflag:s19], $0x8000  }
0x1c: {  	s20 =	simm.s32 $0xFFFFFFFE;
	s21 =	simm.s32 $0x9880;
	[sflag:s19] =	ssyncset.done @!p0 $0x0  }
0x1d: {  	s22 =	smov.u32 s17;
	[sflag:s19] =	ssyncadd.s32 @!p0 $0xFFFF8000;
	s19 =	sshll.u32 s18, $0x9  }
.LBB2_3:
0x1e: {  	v20 =	vor.u32 s22, v0  }
0x1f: {  	v21 =	vmulhi.u32 $0x51EB851F, v20;
	_ =	sdelay $0x1  }
0x20: {  	v21 =	vshrl.u32 v21, $0x6  }
0x21: {  	v22 =	vmul.u32 $0xFFFFFF38, v21;
	_ =	sdelay $0x1  }
0x22: {  	v23 =	vmov s22;
	v20 =	vadd.s32 v20, v22  }
0x23: {  	vm0 =	veq.s32 v23, v0;
	vm1 =	vne.s32 v20, $0x0  }
0x24: {  	vm0 =	vmand vm0, vm1  }
0x25: {  	v56 =	vsel vm0, $0xFFFFFFFF, v1  }
0x26: {  	v57 =	vshll.u32 v20, $0x3;
	v21 =	vadd.s32 v56, v21  }
0x27: {  	v20 =	vand.u32 $0x7F, v20;
	v22 =	vand.u32 $0x400, v57;
	v58 =	vshll.u32 v21, $0x8  }
0x28: {  	v20 =	vor.u32 v20, v22;
	v21 =	vshll.u32 v21, $0x7;
	v23 =	vand.u32 $0xFFFFF800, v58  }
0x29: {  	v21 =	vand.u32 $0x380, v21;
	v20 =	vor.u32 v23, v20  }
0x2a: {  	v20 =	vor.u32 v21, v20;
	_ =	sdelay $0x4  }
0x2b: {  	v20 =	vld.idx.msk [tilespmem:v20+s4+$0x0], $0xffff;
	_ =	sdelay $0x7  }
0x2c: {  	v20 =	vld.idx.msk [tilespmem:v20+s9+$0x0], $0xffff;
	_ =	sdelay $0x4  }
0x2d: {  	v20 =	vshll.u32 v20, $0x6  }
0x2e: {  	v59 =	vperm.xlane v20, v1;
	_ =	sdelay $0x1  }
0x2f: {  	v60 =	vadd.s32 v0, v59  }
0x30: {  	v61 =	vadd.s32 v6, v59  }
0x31: {  	v25 =	vperm.xlane v20, v9;
	v24 =	vadd.s32 v7, v59  }
0x32: {  	v21 =	vadd.s32 v8, v59  }
0x33: {  	v26 =	vadd.s32 v0, v25  }
0x34: {  	v27 =	vadd.s32 v6, v25;
	v22 =	vld.idx.msk [tilespmem:v60+s11+$0x0], $0xffff  }
0x35: {  	v29 =	vperm.xlane v20, v10;
	v28 =	vadd.s32 v7, v25;
	v23 =	vld.idx.msk [tilespmem:v61+s11+$0x0], $0xffff  }
0x36: {  	v25 =	vadd.s32 v8, v25;
	v24 =	vld.idx.msk [tilespmem:v24+s11+$0x0], $0xffff  }
0x37: {  	v30 =	vadd.s32 v0, v29;
	v21 =	vld.idx.msk [tilespmem:v21+s11+$0x0], $0xffff  }
0x38: {  	v31 =	vadd.s32 v6, v29;
	v26 =	vld.idx.msk [tilespmem:v26+s11+$0x0], $0xffff  }
0x39: {  	v32 =	vadd.s32 v7, v29;
	v27 =	vld.idx.msk [tilespmem:v27+s11+$0x0], $0xffff  }
0x3a: {  	v29 =	vadd.s32 v8, v29;
	v28 =	vld.idx.msk [tilespmem:v28+s11+$0x0], $0xffff  }
0x3b: {  	v25 =	vld.idx.msk [tilespmem:v25+s11+$0x0], $0xffff  }
0x3c: {  	v33 =	vperm.xlane v20, v3;
	v30 =	vld.idx.msk [tilespmem:v30+s11+$0x0], $0xffff  }
0x3d: {  	v31 =	vld.idx.msk [tilespmem:v31+s11+$0x0], $0xffff  }
0x3e: {  	v34 =	vadd.s32 v0, v33;
	v32 =	vld.idx.msk [tilespmem:v32+s11+$0x0], $0xffff  }
0x3f: {  	v62 =	vadd.s32 v6, v33;
	v29 =	vld.idx.msk [tilespmem:v29+s11+$0x0], $0xffff;
	[tilespmem:s21+$0xFFFFF800] =	vst v22  }
0x40: {  	v63 =	vadd.s32 v7, v33;
	[tilespmem:s21+$0xFFFFF810] =	vst v23  }
0x41: {  	v36 =	vadd.s32 v8, v33;
	[tilespmem:s21+$0xFFFFF820] =	vst v24  }
0x42: {  	[tilespmem:s21+$0xFFFFF830] =	vst v21  }
0x43: {  	v37 =	vperm.xlane v20, v11;
	v21 =	vld.idx.msk [tilespmem:v34+s11+$0x0], $0xffff  }
0x44: {  	v22 =	vld.idx.msk [tilespmem:v62+s11+$0x0], $0xffff  }
0x45: {  	v38 =	vadd.s32 v0, v37;
	v23 =	vld.idx.msk [tilespmem:v63+s11+$0x0], $0xffff  }
0x46: {  	v39 =	vadd.s32 v6, v37;
	v24 =	vld.idx.msk [tilespmem:v36+s11+$0x0], $0xffff;
	[tilespmem:s21+$0xFFFFF880] =	vst v26  }
0x47: {  	v40 =	vadd.s32 v7, v37;
	[tilespmem:s21+$0xFFFFF890] =	vst v27  }
0x48: {  	v41 =	vadd.s32 v8, v37;
	[tilespmem:s21+$0xFFFFF8A0] =	vst v28  }
0x49: {  	[tilespmem:s21+$0xFFFFF8B0] =	vst v25  }
0x4a: {  	v42 =	vperm.xlane v20, v12;
	v25 =	vld.idx.msk [tilespmem:v38+s11+$0x0], $0xffff  }
0x4b: {  	v26 =	vld.idx.msk [tilespmem:v39+s11+$0x0], $0xffff  }
0x4c: {  	v43 =	vadd.s32 v0, v42;
	v27 =	vld.idx.msk [tilespmem:v40+s11+$0x0], $0xffff  }
0x4d: {  	v44 =	vadd.s32 v6, v42;
	v28 =	vld.idx.msk [tilespmem:v41+s11+$0x0], $0xffff;
	[tilespmem:s21+$0xFFFFF900] =	vst v30  }
0x4e: {  	v45 =	vadd.s32 v7, v42;
	[tilespmem:s21+$0xFFFFF910] =	vst v31  }
0x4f: {  	v46 =	vadd.s32 v8, v42;
	[tilespmem:s21+$0xFFFFF920] =	vst v32  }
0x50: {  	[tilespmem:s21+$0xFFFFF930] =	vst v29  }
0x51: {  	v47 =	vperm.xlane v20, v5;
	v29 =	vld.idx.msk [tilespmem:v43+s11+$0x0], $0xffff  }
0x52: {  	v30 =	vld.idx.msk [tilespmem:v44+s11+$0x0], $0xffff  }
0x53: {  	v48 =	vadd.s32 v0, v47;
	v31 =	vld.idx.msk [tilespmem:v45+s11+$0x0], $0xffff  }
0x54: {  	v49 =	vadd.s32 v6, v47;
	v32 =	vld.idx.msk [tilespmem:v46+s11+$0x0], $0xffff;
	[tilespmem:s21+$0xFFFFF980] =	vst v21  }
0x55: {  	v50 =	vadd.s32 v7, v47;
	[tilespmem:s21+$0xFFFFF990] =	vst v22  }
0x56: {  	v51 =	vadd.s32 v8, v47;
	[tilespmem:s21+$0xFFFFF9A0] =	vst v23  }
0x57: {  	[tilespmem:s21+$0xFFFFF9B0] =	vst v24  }
0x58: {  	v52 =	vperm.xlane v20, v4;
	v24 =	vld.idx.msk [tilespmem:v48+s11+$0x0], $0xffff  }
0x59: {  	v21 =	vld.idx.msk [tilespmem:v49+s11+$0x0], $0xffff  }
0x5a: {  	v53 =	vadd.s32 v0, v52;
	v22 =	vld.idx.msk [tilespmem:v50+s11+$0x0], $0xffff  }
0x5b: {  	v54 =	vadd.s32 v6, v52;
	v23 =	vld.idx.msk [tilespmem:v51+s11+$0x0], $0xffff;
	[tilespmem:s21+$0xFFFFFA00] =	vst v25  }
0x5c: {  	v55 =	vadd.s32 v7, v52;
	[tilespmem:s21+$0xFFFFFA10] =	vst v26  }
0x5d: {  	v56 =	vadd.s32 v8, v52;
	[tilespmem:s21+$0xFFFFFA20] =	vst v27  }
0x5e: {  	[tilespmem:s21+$0xFFFFFA30] =	vst v28  }
0x5f: {  	v57 =	vperm.xlane v20, v2;
	v28 =	vld.idx.msk [tilespmem:v53+s11+$0x0], $0xffff  }
0x60: {  	v25 =	vld.idx.msk [tilespmem:v54+s11+$0x0], $0xffff  }
0x61: {  	v58 =	vadd.s32 v0, v57;
	v26 =	vld.idx.msk [tilespmem:v55+s11+$0x0], $0xffff  }
0x62: {  	v59 =	vadd.s32 v6, v57;
	v27 =	vld.idx.msk [tilespmem:v56+s11+$0x0], $0xffff;
	[tilespmem:s21+$0xFFFFFA80] =	vst v29  }
0x63: {  	v60 =	vadd.s32 v7, v57;
	[tilespmem:s21+$0xFFFFFA90] =	vst v30  }
0x64: {  	v61 =	vadd.s32 v8, v57;
	[tilespmem:s21+$0xFFFFFAA0] =	vst v31  }
0x65: {  	[tilespmem:s21+$0xFFFFFAB0] =	vst v32  }
0x66: {  	v62 =	vperm.xlane v20, v13;
	v32 =	vld.idx.msk [tilespmem:v58+s11+$0x0], $0xffff  }
0x67: {  	v29 =	vld.idx.msk [tilespmem:v59+s11+$0x0], $0xffff  }
0x68: {  	v63 =	vadd.s32 v0, v62;
	v30 =	vld.idx.msk [tilespmem:v60+s11+$0x0], $0xffff  }
0x69: {  	v35 =	vadd.s32 v6, v62;
	v31 =	vld.idx.msk [tilespmem:v61+s11+$0x0], $0xffff;
	[tilespmem:s21+$0xFFFFFB00] =	vst v24  }
0x6a: {  	v36 =	vadd.s32 v7, v62;
	[tilespmem:s21+$0xFFFFFB10] =	vst v21  }
0x6b: {  	v37 =	vadd.s32 v8, v62;
	[tilespmem:s21+$0xFFFFFB20] =	vst v22  }
0x6c: {  	[tilespmem:s21+$0xFFFFFB30] =	vst v23  }
0x6d: {  	v38 =	vperm.xlane v20, v14;
	v23 =	vld.idx.msk [tilespmem:v63+s11+$0x0], $0xffff  }
0x6e: {  	v24 =	vld.idx.msk [tilespmem:v35+s11+$0x0], $0xffff  }
0x6f: {  	v39 =	vadd.s32 v0, v38;
	v21 =	vld.idx.msk [tilespmem:v36+s11+$0x0], $0xffff  }
0x70: {  	v40 =	vadd.s32 v6, v38;
	v22 =	vld.idx.msk [tilespmem:v37+s11+$0x0], $0xffff;
	[tilespmem:s21+$0xFFFFFB80] =	vst v28  }
0x71: {  	v41 =	vadd.s32 v7, v38;
	[tilespmem:s21+$0xFFFFFB90] =	vst v25  }
0x72: {  	v42 =	vadd.s32 v8, v38;
	[tilespmem:s21+$0xFFFFFBA0] =	vst v26  }
0x73: {  	[tilespmem:s21+$0xFFFFFBB0] =	vst v27  }
0x74: {  	v43 =	vperm.xlane v20, v15;
	v27 =	vld.idx.msk [tilespmem:v39+s11+$0x0], $0xffff  }
0x75: {  	v28 =	vld.idx.msk [tilespmem:v40+s11+$0x0], $0xffff  }
0x76: {  	v44 =	vadd.s32 v0, v43;
	v25 =	vld.idx.msk [tilespmem:v41+s11+$0x0], $0xffff  }
0x77: {  	v45 =	vadd.s32 v6, v43;
	v26 =	vld.idx.msk [tilespmem:v42+s11+$0x0], $0xffff;
	[tilespmem:s21+$0xFFFFFC00] =	vst v32  }
0x78: {  	v46 =	vadd.s32 v7, v43;
	[tilespmem:s21+$0xFFFFFC10] =	vst v29  }
0x79: {  	v47 =	vadd.s32 v8, v43;
	[tilespmem:s21+$0xFFFFFC20] =	vst v30  }
0x7a: {  	[tilespmem:s21+$0xFFFFFC30] =	vst v31  }
0x7b: {  	v48 =	vperm.xlane v20, v16;
	v31 =	vld.idx.msk [tilespmem:v44+s11+$0x0], $0xffff  }
0x7c: {  	v32 =	vld.idx.msk [tilespmem:v45+s11+$0x0], $0xffff  }
0x7d: {  	v49 =	vadd.s32 v0, v48;
	v29 =	vld.idx.msk [tilespmem:v46+s11+$0x0], $0xffff  }
0x7e: {  	v50 =	vadd.s32 v6, v48;
	v30 =	vld.idx.msk [tilespmem:v47+s11+$0x0], $0xffff;
	[tilespmem:s21+$0xFFFFFC80] =	vst v23  }
0x7f: {  	v51 =	vadd.s32 v7, v48;
	[tilespmem:s21+$0xFFFFFC90] =	vst v24  }
0x80: {  	v52 =	vadd.s32 v8, v48;
	[tilespmem:s21+$0xFFFFFCA0] =	vst v21  }
0x81: {  	[tilespmem:s21+$0xFFFFFCB0] =	vst v22  }
0x82: {  	v53 =	vperm.xlane v20, v17;
	v22 =	vld.idx.msk [tilespmem:v49+s11+$0x0], $0xffff  }
0x83: {  	v23 =	vld.idx.msk [tilespmem:v50+s11+$0x0], $0xffff  }
0x84: {  	v54 =	vadd.s32 v0, v53;
	v24 =	vld.idx.msk [tilespmem:v51+s11+$0x0], $0xffff  }
0x85: {  	v55 =	vadd.s32 v6, v53;
	v21 =	vld.idx.msk [tilespmem:v52+s11+$0x0], $0xffff;
	[tilespmem:s21+$0xFFFFFD00] =	vst v27  }
0x86: {  	v56 =	vadd.s32 v7, v53;
	[tilespmem:s21+$0xFFFFFD10] =	vst v28  }
0x87: {  	v57 =	vadd.s32 v8, v53;
	[tilespmem:s21+$0xFFFFFD20] =	vst v25  }
0x88: {  	[tilespmem:s21+$0xFFFFFD30] =	vst v26  }
0x89: {  	v58 =	vperm.xlane v20, v18;
	v26 =	vld.idx.msk [tilespmem:v54+s11+$0x0], $0xffff  }
0x8a: {  	v27 =	vld.idx.msk [tilespmem:v55+s11+$0x0], $0xffff  }
0x8b: {  	v59 =	vadd.s32 v0, v58;
	v28 =	vld.idx.msk [tilespmem:v56+s11+$0x0], $0xffff  }
0x8c: {  	v60 =	vadd.s32 v6, v58;
	v25 =	vld.idx.msk [tilespmem:v57+s11+$0x0], $0xffff;
	[tilespmem:s21+$0xFFFFFD80] =	vst v31  }
0x8d: {  	v61 =	vadd.s32 v7, v58;
	[tilespmem:s21+$0xFFFFFD90] =	vst v32  }
0x8e: {  	v62 =	vadd.s32 v8, v58;
	[tilespmem:s21+$0xFFFFFDA0] =	vst v29  }
0x8f: {  	[tilespmem:s21+$0xFFFFFDB0] =	vst v30  }
0x90: {  	v20 =	vperm.xlane v20, v19;
	v30 =	vld.idx.msk [tilespmem:v59+s11+$0x0], $0xffff  }
0x91: {  	v31 =	vld.idx.msk [tilespmem:v60+s11+$0x0], $0xffff  }
0x92: {  	v63 =	vadd.s32 v0, v20;
	v32 =	vld.idx.msk [tilespmem:v61+s11+$0x0], $0xffff  }
0x93: {  	v35 =	vadd.s32 v6, v20;
	v29 =	vld.idx.msk [tilespmem:v62+s11+$0x0], $0xffff;
	[tilespmem:s21+$0xFFFFFE00] =	vst v22  }
0x94: {  	v36 =	vadd.s32 v7, v20;
	[tilespmem:s21+$0xFFFFFE10] =	vst v23  }
0x95: {  	s23 =	sadd.s32 $0x10, s22;
	v20 =	vadd.s32 v8, v20;
	[tilespmem:s21+$0xFFFFFE20] =	vst v24  }
0x96: {  	v37 =	vor.u32 s23, v0;
	[tilespmem:s21+$0xFFFFFE30] =	vst v21  }
0x97: {  	v38 =	vmulhi.u32 $0x51EB851F, v37;
	v21 =	vld.idx.msk [tilespmem:v63+s11+$0x0], $0xffff  }
0x98: {  	v22 =	vld.idx.msk [tilespmem:v35+s11+$0x0], $0xffff  }
0x99: {  	v39 =	vshrl.u32 v38, $0x6;
	v23 =	vld.idx.msk [tilespmem:v36+s11+$0x0], $0xffff  }
0x9a: {  	v40 =	vmul.u32 $0xFFFFFF38, v39;
	v20 =	vld.idx.msk [tilespmem:v20+s11+$0x0], $0xffff;
	[tilespmem:s21+$0xFFFFFE80] =	vst v26  }
0x9b: {  	[tilespmem:s21+$0xFFFFFE90] =	vst v27  }
0x9c: {  	v24 =	vadd.s32 v37, v40;
	[tilespmem:s21+$0xFFFFFEA0] =	vst v28  }
0x9d: {  	[tilespmem:s21+$0xFFFFFEB0] =	vst v25;
	v41 =	vshll.u32 v24, $0x3  }
0x9e: {  	v42 =	vshll.u32 v38, $0x2;
	v24 =	vand.u32 $0x7F, v24;
	[tilespmem:s21+$0xFFFFFF00] =	vst v30;
	v25 =	vand.u32 $0x400, v41  }
0x9f: {  	v43 =	vshll.u32 v38, $0x1;
	v26 =	vand.u32 $0xFFFFF800, v42;
	[tilespmem:s21+$0xFFFFFF10] =	vst v31;
	v24 =	vor.u32 v24, v25  }
0xa0: {  	v44 =	vand.u32 $0x380, v43;
	[tilespmem:s21+$0xFFFFFF20] =	vst v32;
	v24 =	vor.u32 v26, v24  }
0xa1: {  	[tilespmem:s21+$0xFFFFFF30] =	vst v29;
	v24 =	vor.u32 v44, v24  }
0xa2: {  	[tilespmem:s21+$0xFFFFFF80] =	vst v21  }
0xa3: {  	[tilespmem:s21+$0xFFFFFF90] =	vst v22  }
0xa4: {  	[tilespmem:s21+$0xFFFFFFA0] =	vst v23  }
0xa5: {  	[tilespmem:s21+$0xFFFFFFB0] =	vst v20  }
0xa6: {  	v20 =	vld.idx.msk [tilespmem:v24+s4+$0x0], $0xffff;
	_ =	sdelay $0x7  }
0xa7: {  	v20 =	vld.idx.msk [tilespmem:v20+s9+$0x0], $0xffff;
	_ =	sdelay $0x4  }
0xa8: {  	v20 =	vshll.u32 v20, $0x6  }
0xa9: {  	v45 =	vperm.xlane v20, v1;
	_ =	sdelay $0x1  }
0xaa: {  	v46 =	vadd.s32 v0, v45  }
0xab: {  	v47 =	vadd.s32 v6, v45  }
0xac: {  	v49 =	vperm.xlane v20, v9;
	v48 =	vadd.s32 v7, v45  }
0xad: {  	v21 =	vadd.s32 v8, v45  }
0xae: {  	v50 =	vadd.s32 v0, v49  }
0xaf: {  	v51 =	vadd.s32 v6, v49;
	v22 =	vld.idx.msk [tilespmem:v46+s11+$0x0], $0xffff  }
0xb0: {  	v53 =	vperm.xlane v20, v10;
	v52 =	vadd.s32 v7, v49;
	v23 =	vld.idx.msk [tilespmem:v47+s11+$0x0], $0xffff  }
0xb1: {  	v25 =	vadd.s32 v8, v49;
	v24 =	vld.idx.msk [tilespmem:v48+s11+$0x0], $0xffff  }
0xb2: {  	v54 =	vadd.s32 v0, v53;
	v21 =	vld.idx.msk [tilespmem:v21+s11+$0x0], $0xffff  }
0xb3: {  	v55 =	vadd.s32 v6, v53;
	v26 =	vld.idx.msk [tilespmem:v50+s11+$0x0], $0xffff  }
0xb4: {  	v56 =	vadd.s32 v7, v53;
	v27 =	vld.idx.msk [tilespmem:v51+s11+$0x0], $0xffff  }
0xb5: {  	v29 =	vadd.s32 v8, v53;
	v28 =	vld.idx.msk [tilespmem:v52+s11+$0x0], $0xffff  }
0xb6: {  	v25 =	vld.idx.msk [tilespmem:v25+s11+$0x0], $0xffff  }
0xb7: {  	v57 =	vperm.xlane v20, v3;
	v30 =	vld.idx.msk [tilespmem:v54+s11+$0x0], $0xffff  }
0xb8: {  	v31 =	vld.idx.msk [tilespmem:v55+s11+$0x0], $0xffff  }
0xb9: {  	v58 =	vadd.s32 v0, v57;
	v32 =	vld.idx.msk [tilespmem:v56+s11+$0x0], $0xffff  }
0xba: {  	v59 =	vadd.s32 v6, v57;
	v29 =	vld.idx.msk [tilespmem:v29+s11+$0x0], $0xffff;
	[tilespmem:s21+$0x0] =	vst v22  }
0xbb: {  	v60 =	vadd.s32 v7, v57;
	[tilespmem:s21+$0x10] =	vst v23  }
0xbc: {  	v61 =	vadd.s32 v8, v57;
	[tilespmem:s21+$0x20] =	vst v24  }
0xbd: {  	[tilespmem:s21+$0x30] =	vst v21  }
0xbe: {  	v62 =	vperm.xlane v20, v11;
	v21 =	vld.idx.msk [tilespmem:v58+s11+$0x0], $0xffff  }
0xbf: {  	v22 =	vld.idx.msk [tilespmem:v59+s11+$0x0], $0xffff  }
0xc0: {  	v63 =	vadd.s32 v0, v62;
	v23 =	vld.idx.msk [tilespmem:v60+s11+$0x0], $0xffff  }
0xc1: {  	v36 =	vadd.s32 v6, v62;
	v24 =	vld.idx.msk [tilespmem:v61+s11+$0x0], $0xffff;
	[tilespmem:s21+$0x80] =	vst v26  }
0xc2: {  	v37 =	vadd.s32 v7, v62;
	[tilespmem:s21+$0x90] =	vst v27  }
0xc3: {  	v38 =	vadd.s32 v8, v62;
	[tilespmem:s21+$0xA0] =	vst v28  }
0xc4: {  	[tilespmem:s21+$0xB0] =	vst v25  }
0xc5: {  	v39 =	vperm.xlane v20, v12;
	v25 =	vld.idx.msk [tilespmem:v63+s11+$0x0], $0xffff  }
0xc6: {  	v26 =	vld.idx.msk [tilespmem:v36+s11+$0x0], $0xffff  }
0xc7: {  	v40 =	vadd.s32 v0, v39;
	v27 =	vld.idx.msk [tilespmem:v37+s11+$0x0], $0xffff  }
0xc8: {  	v41 =	vadd.s32 v6, v39;
	v28 =	vld.idx.msk [tilespmem:v38+s11+$0x0], $0xffff;
	[tilespmem:s21+$0x100] =	vst v30  }
0xc9: {  	v42 =	vadd.s32 v7, v39;
	[tilespmem:s21+$0x110] =	vst v31  }
0xca: {  	v43 =	vadd.s32 v8, v39;
	[tilespmem:s21+$0x120] =	vst v32  }
0xcb: {  	[tilespmem:s21+$0x130] =	vst v29  }
0xcc: {  	v44 =	vperm.xlane v20, v5;
	v29 =	vld.idx.msk [tilespmem:v40+s11+$0x0], $0xffff  }
0xcd: {  	v30 =	vld.idx.msk [tilespmem:v41+s11+$0x0], $0xffff  }
0xce: {  	v45 =	vadd.s32 v0, v44;
	v31 =	vld.idx.msk [tilespmem:v42+s11+$0x0], $0xffff  }
0xcf: {  	v46 =	vadd.s32 v6, v44;
	v32 =	vld.idx.msk [tilespmem:v43+s11+$0x0], $0xffff;
	[tilespmem:s21+$0x180] =	vst v21  }
0xd0: {  	v47 =	vadd.s32 v7, v44;
	[tilespmem:s21+$0x190] =	vst v22  }
0xd1: {  	v48 =	vadd.s32 v8, v44;
	[tilespmem:s21+$0x1A0] =	vst v23  }
0xd2: {  	[tilespmem:s21+$0x1B0] =	vst v24  }
0xd3: {  	v49 =	vperm.xlane v20, v4;
	v24 =	vld.idx.msk [tilespmem:v45+s11+$0x0], $0xffff  }
0xd4: {  	v21 =	vld.idx.msk [tilespmem:v46+s11+$0x0], $0xffff  }
0xd5: {  	v50 =	vadd.s32 v0, v49;
	v22 =	vld.idx.msk [tilespmem:v47+s11+$0x0], $0xffff  }
0xd6: {  	v51 =	vadd.s32 v6, v49;
	v23 =	vld.idx.msk [tilespmem:v48+s11+$0x0], $0xffff;
	[tilespmem:s21+$0x200] =	vst v25  }
0xd7: {  	v52 =	vadd.s32 v7, v49;
	[tilespmem:s21+$0x210] =	vst v26  }
0xd8: {  	v53 =	vadd.s32 v8, v49;
	[tilespmem:s21+$0x220] =	vst v27  }
0xd9: {  	[tilespmem:s21+$0x230] =	vst v28  }
0xda: {  	v54 =	vperm.xlane v20, v2;
	v28 =	vld.idx.msk [tilespmem:v50+s11+$0x0], $0xffff  }
0xdb: {  	v25 =	vld.idx.msk [tilespmem:v51+s11+$0x0], $0xffff  }
0xdc: {  	v55 =	vadd.s32 v0, v54;
	v26 =	vld.idx.msk [tilespmem:v52+s11+$0x0], $0xffff  }
0xdd: {  	v56 =	vadd.s32 v6, v54;
	v27 =	vld.idx.msk [tilespmem:v53+s11+$0x0], $0xffff;
	[tilespmem:s21+$0x280] =	vst v29  }
0xde: {  	v57 =	vadd.s32 v7, v54;
	[tilespmem:s21+$0x290] =	vst v30  }
0xdf: {  	v58 =	vadd.s32 v8, v54;
	[tilespmem:s21+$0x2A0] =	vst v31  }
0xe0: {  	[tilespmem:s21+$0x2B0] =	vst v32  }
0xe1: {  	v59 =	vperm.xlane v20, v13;
	v32 =	vld.idx.msk [tilespmem:v55+s11+$0x0], $0xffff  }
0xe2: {  	v29 =	vld.idx.msk [tilespmem:v56+s11+$0x0], $0xffff  }
0xe3: {  	v60 =	vadd.s32 v0, v59;
	v30 =	vld.idx.msk [tilespmem:v57+s11+$0x0], $0xffff  }
0xe4: {  	v61 =	vadd.s32 v6, v59;
	v31 =	vld.idx.msk [tilespmem:v58+s11+$0x0], $0xffff;
	[tilespmem:s21+$0x300] =	vst v24  }
0xe5: {  	v62 =	vadd.s32 v7, v59;
	[tilespmem:s21+$0x310] =	vst v21  }
0xe6: {  	v63 =	vadd.s32 v8, v59;
	[tilespmem:s21+$0x320] =	vst v22  }
0xe7: {  	[tilespmem:s21+$0x330] =	vst v23  }
0xe8: {  	v36 =	vperm.xlane v20, v14;
	v23 =	vld.idx.msk [tilespmem:v60+s11+$0x0], $0xffff  }
0xe9: {  	v24 =	vld.idx.msk [tilespmem:v61+s11+$0x0], $0xffff  }
0xea: {  	v37 =	vadd.s32 v0, v36;
	v21 =	vld.idx.msk [tilespmem:v62+s11+$0x0], $0xffff  }
0xeb: {  	v38 =	vadd.s32 v6, v36;
	v22 =	vld.idx.msk [tilespmem:v63+s11+$0x0], $0xffff;
	[tilespmem:s21+$0x380] =	vst v28  }
0xec: {  	v39 =	vadd.s32 v7, v36;
	[tilespmem:s21+$0x390] =	vst v25  }
0xed: {  	v40 =	vadd.s32 v8, v36;
	[tilespmem:s21+$0x3A0] =	vst v26  }
0xee: {  	[tilespmem:s21+$0x3B0] =	vst v27  }
0xef: {  	v41 =	vperm.xlane v20, v15;
	v27 =	vld.idx.msk [tilespmem:v37+s11+$0x0], $0xffff  }
0xf0: {  	v28 =	vld.idx.msk [tilespmem:v38+s11+$0x0], $0xffff  }
0xf1: {  	v42 =	vadd.s32 v0, v41;
	v25 =	vld.idx.msk [tilespmem:v39+s11+$0x0], $0xffff  }
0xf2: {  	v43 =	vadd.s32 v6, v41;
	v26 =	vld.idx.msk [tilespmem:v40+s11+$0x0], $0xffff;
	[tilespmem:s21+$0x400] =	vst v32  }
0xf3: {  	v44 =	vadd.s32 v7, v41;
	[tilespmem:s21+$0x410] =	vst v29  }
0xf4: {  	v45 =	vadd.s32 v8, v41;
	[tilespmem:s21+$0x420] =	vst v30  }
0xf5: {  	[tilespmem:s21+$0x430] =	vst v31  }
0xf6: {  	v46 =	vperm.xlane v20, v16;
	v31 =	vld.idx.msk [tilespmem:v42+s11+$0x0], $0xffff  }
0xf7: {  	v32 =	vld.idx.msk [tilespmem:v43+s11+$0x0], $0xffff  }
0xf8: {  	v47 =	vadd.s32 v0, v46;
	v29 =	vld.idx.msk [tilespmem:v44+s11+$0x0], $0xffff  }
0xf9: {  	v48 =	vadd.s32 v6, v46;
	v30 =	vld.idx.msk [tilespmem:v45+s11+$0x0], $0xffff;
	[tilespmem:s21+$0x480] =	vst v23  }
0xfa: {  	v49 =	vadd.s32 v7, v46;
	[tilespmem:s21+$0x490] =	vst v24  }
0xfb: {  	v50 =	vadd.s32 v8, v46;
	[tilespmem:s21+$0x4A0] =	vst v21  }
0xfc: {  	[tilespmem:s21+$0x4B0] =	vst v22  }
0xfd: {  	v51 =	vperm.xlane v20, v17;
	v22 =	vld.idx.msk [tilespmem:v47+s11+$0x0], $0xffff  }
0xfe: {  	v23 =	vld.idx.msk [tilespmem:v48+s11+$0x0], $0xffff  }
0xff: {  	v52 =	vadd.s32 v0, v51;
	v24 =	vld.idx.msk [tilespmem:v49+s11+$0x0], $0xffff  }
0x100: {  	v53 =	vadd.s32 v6, v51;
	v21 =	vld.idx.msk [tilespmem:v50+s11+$0x0], $0xffff;
	[tilespmem:s21+$0x500] =	vst v27  }
0x101: {  	v54 =	vadd.s32 v7, v51;
	[tilespmem:s21+$0x510] =	vst v28  }
0x102: {  	v55 =	vadd.s32 v8, v51;
	[tilespmem:s21+$0x520] =	vst v25  }
0x103: {  	[tilespmem:s21+$0x530] =	vst v26  }
0x104: {  	v56 =	vperm.xlane v20, v18;
	v26 =	vld.idx.msk [tilespmem:v52+s11+$0x0], $0xffff  }
0x105: {  	v27 =	vld.idx.msk [tilespmem:v53+s11+$0x0], $0xffff  }
0x106: {  	v57 =	vadd.s32 v0, v56;
	v28 =	vld.idx.msk [tilespmem:v54+s11+$0x0], $0xffff  }
0x107: {  	v58 =	vadd.s32 v6, v56;
	v25 =	vld.idx.msk [tilespmem:v55+s11+$0x0], $0xffff;
	[tilespmem:s21+$0x580] =	vst v31  }
0x108: {  	v59 =	vadd.s32 v7, v56;
	[tilespmem:s21+$0x590] =	vst v32  }
0x109: {  	v60 =	vadd.s32 v8, v56;
	[tilespmem:s21+$0x5A0] =	vst v29  }
0x10a: {  	[tilespmem:s21+$0x5B0] =	vst v30  }
0x10b: {  	v20 =	vperm.xlane v20, v19;
	v30 =	vld.idx.msk [tilespmem:v57+s11+$0x0], $0xffff  }
0x10c: {  	v31 =	vld.idx.msk [tilespmem:v58+s11+$0x0], $0xffff  }
0x10d: {  	v61 =	vadd.s32 v0, v20;
	v32 =	vld.idx.msk [tilespmem:v59+s11+$0x0], $0xffff  }
0x10e: {  	v62 =	vadd.s32 v6, v20;
	v29 =	vld.idx.msk [tilespmem:v60+s11+$0x0], $0xffff;
	[tilespmem:s21+$0x600] =	vst v22  }
0x10f: {  	v63 =	vadd.s32 v7, v20;
	[tilespmem:s21+$0x610] =	vst v23  }
0x110: {  	v20 =	vadd.s32 v8, v20;
	[tilespmem:s21+$0x620] =	vst v24  }
0x111: {  	[tilespmem:s21+$0x630] =	vst v21  }
0x112: {  	v21 =	vld.idx.msk [tilespmem:v61+s11+$0x0], $0xffff  }
0x113: {  	v22 =	vld.idx.msk [tilespmem:v62+s11+$0x0], $0xffff  }
0x114: {  	v23 =	vld.idx.msk [tilespmem:v63+s11+$0x0], $0xffff  }
0x115: {  	v20 =	vld.idx.msk [tilespmem:v20+s11+$0x0], $0xffff;
	[tilespmem:s21+$0x680] =	vst v26  }
0x116: {  	[tilespmem:s21+$0x690] =	vst v27  }
0x117: {  	[tilespmem:s21+$0x6A0] =	vst v28  }
0x118: {  	[tilespmem:s21+$0x6B0] =	vst v25  }
0x119: {  	[tilespmem:s21+$0x700] =	vst v30  }
0x11a: {  	s20 =	sadd.s32 $0x2, s20;
	[tilespmem:s21+$0x710] =	vst v31  }
0x11b: {  	p1 =	slt.u32 s20, $0xE;
	[tilespmem:s21+$0x720] =	vst v32  }
.Ltmp0:
0x11c: {  	[tilespmem:s21+$0x730] =	vst v29;
	(pc) =	sbr.rel @p1 .LBB2_3-.Ltmp0, $4  }
0x11d: {  	[tilespmem:s21+$0x780] =	vst v21  }
0x11e: {  	[tilespmem:s21+$0x790] =	vst v22  }
0x11f: {  	[tilespmem:s21+$0x7A0] =	vst v23  }
0x120: {  	s22 =	sadd.s32 $0x20, s22;
	[tilespmem:s21+$0x7B0] =	vst v20;
	s21 =	sadd.s32 $0x1000, s21  }
0x121: {  	s20 =	sadd.s32 s6, s19  }
0x122: {  	s20 =	sshll.u32 s20, $0x4  }
0x123: {  	s20 =	sadd.s32 s5, s20  }
0x124: {  	[hbm4b:s20+s4] =	stream.linear.scatter [tilespmem:s12], [sflag:$0x1], $0x8000, $0x38;
	[tilespmem:$0x19080] =	vst v63  }
0x125: {  	s20 =	simm.s32 @!p0 $0x1  }
0x126: {  	_ =	swait.ge @!p0 [sflag:s20], $0x8000  }
0x127: {  	s19 =	sor.u32 $0x100, s19;
	s21 =	simm.s32 $0x11880;
	[sflag:s20] =	ssyncset.done @!p0 $0x0  }
0x128: {  	s22 =	smov.u32 s16;
	[sflag:s20] =	ssyncadd.s32 @!p0 $0xFFFF8000;
	s20 =	simm.s32 $0xFFFFFFFE  }
.LBB2_5:
0x129: {  	v20 =	vor.u32 s22, v0  }
0x12a: {  	v21 =	vmulhi.u32 $0x51EB851F, v20;
	_ =	sdelay $0x1  }
0x12b: {  	v22 =	vshrl.u32 v21, $0x6  }
0x12c: {  	v22 =	vmul.u32 $0xFFFFFF38, v22;
	_ =	sdelay $0x1  }
0x12d: {  	v20 =	vadd.s32 v20, v22  }
0x12e: {  	v22 =	vshll.u32 v20, $0x3  }
0x12f: {  	v23 =	vshll.u32 v21, $0x2;
	v20 =	vand.u32 $0x7F, v20;
	v22 =	vand.u32 $0x400, v22  }
0x130: {  	v21 =	vshll.u32 v21, $0x1;
	v23 =	vand.u32 $0xFFFFF800, v23;
	v20 =	vor.u32 v20, v22  }
0x131: {  	v21 =	vand.u32 $0x380, v21;
	v20 =	vor.u32 v23, v20  }
0x132: {  	v20 =	vor.u32 v21, v20;
	_ =	sdelay $0x4  }
0x133: {  	v20 =	vld.idx.msk [tilespmem:v20+s4+$0x0], $0xffff;
	_ =	sdelay $0x7  }
0x134: {  	v20 =	vld.idx.msk [tilespmem:v20+s9+$0x0], $0xffff;
	_ =	sdelay $0x4  }
0x135: {  	v20 =	vshll.u32 v20, $0x6  }
0x136: {  	v59 =	vperm.xlane v20, v1;
	_ =	sdelay $0x1  }
0x137: {  	v60 =	vadd.s32 v0, v59  }
0x138: {  	v61 =	vadd.s32 v6, v59  }
0x139: {  	v25 =	vperm.xlane v20, v9;
	v24 =	vadd.s32 v7, v59  }
0x13a: {  	v21 =	vadd.s32 v8, v59  }
0x13b: {  	v26 =	vadd.s32 v0, v25  }
0x13c: {  	v27 =	vadd.s32 v6, v25;
	v22 =	vld.idx.msk [tilespmem:v60+s11+$0x0], $0xffff  }
0x13d: {  	v29 =	vperm.xlane v20, v10;
	v28 =	vadd.s32 v7, v25;
	v23 =	vld.idx.msk [tilespmem:v61+s11+$0x0], $0xffff  }
0x13e: {  	v25 =	vadd.s32 v8, v25;
	v24 =	vld.idx.msk [tilespmem:v24+s11+$0x0], $0xffff  }
0x13f: {  	v30 =	vadd.s32 v0, v29;
	v21 =	vld.idx.msk [tilespmem:v21+s11+$0x0], $0xffff  }
0x140: {  	v31 =	vadd.s32 v6, v29;
	v26 =	vld.idx.msk [tilespmem:v26+s11+$0x0], $0xffff  }
0x141: {  	v32 =	vadd.s32 v7, v29;
	v27 =	vld.idx.msk [tilespmem:v27+s11+$0x0], $0xffff  }
0x142: {  	v29 =	vadd.s32 v8, v29;
	v28 =	vld.idx.msk [tilespmem:v28+s11+$0x0], $0xffff  }
0x143: {  	v25 =	vld.idx.msk [tilespmem:v25+s11+$0x0], $0xffff  }
0x144: {  	v33 =	vperm.xlane v20, v3;
	v30 =	vld.idx.msk [tilespmem:v30+s11+$0x0], $0xffff  }
0x145: {  	v31 =	vld.idx.msk [tilespmem:v31+s11+$0x0], $0xffff  }
0x146: {  	v34 =	vadd.s32 v0, v33;
	v32 =	vld.idx.msk [tilespmem:v32+s11+$0x0], $0xffff  }
0x147: {  	v62 =	vadd.s32 v6, v33;
	v29 =	vld.idx.msk [tilespmem:v29+s11+$0x0], $0xffff;
	[tilespmem:s21+$0xFFFFF800] =	vst v22  }
0x148: {  	v63 =	vadd.s32 v7, v33;
	[tilespmem:s21+$0xFFFFF810] =	vst v23  }
0x149: {  	v36 =	vadd.s32 v8, v33;
	[tilespmem:s21+$0xFFFFF820] =	vst v24  }
0x14a: {  	[tilespmem:s21+$0xFFFFF830] =	vst v21  }
0x14b: {  	v37 =	vperm.xlane v20, v11;
	v21 =	vld.idx.msk [tilespmem:v34+s11+$0x0], $0xffff  }
0x14c: {  	v22 =	vld.idx.msk [tilespmem:v62+s11+$0x0], $0xffff  }
0x14d: {  	v38 =	vadd.s32 v0, v37;
	v23 =	vld.idx.msk [tilespmem:v63+s11+$0x0], $0xffff  }
0x14e: {  	v39 =	vadd.s32 v6, v37;
	v24 =	vld.idx.msk [tilespmem:v36+s11+$0x0], $0xffff;
	[tilespmem:s21+$0xFFFFF880] =	vst v26  }
0x14f: {  	v40 =	vadd.s32 v7, v37;
	[tilespmem:s21+$0xFFFFF890] =	vst v27  }
0x150: {  	v41 =	vadd.s32 v8, v37;
	[tilespmem:s21+$0xFFFFF8A0] =	vst v28  }
0x151: {  	[tilespmem:s21+$0xFFFFF8B0] =	vst v25  }
0x152: {  	v42 =	vperm.xlane v20, v12;
	v25 =	vld.idx.msk [tilespmem:v38+s11+$0x0], $0xffff  }
0x153: {  	v26 =	vld.idx.msk [tilespmem:v39+s11+$0x0], $0xffff  }
0x154: {  	v43 =	vadd.s32 v0, v42;
	v27 =	vld.idx.msk [tilespmem:v40+s11+$0x0], $0xffff  }
0x155: {  	v44 =	vadd.s32 v6, v42;
	v28 =	vld.idx.msk [tilespmem:v41+s11+$0x0], $0xffff;
	[tilespmem:s21+$0xFFFFF900] =	vst v30  }
0x156: {  	v45 =	vadd.s32 v7, v42;
	[tilespmem:s21+$0xFFFFF910] =	vst v31  }
0x157: {  	v46 =	vadd.s32 v8, v42;
	[tilespmem:s21+$0xFFFFF920] =	vst v32  }
0x158: {  	[tilespmem:s21+$0xFFFFF930] =	vst v29  }
0x159: {  	v47 =	vperm.xlane v20, v5;
	v29 =	vld.idx.msk [tilespmem:v43+s11+$0x0], $0xffff  }
0x15a: {  	v30 =	vld.idx.msk [tilespmem:v44+s11+$0x0], $0xffff  }
0x15b: {  	v48 =	vadd.s32 v0, v47;
	v31 =	vld.idx.msk [tilespmem:v45+s11+$0x0], $0xffff  }
0x15c: {  	v49 =	vadd.s32 v6, v47;
	v32 =	vld.idx.msk [tilespmem:v46+s11+$0x0], $0xffff;
	[tilespmem:s21+$0xFFFFF980] =	vst v21  }
0x15d: {  	v50 =	vadd.s32 v7, v47;
	[tilespmem:s21+$0xFFFFF990] =	vst v22  }
0x15e: {  	v51 =	vadd.s32 v8, v47;
	[tilespmem:s21+$0xFFFFF9A0] =	vst v23  }
0x15f: {  	[tilespmem:s21+$0xFFFFF9B0] =	vst v24  }
0x160: {  	v52 =	vperm.xlane v20, v4;
	v24 =	vld.idx.msk [tilespmem:v48+s11+$0x0], $0xffff  }
0x161: {  	v21 =	vld.idx.msk [tilespmem:v49+s11+$0x0], $0xffff  }
0x162: {  	v53 =	vadd.s32 v0, v52;
	v22 =	vld.idx.msk [tilespmem:v50+s11+$0x0], $0xffff  }
0x163: {  	v54 =	vadd.s32 v6, v52;
	v23 =	vld.idx.msk [tilespmem:v51+s11+$0x0], $0xffff;
	[tilespmem:s21+$0xFFFFFA00] =	vst v25  }
0x164: {  	v55 =	vadd.s32 v7, v52;
	[tilespmem:s21+$0xFFFFFA10] =	vst v26  }
0x165: {  	v56 =	vadd.s32 v8, v52;
	[tilespmem:s21+$0xFFFFFA20] =	vst v27  }
0x166: {  	[tilespmem:s21+$0xFFFFFA30] =	vst v28  }
0x167: {  	v57 =	vperm.xlane v20, v2;
	v28 =	vld.idx.msk [tilespmem:v53+s11+$0x0], $0xffff  }
0x168: {  	v25 =	vld.idx.msk [tilespmem:v54+s11+$0x0], $0xffff  }
0x169: {  	v58 =	vadd.s32 v0, v57;
	v26 =	vld.idx.msk [tilespmem:v55+s11+$0x0], $0xffff  }
0x16a: {  	v59 =	vadd.s32 v6, v57;
	v27 =	vld.idx.msk [tilespmem:v56+s11+$0x0], $0xffff;
	[tilespmem:s21+$0xFFFFFA80] =	vst v29  }
0x16b: {  	v60 =	vadd.s32 v7, v57;
	[tilespmem:s21+$0xFFFFFA90] =	vst v30  }
0x16c: {  	v61 =	vadd.s32 v8, v57;
	[tilespmem:s21+$0xFFFFFAA0] =	vst v31  }
0x16d: {  	[tilespmem:s21+$0xFFFFFAB0] =	vst v32  }
0x16e: {  	v62 =	vperm.xlane v20, v13;
	v32 =	vld.idx.msk [tilespmem:v58+s11+$0x0], $0xffff  }
0x16f: {  	v29 =	vld.idx.msk [tilespmem:v59+s11+$0x0], $0xffff  }
0x170: {  	v63 =	vadd.s32 v0, v62;
	v30 =	vld.idx.msk [tilespmem:v60+s11+$0x0], $0xffff  }
0x171: {  	v35 =	vadd.s32 v6, v62;
	v31 =	vld.idx.msk [tilespmem:v61+s11+$0x0], $0xffff;
	[tilespmem:s21+$0xFFFFFB00] =	vst v24  }
0x172: {  	v36 =	vadd.s32 v7, v62;
	[tilespmem:s21+$0xFFFFFB10] =	vst v21  }
0x173: {  	v37 =	vadd.s32 v8, v62;
	[tilespmem:s21+$0xFFFFFB20] =	vst v22  }
0x174: {  	[tilespmem:s21+$0xFFFFFB30] =	vst v23  }
0x175: {  	v38 =	vperm.xlane v20, v14;
	v23 =	vld.idx.msk [tilespmem:v63+s11+$0x0], $0xffff  }
0x176: {  	v24 =	vld.idx.msk [tilespmem:v35+s11+$0x0], $0xffff  }
0x177: {  	v39 =	vadd.s32 v0, v38;
	v21 =	vld.idx.msk [tilespmem:v36+s11+$0x0], $0xffff  }
0x178: {  	v40 =	vadd.s32 v6, v38;
	v22 =	vld.idx.msk [tilespmem:v37+s11+$0x0], $0xffff;
	[tilespmem:s21+$0xFFFFFB80] =	vst v28  }
0x179: {  	v41 =	vadd.s32 v7, v38;
	[tilespmem:s21+$0xFFFFFB90] =	vst v25  }
0x17a: {  	v42 =	vadd.s32 v8, v38;
	[tilespmem:s21+$0xFFFFFBA0] =	vst v26  }
0x17b: {  	[tilespmem:s21+$0xFFFFFBB0] =	vst v27  }
0x17c: {  	v43 =	vperm.xlane v20, v15;
	v27 =	vld.idx.msk [tilespmem:v39+s11+$0x0], $0xffff  }
0x17d: {  	v28 =	vld.idx.msk [tilespmem:v40+s11+$0x0], $0xffff  }
0x17e: {  	v44 =	vadd.s32 v0, v43;
	v25 =	vld.idx.msk [tilespmem:v41+s11+$0x0], $0xffff  }
0x17f: {  	v45 =	vadd.s32 v6, v43;
	v26 =	vld.idx.msk [tilespmem:v42+s11+$0x0], $0xffff;
	[tilespmem:s21+$0xFFFFFC00] =	vst v32  }
0x180: {  	v46 =	vadd.s32 v7, v43;
	[tilespmem:s21+$0xFFFFFC10] =	vst v29  }
0x181: {  	v47 =	vadd.s32 v8, v43;
	[tilespmem:s21+$0xFFFFFC20] =	vst v30  }
0x182: {  	[tilespmem:s21+$0xFFFFFC30] =	vst v31  }
0x183: {  	v48 =	vperm.xlane v20, v16;
	v31 =	vld.idx.msk [tilespmem:v44+s11+$0x0], $0xffff  }
0x184: {  	v32 =	vld.idx.msk [tilespmem:v45+s11+$0x0], $0xffff  }
0x185: {  	v49 =	vadd.s32 v0, v48;
	v29 =	vld.idx.msk [tilespmem:v46+s11+$0x0], $0xffff  }
0x186: {  	v50 =	vadd.s32 v6, v48;
	v30 =	vld.idx.msk [tilespmem:v47+s11+$0x0], $0xffff;
	[tilespmem:s21+$0xFFFFFC80] =	vst v23  }
0x187: {  	v51 =	vadd.s32 v7, v48;
	[tilespmem:s21+$0xFFFFFC90] =	vst v24  }
0x188: {  	v52 =	vadd.s32 v8, v48;
	[tilespmem:s21+$0xFFFFFCA0] =	vst v21  }
0x189: {  	[tilespmem:s21+$0xFFFFFCB0] =	vst v22  }
0x18a: {  	v53 =	vperm.xlane v20, v17;
	v22 =	vld.idx.msk [tilespmem:v49+s11+$0x0], $0xffff  }
0x18b: {  	v23 =	vld.idx.msk [tilespmem:v50+s11+$0x0], $0xffff  }
0x18c: {  	v54 =	vadd.s32 v0, v53;
	v24 =	vld.idx.msk [tilespmem:v51+s11+$0x0], $0xffff  }
0x18d: {  	v55 =	vadd.s32 v6, v53;
	v21 =	vld.idx.msk [tilespmem:v52+s11+$0x0], $0xffff;
	[tilespmem:s21+$0xFFFFFD00] =	vst v27  }
0x18e: {  	v56 =	vadd.s32 v7, v53;
	[tilespmem:s21+$0xFFFFFD10] =	vst v28  }
0x18f: {  	v57 =	vadd.s32 v8, v53;
	[tilespmem:s21+$0xFFFFFD20] =	vst v25  }
0x190: {  	[tilespmem:s21+$0xFFFFFD30] =	vst v26  }
0x191: {  	v58 =	vperm.xlane v20, v18;
	v26 =	vld.idx.msk [tilespmem:v54+s11+$0x0], $0xffff  }
0x192: {  	v27 =	vld.idx.msk [tilespmem:v55+s11+$0x0], $0xffff  }
0x193: {  	v59 =	vadd.s32 v0, v58;
	v28 =	vld.idx.msk [tilespmem:v56+s11+$0x0], $0xffff  }
0x194: {  	v60 =	vadd.s32 v6, v58;
	v25 =	vld.idx.msk [tilespmem:v57+s11+$0x0], $0xffff;
	[tilespmem:s21+$0xFFFFFD80] =	vst v31  }
0x195: {  	v61 =	vadd.s32 v7, v58;
	[tilespmem:s21+$0xFFFFFD90] =	vst v32  }
0x196: {  	v62 =	vadd.s32 v8, v58;
	[tilespmem:s21+$0xFFFFFDA0] =	vst v29  }
0x197: {  	[tilespmem:s21+$0xFFFFFDB0] =	vst v30  }
0x198: {  	v20 =	vperm.xlane v20, v19;
	v30 =	vld.idx.msk [tilespmem:v59+s11+$0x0], $0xffff  }
0x199: {  	v31 =	vld.idx.msk [tilespmem:v60+s11+$0x0], $0xffff  }
0x19a: {  	v63 =	vadd.s32 v0, v20;
	v32 =	vld.idx.msk [tilespmem:v61+s11+$0x0], $0xffff  }
0x19b: {  	v35 =	vadd.s32 v6, v20;
	v29 =	vld.idx.msk [tilespmem:v62+s11+$0x0], $0xffff;
	[tilespmem:s21+$0xFFFFFE00] =	vst v22  }
0x19c: {  	v36 =	vadd.s32 v7, v20;
	[tilespmem:s21+$0xFFFFFE10] =	vst v23  }
0x19d: {  	s23 =	sadd.s32 $0x10, s22;
	v20 =	vadd.s32 v8, v20;
	[tilespmem:s21+$0xFFFFFE20] =	vst v24  }
0x19e: {  	v37 =	vor.u32 s23, v0;
	[tilespmem:s21+$0xFFFFFE30] =	vst v21  }
0x19f: {  	v38 =	vmulhi.u32 $0x51EB851F, v37;
	v21 =	vld.idx.msk [tilespmem:v63+s11+$0x0], $0xffff  }
0x1a0: {  	v22 =	vld.idx.msk [tilespmem:v35+s11+$0x0], $0xffff  }
0x1a1: {  	v39 =	vshrl.u32 v38, $0x6;
	v23 =	vld.idx.msk [tilespmem:v36+s11+$0x0], $0xffff  }
0x1a2: {  	v40 =	vmul.u32 $0xFFFFFF38, v39;
	v20 =	vld.idx.msk [tilespmem:v20+s11+$0x0], $0xffff;
	[tilespmem:s21+$0xFFFFFE80] =	vst v26  }
0x1a3: {  	[tilespmem:s21+$0xFFFFFE90] =	vst v27  }
0x1a4: {  	v24 =	vadd.s32 v37, v40;
	[tilespmem:s21+$0xFFFFFEA0] =	vst v28  }
0x1a5: {  	[tilespmem:s21+$0xFFFFFEB0] =	vst v25;
	v41 =	vshll.u32 v24, $0x3  }
0x1a6: {  	v42 =	vshll.u32 v38, $0x2;
	v24 =	vand.u32 $0x7F, v24;
	[tilespmem:s21+$0xFFFFFF00] =	vst v30;
	v25 =	vand.u32 $0x400, v41  }
0x1a7: {  	v43 =	vshll.u32 v38, $0x1;
	v26 =	vand.u32 $0xFFFFF800, v42;
	[tilespmem:s21+$0xFFFFFF10] =	vst v31;
	v24 =	vor.u32 v24, v25  }
0x1a8: {  	v44 =	vand.u32 $0x380, v43;
	[tilespmem:s21+$0xFFFFFF20] =	vst v32;
	v24 =	vor.u32 v26, v24  }
0x1a9: {  	[tilespmem:s21+$0xFFFFFF30] =	vst v29;
	v24 =	vor.u32 v44, v24  }
0x1aa: {  	[tilespmem:s21+$0xFFFFFF80] =	vst v21  }
0x1ab: {  	[tilespmem:s21+$0xFFFFFF90] =	vst v22  }
0x1ac: {  	[tilespmem:s21+$0xFFFFFFA0] =	vst v23  }
0x1ad: {  	[tilespmem:s21+$0xFFFFFFB0] =	vst v20  }
0x1ae: {  	v20 =	vld.idx.msk [tilespmem:v24+s4+$0x0], $0xffff;
	_ =	sdelay $0x7  }
0x1af: {  	v20 =	vld.idx.msk [tilespmem:v20+s9+$0x0], $0xffff;
	_ =	sdelay $0x4  }
0x1b0: {  	v20 =	vshll.u32 v20, $0x6  }
0x1b1: {  	v45 =	vperm.xlane v20, v1;
	_ =	sdelay $0x1  }
0x1b2: {  	v46 =	vadd.s32 v0, v45  }
0x1b3: {  	v47 =	vadd.s32 v6, v45  }
0x1b4: {  	v49 =	vperm.xlane v20, v9;
	v48 =	vadd.s32 v7, v45  }
0x1b5: {  	v21 =	vadd.s32 v8, v45  }
0x1b6: {  	v50 =	vadd.s32 v0, v49  }
0x1b7: {  	v51 =	vadd.s32 v6, v49;
	v22 =	vld.idx.msk [tilespmem:v46+s11+$0x0], $0xffff  }
0x1b8: {  	v53 =	vperm.xlane v20, v10;
	v52 =	vadd.s32 v7, v49;
	v23 =	vld.idx.msk [tilespmem:v47+s11+$0x0], $0xffff  }
0x1b9: {  	v25 =	vadd.s32 v8, v49;
	v24 =	vld.idx.msk [tilespmem:v48+s11+$0x0], $0xffff  }
0x1ba: {  	v54 =	vadd.s32 v0, v53;
	v21 =	vld.idx.msk [tilespmem:v21+s11+$0x0], $0xffff  }
0x1bb: {  	v55 =	vadd.s32 v6, v53;
	v26 =	vld.idx.msk [tilespmem:v50+s11+$0x0], $0xffff  }
0x1bc: {  	v56 =	vadd.s32 v7, v53;
	v27 =	vld.idx.msk [tilespmem:v51+s11+$0x0], $0xffff  }
0x1bd: {  	v29 =	vadd.s32 v8, v53;
	v28 =	vld.idx.msk [tilespmem:v52+s11+$0x0], $0xffff  }
0x1be: {  	v25 =	vld.idx.msk [tilespmem:v25+s11+$0x0], $0xffff  }
0x1bf: {  	v57 =	vperm.xlane v20, v3;
	v30 =	vld.idx.msk [tilespmem:v54+s11+$0x0], $0xffff  }
0x1c0: {  	v31 =	vld.idx.msk [tilespmem:v55+s11+$0x0], $0xffff  }
0x1c1: {  	v58 =	vadd.s32 v0, v57;
	v32 =	vld.idx.msk [tilespmem:v56+s11+$0x0], $0xffff  }
0x1c2: {  	v59 =	vadd.s32 v6, v57;
	v29 =	vld.idx.msk [tilespmem:v29+s11+$0x0], $0xffff;
	[tilespmem:s21+$0x0] =	vst v22  }
0x1c3: {  	v60 =	vadd.s32 v7, v57;
	[tilespmem:s21+$0x10] =	vst v23  }
0x1c4: {  	v61 =	vadd.s32 v8, v57;
	[tilespmem:s21+$0x20] =	vst v24  }
0x1c5: {  	[tilespmem:s21+$0x30] =	vst v21  }
0x1c6: {  	v62 =	vperm.xlane v20, v11;
	v21 =	vld.idx.msk [tilespmem:v58+s11+$0x0], $0xffff  }
0x1c7: {  	v22 =	vld.idx.msk [tilespmem:v59+s11+$0x0], $0xffff  }
0x1c8: {  	v63 =	vadd.s32 v0, v62;
	v23 =	vld.idx.msk [tilespmem:v60+s11+$0x0], $0xffff  }
0x1c9: {  	v36 =	vadd.s32 v6, v62;
	v24 =	vld.idx.msk [tilespmem:v61+s11+$0x0], $0xffff;
	[tilespmem:s21+$0x80] =	vst v26  }
0x1ca: {  	v37 =	vadd.s32 v7, v62;
	[tilespmem:s21+$0x90] =	vst v27  }
0x1cb: {  	v38 =	vadd.s32 v8, v62;
	[tilespmem:s21+$0xA0] =	vst v28  }
0x1cc: {  	[tilespmem:s21+$0xB0] =	vst v25  }
0x1cd: {  	v39 =	vperm.xlane v20, v12;
	v25 =	vld.idx.msk [tilespmem:v63+s11+$0x0], $0xffff  }
0x1ce: {  	v26 =	vld.idx.msk [tilespmem:v36+s11+$0x0], $0xffff  }
0x1cf: {  	v40 =	vadd.s32 v0, v39;
	v27 =	vld.idx.msk [tilespmem:v37+s11+$0x0], $0xffff  }
0x1d0: {  	v41 =	vadd.s32 v6, v39;
	v28 =	vld.idx.msk [tilespmem:v38+s11+$0x0], $0xffff;
	[tilespmem:s21+$0x100] =	vst v30  }
0x1d1: {  	v42 =	vadd.s32 v7, v39;
	[tilespmem:s21+$0x110] =	vst v31  }
0x1d2: {  	v43 =	vadd.s32 v8, v39;
	[tilespmem:s21+$0x120] =	vst v32  }
0x1d3: {  	[tilespmem:s21+$0x130] =	vst v29  }
0x1d4: {  	v44 =	vperm.xlane v20, v5;
	v29 =	vld.idx.msk [tilespmem:v40+s11+$0x0], $0xffff  }
0x1d5: {  	v30 =	vld.idx.msk [tilespmem:v41+s11+$0x0], $0xffff  }
0x1d6: {  	v45 =	vadd.s32 v0, v44;
	v31 =	vld.idx.msk [tilespmem:v42+s11+$0x0], $0xffff  }
0x1d7: {  	v46 =	vadd.s32 v6, v44;
	v32 =	vld.idx.msk [tilespmem:v43+s11+$0x0], $0xffff;
	[tilespmem:s21+$0x180] =	vst v21  }
0x1d8: {  	v47 =	vadd.s32 v7, v44;
	[tilespmem:s21+$0x190] =	vst v22  }
0x1d9: {  	v48 =	vadd.s32 v8, v44;
	[tilespmem:s21+$0x1A0] =	vst v23  }
0x1da: {  	[tilespmem:s21+$0x1B0] =	vst v24  }
0x1db: {  	v49 =	vperm.xlane v20, v4;
	v24 =	vld.idx.msk [tilespmem:v45+s11+$0x0], $0xffff  }
0x1dc: {  	v21 =	vld.idx.msk [tilespmem:v46+s11+$0x0], $0xffff  }
0x1dd: {  	v50 =	vadd.s32 v0, v49;
	v22 =	vld.idx.msk [tilespmem:v47+s11+$0x0], $0xffff  }
0x1de: {  	v51 =	vadd.s32 v6, v49;
	v23 =	vld.idx.msk [tilespmem:v48+s11+$0x0], $0xffff;
	[tilespmem:s21+$0x200] =	vst v25  }
0x1df: {  	v52 =	vadd.s32 v7, v49;
	[tilespmem:s21+$0x210] =	vst v26  }
0x1e0: {  	v53 =	vadd.s32 v8, v49;
	[tilespmem:s21+$0x220] =	vst v27  }
0x1e1: {  	[tilespmem:s21+$0x230] =	vst v28  }
0x1e2: {  	v54 =	vperm.xlane v20, v2;
	v28 =	vld.idx.msk [tilespmem:v50+s11+$0x0], $0xffff  }
0x1e3: {  	v25 =	vld.idx.msk [tilespmem:v51+s11+$0x0], $0xffff  }
0x1e4: {  	v55 =	vadd.s32 v0, v54;
	v26 =	vld.idx.msk [tilespmem:v52+s11+$0x0], $0xffff  }
0x1e5: {  	v56 =	vadd.s32 v6, v54;
	v27 =	vld.idx.msk [tilespmem:v53+s11+$0x0], $0xffff;
	[tilespmem:s21+$0x280] =	vst v29  }
0x1e6: {  	v57 =	vadd.s32 v7, v54;
	[tilespmem:s21+$0x290] =	vst v30  }
0x1e7: {  	v58 =	vadd.s32 v8, v54;
	[tilespmem:s21+$0x2A0] =	vst v31  }
0x1e8: {  	[tilespmem:s21+$0x2B0] =	vst v32  }
0x1e9: {  	v59 =	vperm.xlane v20, v13;
	v32 =	vld.idx.msk [tilespmem:v55+s11+$0x0], $0xffff  }
0x1ea: {  	v29 =	vld.idx.msk [tilespmem:v56+s11+$0x0], $0xffff  }
0x1eb: {  	v60 =	vadd.s32 v0, v59;
	v30 =	vld.idx.msk [tilespmem:v57+s11+$0x0], $0xffff  }
0x1ec: {  	v61 =	vadd.s32 v6, v59;
	v31 =	vld.idx.msk [tilespmem:v58+s11+$0x0], $0xffff;
	[tilespmem:s21+$0x300] =	vst v24  }
0x1ed: {  	v62 =	vadd.s32 v7, v59;
	[tilespmem:s21+$0x310] =	vst v21  }
0x1ee: {  	v63 =	vadd.s32 v8, v59;
	[tilespmem:s21+$0x320] =	vst v22  }
0x1ef: {  	[tilespmem:s21+$0x330] =	vst v23  }
0x1f0: {  	v36 =	vperm.xlane v20, v14;
	v23 =	vld.idx.msk [tilespmem:v60+s11+$0x0], $0xffff  }
0x1f1: {  	v24 =	vld.idx.msk [tilespmem:v61+s11+$0x0], $0xffff  }
0x1f2: {  	v37 =	vadd.s32 v0, v36;
	v21 =	vld.idx.msk [tilespmem:v62+s11+$0x0], $0xffff  }
0x1f3: {  	v38 =	vadd.s32 v6, v36;
	v22 =	vld.idx.msk [tilespmem:v63+s11+$0x0], $0xffff;
	[tilespmem:s21+$0x380] =	vst v28  }
0x1f4: {  	v39 =	vadd.s32 v7, v36;
	[tilespmem:s21+$0x390] =	vst v25  }
0x1f5: {  	v40 =	vadd.s32 v8, v36;
	[tilespmem:s21+$0x3A0] =	vst v26  }
0x1f6: {  	[tilespmem:s21+$0x3B0] =	vst v27  }
0x1f7: {  	v41 =	vperm.xlane v20, v15;
	v27 =	vld.idx.msk [tilespmem:v37+s11+$0x0], $0xffff  }
0x1f8: {  	v28 =	vld.idx.msk [tilespmem:v38+s11+$0x0], $0xffff  }
0x1f9: {  	v42 =	vadd.s32 v0, v41;
	v25 =	vld.idx.msk [tilespmem:v39+s11+$0x0], $0xffff  }
0x1fa: {  	v43 =	vadd.s32 v6, v41;
	v26 =	vld.idx.msk [tilespmem:v40+s11+$0x0], $0xffff;
	[tilespmem:s21+$0x400] =	vst v32  }
0x1fb: {  	v44 =	vadd.s32 v7, v41;
	[tilespmem:s21+$0x410] =	vst v29  }
0x1fc: {  	v45 =	vadd.s32 v8, v41;
	[tilespmem:s21+$0x420] =	vst v30  }
0x1fd: {  	[tilespmem:s21+$0x430] =	vst v31  }
0x1fe: {  	v46 =	vperm.xlane v20, v16;
	v31 =	vld.idx.msk [tilespmem:v42+s11+$0x0], $0xffff  }
0x1ff: {  	v32 =	vld.idx.msk [tilespmem:v43+s11+$0x0], $0xffff  }
0x200: {  	v47 =	vadd.s32 v0, v46;
	v29 =	vld.idx.msk [tilespmem:v44+s11+$0x0], $0xffff  }
0x201: {  	v48 =	vadd.s32 v6, v46;
	v30 =	vld.idx.msk [tilespmem:v45+s11+$0x0], $0xffff;
	[tilespmem:s21+$0x480] =	vst v23  }
0x202: {  	v49 =	vadd.s32 v7, v46;
	[tilespmem:s21+$0x490] =	vst v24  }
0x203: {  	v50 =	vadd.s32 v8, v46;
	[tilespmem:s21+$0x4A0] =	vst v21  }
0x204: {  	[tilespmem:s21+$0x4B0] =	vst v22  }
0x205: {  	v51 =	vperm.xlane v20, v17;
	v22 =	vld.idx.msk [tilespmem:v47+s11+$0x0], $0xffff  }
0x206: {  	v23 =	vld.idx.msk [tilespmem:v48+s11+$0x0], $0xffff  }
0x207: {  	v52 =	vadd.s32 v0, v51;
	v24 =	vld.idx.msk [tilespmem:v49+s11+$0x0], $0xffff  }
0x208: {  	v53 =	vadd.s32 v6, v51;
	v21 =	vld.idx.msk [tilespmem:v50+s11+$0x0], $0xffff;
	[tilespmem:s21+$0x500] =	vst v27  }
0x209: {  	v54 =	vadd.s32 v7, v51;
	[tilespmem:s21+$0x510] =	vst v28  }
0x20a: {  	v55 =	vadd.s32 v8, v51;
	[tilespmem:s21+$0x520] =	vst v25  }
0x20b: {  	[tilespmem:s21+$0x530] =	vst v26  }
0x20c: {  	v56 =	vperm.xlane v20, v18;
	v26 =	vld.idx.msk [tilespmem:v52+s11+$0x0], $0xffff  }
0x20d: {  	v27 =	vld.idx.msk [tilespmem:v53+s11+$0x0], $0xffff  }
0x20e: {  	v57 =	vadd.s32 v0, v56;
	v28 =	vld.idx.msk [tilespmem:v54+s11+$0x0], $0xffff  }
0x20f: {  	v58 =	vadd.s32 v6, v56;
	v25 =	vld.idx.msk [tilespmem:v55+s11+$0x0], $0xffff;
	[tilespmem:s21+$0x580] =	vst v31  }
0x210: {  	v59 =	vadd.s32 v7, v56;
	[tilespmem:s21+$0x590] =	vst v32  }
0x211: {  	v60 =	vadd.s32 v8, v56;
	[tilespmem:s21+$0x5A0] =	vst v29  }
0x212: {  	[tilespmem:s21+$0x5B0] =	vst v30  }
0x213: {  	v20 =	vperm.xlane v20, v19;
	v30 =	vld.idx.msk [tilespmem:v57+s11+$0x0], $0xffff  }
0x214: {  	v31 =	vld.idx.msk [tilespmem:v58+s11+$0x0], $0xffff  }
0x215: {  	v61 =	vadd.s32 v0, v20;
	v32 =	vld.idx.msk [tilespmem:v59+s11+$0x0], $0xffff  }
0x216: {  	v62 =	vadd.s32 v6, v20;
	v29 =	vld.idx.msk [tilespmem:v60+s11+$0x0], $0xffff;
	[tilespmem:s21+$0x600] =	vst v22  }
0x217: {  	v63 =	vadd.s32 v7, v20;
	[tilespmem:s21+$0x610] =	vst v23  }
0x218: {  	v20 =	vadd.s32 v8, v20;
	[tilespmem:s21+$0x620] =	vst v24  }
0x219: {  	[tilespmem:s21+$0x630] =	vst v21  }
0x21a: {  	v21 =	vld.idx.msk [tilespmem:v61+s11+$0x0], $0xffff  }
0x21b: {  	v22 =	vld.idx.msk [tilespmem:v62+s11+$0x0], $0xffff  }
0x21c: {  	v23 =	vld.idx.msk [tilespmem:v63+s11+$0x0], $0xffff  }
0x21d: {  	v20 =	vld.idx.msk [tilespmem:v20+s11+$0x0], $0xffff;
	[tilespmem:s21+$0x680] =	vst v26  }
0x21e: {  	[tilespmem:s21+$0x690] =	vst v27  }
0x21f: {  	[tilespmem:s21+$0x6A0] =	vst v28  }
0x220: {  	[tilespmem:s21+$0x6B0] =	vst v25  }
0x221: {  	[tilespmem:s21+$0x700] =	vst v30  }
0x222: {  	s20 =	sadd.s32 $0x2, s20;
	[tilespmem:s21+$0x710] =	vst v31  }
0x223: {  	p0 =	slt.u32 s20, $0xE;
	[tilespmem:s21+$0x720] =	vst v32  }
.Ltmp1:
0x224: {  	[tilespmem:s21+$0x730] =	vst v29;
	(pc) =	sbr.rel @p0 .LBB2_5-.Ltmp1, $4  }
0x225: {  	[tilespmem:s21+$0x780] =	vst v21  }
0x226: {  	[tilespmem:s21+$0x790] =	vst v22  }
0x227: {  	[tilespmem:s21+$0x7A0] =	vst v23  }
0x228: {  	s22 =	sadd.s32 $0x20, s22;
	[tilespmem:s21+$0x7B0] =	vst v20;
	s21 =	sadd.s32 $0x1000, s21  }
0x229: {  	s18 =	sadd.s32 $0x1, s18  }
0x22a: {  	p0 =	sne.s32 s18, $0x32  }
.Ltmp2:
0x22b: {  	_ = 	snop;
	(pc) =	sbr.rel @p0 .LBB2_2-.Ltmp2, $4  }
0x22c: {  	s19 =	sadd.s32 s6, s19  }
0x22d: {  	s19 =	sshll.u32 s19, $0x4  }
0x22e: {  	s17 =	sadd.s32 $0x200, s17;
	s16 =	sadd.s32 $0x200, s16;
	s19 =	sadd.s32 s5, s19  }
0x22f: {  	[hbm4b:s19+s4] =	stream.linear.scatter [tilespmem:s13], [sflag:$0x1], $0x8000, $0x38;
	[tilespmem:$0x19080] =	vst v63  }
0x230: {  	s15 =	sadd.s32 $0x1, s15  }
0x231: {  	_ =	swait.ge [sflag:s14], $0x8000;
	p0 =	sne.s32 s15, s8  }
.Ltmp3:
0x232: {  	[sflag:s14] =	ssyncset.done $0x0;
	(pc) =	sbr.rel @p0 .LBB2_1-.Ltmp3, $4  }
0x233: {  	[sflag:s14] =	ssyncadd.s32 $0xFFFF8000  }
0x234: {  	_ =	swait.ge [sflag:s14], $0x8000  }
0x235: {  	[sflag:s14] =	ssyncset.done $0x0  }
0x236: {  	[sflag:s14] =	ssyncadd.s32 $0xFFFF8000  }
0x237: {  	_ =	sfence.sel $0x180000  }
0x238: {  	[bflag:$0x0] =	sbarrier.arrive $0xFFFF  }
0x239: {  	p0 =	sne.s32 s3, $0x0;
	_ =	strace $0x90000047  }
0x23a: {  	s0 =	sadd.s32 @!p0 $0x100000, s0;
	[bflag:$0x2] =	sbarrier.arrive $0xFFFF  }
0x23b: {  	[sflag:s0] =	ssyncadd.tile.s32 @!p0 $0x1;
	_ =	shalt  }
.Lfunc_end2:
_tile_overlayer_lowered:
.L_overlay_start_2:
0x23c: {  	(tag) =	ssettag $0x2  }
0x23d: {  	s0 =	rddreg [dreg:$0x0];
	s2 =	stileid.u32  }
0x23e: {  	s1 =	rddreg [dreg:$0x1];
	p0 =	sne.s32 s2, $0x0  }
0x23f: {  	s3 =	rddreg [dreg:$0x2];
	[bflag:$0x3] =	sbarrier.arrive $0xFFFF;
	s2 =	simm.s32 @!p0 $0x1C02  }
0x240: {  	[timem:s3], [sflag:s2] =	dma.local @!p0 [hbm:s0], s1  }
0x241: {  	s0 =	simm.s32 @!p0 $0x2  }
0x242: {  	_ =	swait.ge @!p0 [sflag:s0], s1  }
0x243: {  	s1 =	ssub.s32 @!p0 $0x0, s1;
	[sflag:s0] =	ssyncset.done @!p0 $0x0  }
0x244: {  	[sflag:s0] =	ssyncadd.s32 @!p0 s1  }
0x245: {  	[bflag:$0x3] =	sbarrier.arrive $0xFFFF  }
0x246: {  	_ =	shalt  }

</sc_bundles>
